<compile_context>
chip_gen: v7x
topology: tpu7x:2x2x1
jax: 0.10.2.dev20260603
libtpu: 0.0.44.dev20260713+nightly
codegen_flags: <defaults>
</compile_context>

<pallas_src>
import functools

import jax
import jax.numpy as jnp
from jax import lax
from jax.experimental import pallas as pl
from jax.experimental.pallas import tpu as pltpu
from jax.experimental.pallas import tpu_sc as plsc

NUM_CORES = 2
NUM_SUBCORES = 16
NUM_TILES = NUM_CORES * NUM_SUBCORES
CHUNK = 128
NBUF = 4
HIST_W = 16
IDXB = 39



def _sc_degree_body(n_acc, n_chunks, eidx_hbm, out_hbm, dst_v, ones_v,
                    zero_v, acc):
    cid = lax.axis_index("c")
    sid = lax.axis_index("s")
    w = cid * NUM_SUBCORES + sid
    base = n_chunks // NUM_TILES
    rem = n_chunks % NUM_TILES
    off = base * w + jnp.minimum(w, rem)
    rows_per_tile = n_acc // NUM_SUBCORES

    def fill(i, carry):
        ones_v[i, :] = jnp.full((16,), 1.0, jnp.float32)
        zero_v[i, :] = jnp.zeros((16,), jnp.float32)
        return carry

    lax.fori_loop(0, CHUNK, fill, 0)

    def zero(j, carry):
        pltpu.sync_copy(
            zero_v, acc.at[pl.ds(sid * rows_per_tile + j * CHUNK, CHUNK)])
        return carry

    lax.fori_loop(0, rows_per_tile // CHUNK, zero, 0)
    pltpu.sync_copy(eidx_hbm.at[1, pl.ds(off * CHUNK, base * CHUNK)],
                    dst_v.at[pl.ds(0, base * CHUNK)])
    if rem:
        @pl.when(w < rem)
        def _():
            pltpu.sync_copy(
                eidx_hbm.at[1, pl.ds((off + base) * CHUNK, CHUNK)],
                dst_v.at[pl.ds(base * CHUNK, CHUNK)])

    plsc.subcore_barrier()

    def body(j, carry):
        pltpu.sync_copy(
            ones_v, acc.at[dst_v.at[pl.ds(j * CHUNK, CHUNK)]], add=True)
        return carry

    lax.fori_loop(0, base, body, 0)
    if rem:
        @pl.when(w < rem)
        def _():
            pltpu.sync_copy(
                ones_v, acc.at[dst_v.at[pl.ds(base * CHUNK, CHUNK)]],
                add=True)

    plsc.subcore_barrier()
    pltpu.sync_copy(
        acc.at[pl.ds(sid * rows_per_tile, rows_per_tile)],
        out_hbm.at[cid, pl.ds(sid * rows_per_tile, rows_per_tile)])


def _make_sc_degree(n_acc, n_chunks):
    mesh = plsc.VectorSubcoreMesh(core_axis_name="c", subcore_axis_name="s")
    max_c = n_chunks // NUM_TILES + (1 if n_chunks % NUM_TILES else 0)
    return pl.kernel(
        functools.partial(_sc_degree_body, n_acc, n_chunks),
        out_type=jax.ShapeDtypeStruct((NUM_CORES, n_acc, HIST_W), jnp.float32),
        mesh=mesh,
        compiler_params=pltpu.CompilerParams(use_tc_tiling_on_sc=False),
        scratch_types=[
            pltpu.VMEM((max_c * CHUNK,), jnp.int32),
            pltpu.VMEM((CHUNK, HIST_W), jnp.float32),
            pltpu.VMEM((CHUNK, HIST_W), jnp.float32),
            pltpu.VMEM_SHARED((n_acc, HIST_W), jnp.float32),
        ],
    )


def _sc_gs_body(n_acc, col_split, n_chunks, hs_hbm, eidx_hbm, out_hbm, *rest):
    src_v, dst_v, rows = rest[:3]
    table, acc = rest[3:5]
    semg = rest[5:5 + NBUF]
    sem_stage = rest[5 + NBUF]
    cid = lax.axis_index("c")
    sid = lax.axis_index("s")
    feat = rows.shape[2]
    rows_per_tile = n_acc // NUM_SUBCORES
    stage_rows = table.shape[0] // NUM_SUBCORES
    col0 = cid * feat if col_split else 0
    n_own = NUM_SUBCORES if col_split else NUM_TILES
    w = sid if col_split else cid * NUM_SUBCORES + sid
    base = n_chunks // n_own
    rem = n_chunks % n_own
    off = base * w + jnp.minimum(w, rem)

    pltpu.async_copy(
        hs_hbm.at[pl.ds(sid * stage_rows, stage_rows), pl.ds(col0, feat)],
        table.at[pl.ds(sid * stage_rows, stage_rows)], sem_stage)

    def fill(i, carry):
        for c in range(feat // 16):
            rows[0, i, pl.ds(c * 16, 16)] = jnp.zeros((16,), jnp.float32)
        return carry

    lax.fori_loop(0, CHUNK, fill, 0)

    def zero(j, carry):
        pltpu.sync_copy(
            rows.at[0], acc.at[pl.ds(sid * rows_per_tile + j * CHUNK, CHUNK)])
        return carry

    lax.fori_loop(0, rows_per_tile // CHUNK, zero, 0)
    pltpu.make_async_copy(
        hs_hbm.at[pl.ds(sid * stage_rows, stage_rows), pl.ds(col0, feat)],
        table.at[pl.ds(sid * stage_rows, stage_rows)], sem_stage).wait()
    plsc.subcore_barrier()

    def run_seg(seg_len, chunk0):
        if seg_len == 0:
            return
        pltpu.sync_copy(eidx_hbm.at[0, pl.ds(chunk0 * CHUNK, seg_len * CHUNK)],
                        src_v.at[pl.ds(0, seg_len * CHUNK)])
        pltpu.sync_copy(eidx_hbm.at[1, pl.ds(chunk0 * CHUNK, seg_len * CHUNK)],
                        dst_v.at[pl.ds(0, seg_len * CHUNK)])
        for b in range(min(NBUF, seg_len)):
            pltpu.async_copy(
                table.at[src_v.at[pl.ds(b * CHUNK, CHUNK)]], rows.at[b],
                semg[b])

        def step(j, b):
            pltpu.make_async_copy(
                table.at[src_v.at[pl.ds(j * CHUNK, CHUNK)]], rows.at[b],
                semg[b]).wait()
            pltpu.sync_copy(
                rows.at[b], acc.at[dst_v.at[pl.ds(j * CHUNK, CHUNK)]],
                add=True)

            @pl.when(j + NBUF < seg_len)
            def _():
                pltpu.async_copy(
                    table.at[src_v.at[pl.ds((j + NBUF) * CHUNK, CHUNK)]],
                    rows.at[b], semg[b])

        if seg_len // NBUF:
            def body(t, carry):
                for b in range(NBUF):
                    step(NBUF * t + b, b)
                return carry

            lax.fori_loop(0, seg_len // NBUF, body, 0)
        for b in range(seg_len % NBUF):
            step((seg_len // NBUF) * NBUF + b, b)

    def group(g, carry):
        run_seg(IDXB, off + g * IDXB)
        return carry

    if base // IDXB:
        lax.fori_loop(0, base // IDXB, group, 0)
    run_seg(base % IDXB, off + (base // IDXB) * IDXB)
    if rem:
        @pl.when(w < rem)
        def _():
            run_seg(1, off + base)

    plsc.subcore_barrier()
    pltpu.sync_copy(
        acc.at[pl.ds(sid * rows_per_tile, rows_per_tile)],
        out_hbm.at[pl.ds(sid * rows_per_tile, rows_per_tile),
                   pl.ds(cid * feat, feat)])


def _make_sc_gs(n_acc, n_table, feat, col_split, n_chunks):
    mesh = plsc.VectorSubcoreMesh(core_axis_name="c", subcore_axis_name="s")
    return pl.kernel(
        functools.partial(_sc_gs_body, n_acc, col_split, n_chunks),
        out_type=jax.ShapeDtypeStruct((n_acc, 2 * feat), jnp.float32),
        mesh=mesh,
        compiler_params=pltpu.CompilerParams(use_tc_tiling_on_sc=False),
        scratch_types=[
            pltpu.VMEM((IDXB * CHUNK,), jnp.int32),
            pltpu.VMEM((IDXB * CHUNK,), jnp.int32),
            pltpu.VMEM((NBUF, CHUNK, feat), jnp.float32),
            pltpu.VMEM_SHARED((n_table, feat), jnp.float32),
            pltpu.VMEM_SHARED((n_acc, feat), jnp.float32),
        ] + [pltpu.SemaphoreType.DMA] * (NBUF + 1),
    )



def _mm1_body(x_ref, w_ref, h_ref):
    h_ref[...] = jnp.dot(x_ref[...], w_ref[...],
                         preferred_element_type=jnp.float32)


def _scale_body(hist_ref, h1_ref, dinv_ref, hs_ref):
    deg = 1.0 + hist_ref[0, :, 0:1] + hist_ref[1, :, 0:1]
    dinv = lax.rsqrt(deg)
    dinv_ref[...] = dinv
    hs_ref[...] = h1_ref[...] * dinv


def _mid_body(s_ref, h1_ref, dinv_ref, b1_ref, w2_ref, mh_ref):
    dinv = dinv_ref[...]
    d2 = dinv * dinv
    h = jnp.maximum(dinv * s_ref[...] + d2 * h1_ref[...] + b1_ref[...], 0.0)
    h2 = jnp.dot(h, w2_ref[...], preferred_element_type=jnp.float32)
    mh_ref[...] = jnp.concatenate([h2 * dinv, h2], axis=1)


def _final_body(s_ref, mh_ref, dinv_ref, b2_ref, o_ref):
    dinv = dinv_ref[...]
    cls = o_ref.shape[1]
    s = s_ref[:, :cls] + s_ref[:, cls:]
    o = dinv * s + dinv * dinv * mh_ref[:, cls:] + b2_ref[...]
    m = jnp.max(o, axis=1, keepdims=True)
    z = o - m
    o_ref[...] = z - jnp.log(jnp.sum(jnp.exp(z), axis=1, keepdims=True))



def kernel(x, edge_index, W1, b1, W2, b2):
    n = x.shape[0]
    e = edge_index.shape[1]
    f_in = x.shape[1]
    hid = W1.shape[1]
    cls = W2.shape[1]
    half = hid // 2

    if e % CHUNK:
        pad = CHUNK - e % CHUNK
        eidx = jnp.concatenate(
            [edge_index,
             jnp.stack([jnp.zeros((pad,), jnp.int32),
                        jnp.full((pad,), n, jnp.int32)])], axis=1)
    else:
        eidx = edge_index
    n_chunks = eidx.shape[1] // CHUNK

    n_acc = NUM_SUBCORES * CHUNK * (-(-(n + 1) // (NUM_SUBCORES * CHUNK)))

    hist = _make_sc_degree(n_acc, n_chunks)(eidx)

    row_blk = 2000
    grid = (n // row_blk,)

    H1 = pl.pallas_call(
        _mm1_body,
        grid=grid,
        in_specs=[
            pl.BlockSpec((row_blk, f_in), lambda i: (i, 0)),
            pl.BlockSpec((f_in, hid), lambda i: (0, 0)),
        ],
        out_specs=pl.BlockSpec((row_blk, hid), lambda i: (i, 0)),
        out_shape=jax.ShapeDtypeStruct((n, hid), jnp.float32),
    )(x, W1)

    dinv, hs = pl.pallas_call(
        _scale_body,
        grid=grid,
        in_specs=[
            pl.BlockSpec((NUM_CORES, row_blk, HIST_W), lambda i: (0, i, 0)),
            pl.BlockSpec((row_blk, hid), lambda i: (i, 0)),
        ],
        out_specs=[
            pl.BlockSpec((row_blk, 1), lambda i: (i, 0)),
            pl.BlockSpec((row_blk, hid), lambda i: (i, 0)),
        ],
        out_shape=[
            jax.ShapeDtypeStruct((n, 1), jnp.float32),
            jax.ShapeDtypeStruct((n, hid), jnp.float32),
        ],
    )(hist, H1)

    S1 = _make_sc_gs(n_acc, n, half, True, n_chunks)(hs, eidx)

    MH = pl.pallas_call(
        _mid_body,
        grid=grid,
        in_specs=[
            pl.BlockSpec((row_blk, hid), lambda i: (i, 0)),
            pl.BlockSpec((row_blk, hid), lambda i: (i, 0)),
            pl.BlockSpec((row_blk, 1), lambda i: (i, 0)),
            pl.BlockSpec((1, hid), lambda i: (0, 0)),
            pl.BlockSpec((hid, cls), lambda i: (0, 0)),
        ],
        out_specs=pl.BlockSpec((row_blk, 2 * cls), lambda i: (i, 0)),
        out_shape=jax.ShapeDtypeStruct((n, 2 * cls), jnp.float32),
    )(S1, H1, dinv, b1.reshape(1, hid), W2)

    S2 = _make_sc_gs(n_acc, n, cls, False, n_chunks)(MH, eidx)

    out = pl.pallas_call(
        _final_body,
        grid=grid,
        in_specs=[
            pl.BlockSpec((row_blk, 2 * cls), lambda i: (i, 0)),
            pl.BlockSpec((row_blk, 2 * cls), lambda i: (i, 0)),
            pl.BlockSpec((row_blk, 1), lambda i: (i, 0)),
            pl.BlockSpec((1, cls), lambda i: (0, 0)),
        ],
        out_specs=pl.BlockSpec((row_blk, cls), lambda i: (i, 0)),
        out_shape=jax.ShapeDtypeStruct((n, cls), jnp.float32),
    )(S2, MH, dinv, b2.reshape(1, cls))

    return out

# --- scband reference (transcript-rebuilt; emitter-appended) ---
"""Pipeline reference for scband-graph-transformer-11828339933760 (READ-ONLY COPY).

The authoritative reference and input builder live on the scoring server;
editing this copy changes nothing except your own understanding.
"""

import jax, jax.numpy as jnp
import numpy as np

N = 10000
E = 320000
F_IN = 128
HID = 128
CLS = 64


def setup_inputs(seed: int = 0) -> dict:
    key = jax.random.key(seed)
    ks = jax.random.split(key, 6)
    x = jax.random.normal(ks[0], (N, F_IN), dtype=jnp.float32)
    edge_index = jax.random.randint(ks[1], (2, E), 0, N, dtype=jnp.int32)
    W1 = jax.random.normal(ks[2], (F_IN, HID), dtype=jnp.float32) * (1.0 / np.sqrt(F_IN))
    b1 = jnp.zeros((HID,), dtype=jnp.float32)
    W2 = jax.random.normal(ks[3], (HID, CLS), dtype=jnp.float32) * (1.0 / np.sqrt(HID))
    b2 = jnp.zeros((CLS,), dtype=jnp.float32)
    return {"x": x, "edge_index": edge_index, "W1": W1, "b1": b1, "W2": W2, "b2": b2}


def _gcn_conv(x, edge_index, W, b):
    # Faithful GCNConv: add self-loops, symmetric deg^-1/2 normalization,
    # linear transform, gather-scatter aggregation, bias.
    n = x.shape[0]
    src = edge_index[0]
    dst = edge_index[1]
    loop = jnp.arange(n, dtype=src.dtype)
    src = jnp.concatenate([src, loop])
    dst = jnp.concatenate([dst, loop])
    ones = jnp.ones(src.shape[0], dtype=x.dtype)
    deg = jax.ops.segment_sum(ones, dst, num_segments=n)
    deg_inv_sqrt = jnp.where(deg > 0, jax.lax.rsqrt(deg), 0.0)
    norm = deg_inv_sqrt[src] * deg_inv_sqrt[dst]
    h = x @ W
    msg = h[src] * norm[:, None]
    out = jax.ops.segment_sum(msg, dst, num_segments=n)
    return out + b


def reference(x, edge_index, W1, b1, W2, b2):
    h = _gcn_conv(x, edge_index, W1, b1)
    h = jax.nn.relu(h)
    # F.dropout with training=False (eval mode) is identity
    h = _gcn_conv(h, edge_index, W2, b2)
    return jax.nn.log_softmax(h, axis=1)

if __name__ == "__main__":
    import jax
    _d = setup_inputs()
    print(jax.jit(kernel)(*tuple(_d.values())))

</pallas_src>

<mosaic_0001>
#map = affine_map<(d0, d1) -> (0, 0)>
#map1 = affine_map<(d0, d1) -> (0, 0, 0)>
module attributes {stable_mosaic.version = 14 : i64} {
  func.func @_sc_degree_body(%arg0: i32, %arg1: i32, %arg2: memref<2x320000xi32, #tpu.memory_space<hbm>>, %arg3: memref<2x10240x16xf32, #tpu.memory_space<hbm>>, %arg4: memref<10112xi32, #tpu.memory_space<vmem>>, %arg5: memref<128x16xf32, #tpu.memory_space<vmem>>, %arg6: memref<128x16xf32, #tpu.memory_space<vmem>>, %arg7: memref<10240x16xf32, #tpu.memory_space<vmem_shared>>) attributes {dimension_semantics = [#tpu.dimension_semantics<core_parallel>, #tpu.dimension_semantics<subcore_parallel>], iteration_bounds = array<i64: 2, 16>, scalar_prefetch = 0 : i64, scratch_operands = 4 : i64, tpu.core_type = #tpu.core_type<sc_vector_subcore>, window_params = [{transform_indices = #map}, {transform_indices = #map1}]} {
    %mul3A = arith.constant 16 : i32
    %mul3A_0 = arith.muli %arg0, %mul3A : i32
    %add3A = arith.addi %mul3A_0, %arg1 : i32
    %mul3A_1 = arith.constant 78 : i32
    %mul3A_2 = arith.muli %mul3A_1, %add3A : i32
    %min3A = arith.constant 4 : i32
    %min3A_3 = arith.minsi %add3A, %min3A : i32
    %add3A_4 = arith.addi %mul3A_2, %min3A_3 : i32
    %scan3A = arith.constant 0 : i32
    %scan3A_5 = arith.constant 0 : i32
    %scan3A_6 = arith.constant 128 : i32
    %scan3A_7 = arith.addi %scan3A_5, %scan3A_6 : i32
    %scan3A_8 = arith.constant 1 : i32
    scf.for %scan3A_36 = %scan3A_5 to %scan3A_7 step %scan3A_8  : i32 {
      %broadcast_in_dim3A = arith.constant 1.000000e+00 : f32
      %broadcast_in_dim3A_37 = vector.broadcast %broadcast_in_dim3A : f32 to vector<16xf32>
      %swap3A = arith.index_cast %scan3A_36 : i32 to index
      %swap3A_38 = arith.constant 0 : index
      %swap3A_39 = tpu.vector_load %arg5[%swap3A, %swap3A_38] {strides = array<i32>} : memref<128x16xf32, #tpu.memory_space<vmem>>, vector<1x16xf32>,
      %swap3A_40 = vector.shape_cast %swap3A_39 : vector<1x16xf32> to vector<16xf32>
      %swap3A_41 = vector.shape_cast %broadcast_in_dim3A_37 : vector<16xf32> to vector<1x16xf32>
      tpu.vector_store %arg5[%swap3A, %swap3A_38], %swap3A_41 {strides = array<i32>} : memref<128x16xf32, #tpu.memory_space<vmem>>, vector<1x16xf32>,
      %broadcast_in_dim3A_42 = arith.constant 0.000000e+00 : f32
      %broadcast_in_dim3A_43 = vector.broadcast %broadcast_in_dim3A_42 : f32 to vector<16xf32>
      %swap3A_44 = arith.index_cast %scan3A_36 : i32 to index
      %swap3A_45 = arith.constant 0 : index
      %swap3A_46 = tpu.vector_load %arg6[%swap3A_44, %swap3A_45] {strides = array<i32>} : memref<128x16xf32, #tpu.memory_space<vmem>>, vector<1x16xf32>,
      %swap3A_47 = vector.shape_cast %swap3A_46 : vector<1x16xf32> to vector<16xf32>
      %swap3A_48 = vector.shape_cast %broadcast_in_dim3A_43 : vector<16xf32> to vector<1x16xf32>
      tpu.vector_store %arg6[%swap3A_44, %swap3A_45], %swap3A_48 {strides = array<i32>} : memref<128x16xf32, #tpu.memory_space<vmem>>, vector<1x16xf32>,
    }
    %scan3A_9 = arith.constant 128 : i32
    %scan3A_10 = arith.constant 0 : i32
    %scan3A_11 = arith.constant 0 : i32
    %scan3A_12 = arith.constant 5 : i32
    %scan3A_13 = arith.addi %scan3A_11, %scan3A_12 : i32
    %scan3A_14 = arith.constant 1 : i32
    scf.for %scan3A_36 = %scan3A_11 to %scan3A_13 step %scan3A_14  : i32 {
      %mul3A_37 = arith.constant 640 : i32
      %mul3A_38 = arith.muli %arg1, %mul3A_37 : i32
      %mul3A_39 = arith.constant 128 : i32
      %mul3A_40 = arith.muli %scan3A_36, %mul3A_39 : i32
      %add3A_41 = arith.addi %mul3A_38, %mul3A_40 : i32
      "tpu.region"() ({
        %run_scoped3A_42 = tpu.sem_alloc : memref<!tpu.dma_semaphore, #tpu.memory_space<semaphore_mem>>
        %dma_start3A = arith.constant 0 : i32
        %dma_start3A_43 = tpu.memref_slice %arg7[%add3A_41, %dma_start3A] : memref<10240x16xf32, #tpu.memory_space<vmem_shared>> -> memref<128x16xf32, #tpu.memory_space<vmem_shared>>
        %dma_start3A_44 = arith.constant 0 : i32
        %dma_start3A_45 = tpu.memref_slice %arg7[%add3A_41, %dma_start3A_44] : memref<10240x16xf32, #tpu.memory_space<vmem_shared>> -> memref<128x16xf32, #tpu.memory_space<vmem_shared>>
        tpu.enqueue_dma source(%arg6 : memref<128x16xf32, #tpu.memory_space<vmem>>) target(%dma_start3A_45 : memref<128x16xf32, #tpu.memory_space<vmem_shared>>) target_semaphore(%run_scoped3A_42 : memref<!tpu.dma_semaphore, #tpu.memory_space<semaphore_mem>>)
        %dma_wait3A = arith.constant 0 : i32
        %dma_wait3A_46 = tpu.memref_slice %arg7[%add3A_41, %dma_wait3A] : memref<10240x16xf32, #tpu.memory_space<vmem_shared>> -> memref<128x16xf32, #tpu.memory_space<vmem_shared>>
        %dma_wait3A_47 = arith.constant 0 : i32
        %dma_wait3A_48 = tpu.memref_slice %arg7[%add3A_41, %dma_wait3A_47] : memref<10240x16xf32, #tpu.memory_space<vmem_shared>> -> memref<128x16xf32, #tpu.memory_space<vmem_shared>>
        tpu.wait_dma2 semaphore(%run_scoped3A_42 : memref<!tpu.dma_semaphore, #tpu.memory_space<semaphore_mem>>) src(%arg6 : memref<128x16xf32, #tpu.memory_space<vmem>>) dst(%dma_wait3A_48 : memref<128x16xf32, #tpu.memory_space<vmem_shared>>)
        tpu.yield
      }) : () -> ()
    }
    %scan3A_15 = arith.constant 5 : i32
    %mul3A_16 = arith.constant 128 : i32
    %mul3A_17 = arith.muli %add3A_4, %mul3A_16 : i32
    %run_scoped3A = arith.constant 1 : i32
    "tpu.region"() ({
      %run_scoped3A_36 = tpu.sem_alloc : memref<!tpu.dma_semaphore, #tpu.memory_space<semaphore_mem>>
      %dma_start3A = arith.constant 0 : i32
      %dma_start3A_37 = tpu.memref_slice %arg4[%dma_start3A] : memref<10112xi32, #tpu.memory_space<vmem>> -> memref<9984xi32, #tpu.memory_space<vmem>>
      %dma_start3A_38 = tpu.memref_slice %arg2[%run_scoped3A, %mul3A_17] : memref<2x320000xi32, #tpu.memory_space<hbm>> -> memref<1x9984xi32, #tpu.memory_space<hbm>>
      %dma_start3A_39 = tpu.memref_squeeze %dma_start3A_38 : memref<1x9984xi32, #tpu.memory_space<hbm>> -> memref<9984xi32, #tpu.memory_space<hbm>>
      %dma_start3A_40 = arith.constant 0 : i32
      %dma_start3A_41 = tpu.memref_slice %arg4[%dma_start3A_40] : memref<10112xi32, #tpu.memory_space<vmem>> -> memref<9984xi32, #tpu.memory_space<vmem>>
      %dma_start3A_42 = tpu.memref_slice %arg2[%run_scoped3A, %mul3A_17] : memref<2x320000xi32, #tpu.memory_space<hbm>> -> memref<1x9984xi32, #tpu.memory_space<hbm>>
      %dma_start3A_43 = tpu.memref_squeeze %dma_start3A_42 : memref<1x9984xi32, #tpu.memory_space<hbm>> -> memref<9984xi32, #tpu.memory_space<hbm>>
      tpu.enqueue_dma source(%dma_start3A_43 : memref<9984xi32, #tpu.memory_space<hbm>>) target(%dma_start3A_41 : memref<9984xi32, #tpu.memory_space<vmem>>) target_semaphore(%run_scoped3A_36 : memref<!tpu.dma_semaphore, #tpu.memory_space<semaphore_mem>>)
      %dma_wait3A = arith.constant 0 : i32
      %dma_wait3A_44 = tpu.memref_slice %arg4[%dma_wait3A] : memref<10112xi32, #tpu.memory_space<vmem>> -> memref<9984xi32, #tpu.memory_space<vmem>>
      %dma_wait3A_45 = tpu.memref_slice %arg2[%run_scoped3A, %mul3A_17] : memref<2x320000xi32, #tpu.memory_space<hbm>> -> memref<1x9984xi32, #tpu.memory_space<hbm>>
      %dma_wait3A_46 = tpu.memref_squeeze %dma_wait3A_45 : memref<1x9984xi32, #tpu.memory_space<hbm>> -> memref<9984xi32, #tpu.memory_space<hbm>>
      %dma_wait3A_47 = arith.constant 0 : i32
      %dma_wait3A_48 = tpu.memref_slice %arg4[%dma_wait3A_47] : memref<10112xi32, #tpu.memory_space<vmem>> -> memref<9984xi32, #tpu.memory_space<vmem>>
      %dma_wait3A_49 = tpu.memref_slice %arg2[%run_scoped3A, %mul3A_17] : memref<2x320000xi32, #tpu.memory_space<hbm>> -> memref<1x9984xi32, #tpu.memory_space<hbm>>
      %dma_wait3A_50 = tpu.memref_squeeze %dma_wait3A_49 : memref<1x9984xi32, #tpu.memory_space<hbm>> -> memref<9984xi32, #tpu.memory_space<hbm>>
      tpu.wait_dma2 semaphore(%run_scoped3A_36 : memref<!tpu.dma_semaphore, #tpu.memory_space<semaphore_mem>>) src(%dma_wait3A_50 : memref<9984xi32, #tpu.memory_space<hbm>>) dst(%dma_wait3A_48 : memref<9984xi32, #tpu.memory_space<vmem>>)
      tpu.yield
    }) : () -> ()
    %lt3A = arith.constant 4 : i32
    %lt3A_18 = arith.cmpi slt, %add3A, %lt3A : i32
    %convert_element_type3A = arith.extui %lt3A_18 : i1 to i32
    %cond3A = arith.constant 0 : i32
    %cond3A_19 = arith.cmpi ne, %convert_element_type3A, %cond3A : i32
    scf.if %cond3A_19 {
      %add3A_36 = arith.constant 78 : i32
      %add3A_37 = arith.addi %add3A_4, %add3A_36 : i32
      %mul3A_38 = arith.constant 128 : i32
      %mul3A_39 = arith.muli %add3A_37, %mul3A_38 : i32
      %run_scoped3A_40 = arith.constant 1 : i32
      "tpu.region"() ({
        %run_scoped3A_41 = tpu.sem_alloc : memref<!tpu.dma_semaphore, #tpu.memory_space<semaphore_mem>>
        %dma_start3A = arith.constant 9984 : i32
        %dma_start3A_42 = tpu.memref_slice %arg4[%dma_start3A] : memref<10112xi32, #tpu.memory_space<vmem>> -> memref<128xi32, #tpu.memory_space<vmem>>
        %dma_start3A_43 = tpu.memref_slice %arg2[%run_scoped3A_40, %mul3A_39] : memref<2x320000xi32, #tpu.memory_space<hbm>> -> memref<1x128xi32, #tpu.memory_space<hbm>>
        %dma_start3A_44 = tpu.memref_squeeze %dma_start3A_43 : memref<1x128xi32, #tpu.memory_space<hbm>> -> memref<128xi32, #tpu.memory_space<hbm>>
        %dma_start3A_45 = arith.constant 9984 : i32
        %dma_start3A_46 = tpu.memref_slice %arg4[%dma_start3A_45] : memref<10112xi32, #tpu.memory_space<vmem>> -> memref<128xi32, #tpu.memory_space<vmem>>
        %dma_start3A_47 = tpu.memref_slice %arg2[%run_scoped3A_40, %mul3A_39] : memref<2x320000xi32, #tpu.memory_space<hbm>> -> memref<1x128xi32, #tpu.memory_space<hbm>>
        %dma_start3A_48 = tpu.memref_squeeze %dma_start3A_47 : memref<1x128xi32, #tpu.memory_space<hbm>> -> memref<128xi32, #tpu.memory_space<hbm>>
        tpu.enqueue_dma source(%dma_start3A_48 : memref<128xi32, #tpu.memory_space<hbm>>) target(%dma_start3A_46 : memref<128xi32, #tpu.memory_space<vmem>>) target_semaphore(%run_scoped3A_41 : memref<!tpu.dma_semaphore, #tpu.memory_space<semaphore_mem>>)
        %dma_wait3A = arith.constant 9984 : i32
        %dma_wait3A_49 = tpu.memref_slice %arg4[%dma_wait3A] : memref<10112xi32, #tpu.memory_space<vmem>> -> memref<128xi32, #tpu.memory_space<vmem>>
        %dma_wait3A_50 = tpu.memref_slice %arg2[%run_scoped3A_40, %mul3A_39] : memref<2x320000xi32, #tpu.memory_space<hbm>> -> memref<1x128xi32, #tpu.memory_space<hbm>>
        %dma_wait3A_51 = tpu.memref_squeeze %dma_wait3A_50 : memref<1x128xi32, #tpu.memory_space<hbm>> -> memref<128xi32, #tpu.memory_space<hbm>>
        %dma_wait3A_52 = arith.constant 9984 : i32
        %dma_wait3A_53 = tpu.memref_slice %arg4[%dma_wait3A_52] : memref<10112xi32, #tpu.memory_space<vmem>> -> memref<128xi32, #tpu.memory_space<vmem>>
        %dma_wait3A_54 = tpu.memref_slice %arg2[%run_scoped3A_40, %mul3A_39] : memref<2x320000xi32, #tpu.memory_space<hbm>> -> memref<1x128xi32, #tpu.memory_space<hbm>>
        %dma_wait3A_55 = tpu.memref_squeeze %dma_wait3A_54 : memref<1x128xi32, #tpu.memory_space<hbm>> -> memref<128xi32, #tpu.memory_space<hbm>>
        tpu.wait_dma2 semaphore(%run_scoped3A_41 : memref<!tpu.dma_semaphore, #tpu.memory_space<semaphore_mem>>) src(%dma_wait3A_55 : memref<128xi32, #tpu.memory_space<hbm>>) dst(%dma_wait3A_53 : memref<128xi32, #tpu.memory_space<vmem>>)
        tpu.yield
      }) : () -> ()
    } else {
    }
    %barrier3A = arith.constant 0 : index
    tpu.barrier barrier_id(%barrier3A)
    %scan3A_20 = arith.constant 0 : i32
    %scan3A_21 = arith.constant 0 : i32
    %scan3A_22 = arith.constant 78 : i32
    %scan3A_23 = arith.addi %scan3A_21, %scan3A_22 : i32
    %scan3A_24 = arith.constant 1 : i32
    scf.for %scan3A_36 = %scan3A_21 to %scan3A_23 step %scan3A_24  : i32 {
      %mul3A_37 = arith.constant 128 : i32
      %mul3A_38 = arith.muli %scan3A_36, %mul3A_37 : i32
      "tpu.region"() ({
        %run_scoped3A_39 = tpu.sem_alloc : memref<!tpu.dma_semaphore, #tpu.memory_space<semaphore_mem>>
        %dma_start3A = tpu.memref_slice %arg4[%mul3A_38] : memref<10112xi32, #tpu.memory_space<vmem>> -> memref<128xi32, #tpu.memory_space<vmem>>
        %dma_start3A_40 = arith.constant 0 : i32
        %dma_start3A_41 = arith.constant 0 : i32
        %dma_start3A_42 = tpu.memref_slice %arg7[%dma_start3A_40, %dma_start3A_41] : memref<10240x16xf32, #tpu.memory_space<vmem_shared>> -> memref<10240x16xf32, #tpu.memory_space<vmem_shared>>
        tpu.enqueue_indirect_dma source(%arg5 : memref<128x16xf32, #tpu.memory_space<vmem>>) target(%dma_start3A_42 : memref<10240x16xf32, #tpu.memory_space<vmem_shared>>) offsets(%dma_start3A : memref<128xi32, #tpu.memory_space<vmem>>) semaphore(%run_scoped3A_39 : memref<!tpu.dma_semaphore, #tpu.memory_space<semaphore_mem>>) {add = true}
        %dma_wait3A = tpu.memref_slice %arg4[%mul3A_38] : memref<10112xi32, #tpu.memory_space<vmem>> -> memref<128xi32, #tpu.memory_space<vmem>>
        %dma_wait3A_43 = arith.constant 0 : i32
        %dma_wait3A_44 = arith.constant 0 : i32
        %dma_wait3A_45 = tpu.memref_slice %arg7[%dma_wait3A_43, %dma_wait3A_44] : memref<10240x16xf32, #tpu.memory_space<vmem_shared>> -> memref<10240x16xf32, #tpu.memory_space<vmem_shared>>
        tpu.wait_indirect_dma semaphore(%run_scoped3A_39 : memref<!tpu.dma_semaphore, #tpu.memory_space<semaphore_mem>>) src(%arg5 : memref<128x16xf32, #tpu.memory_space<vmem>>) dst(%dma_wait3A_45 : memref<10240x16xf32, #tpu.memory_space<vmem_shared>>)
        tpu.yield
      }) : () -> ()
    }
    %scan3A_25 = arith.constant 78 : i32
    %lt3A_26 = arith.constant 4 : i32
    %lt3A_27 = arith.cmpi slt, %add3A, %lt3A_26 : i32
    %convert_element_type3A_28 = arith.extui %lt3A_27 : i1 to i32
    %cond3A_29 = arith.constant 0 : i32
    %cond3A_30 = arith.cmpi ne, %convert_element_type3A_28, %cond3A_29 : i32
    scf.if %cond3A_30 {
      "tpu.region"() ({
        %run_scoped3A_36 = tpu.sem_alloc : memref<!tpu.dma_semaphore, #tpu.memory_space<semaphore_mem>>
        %dma_start3A = arith.constant 9984 : i32
        %dma_start3A_37 = tpu.memref_slice %arg4[%dma_start3A] : memref<10112xi32, #tpu.memory_space<vmem>> -> memref<128xi32, #tpu.memory_space<vmem>>
        %dma_start3A_38 = arith.constant 0 : i32
        %dma_start3A_39 = arith.constant 0 : i32
        %dma_start3A_40 = tpu.memref_slice %arg7[%dma_start3A_38, %dma_start3A_39] : memref<10240x16xf32, #tpu.memory_space<vmem_shared>> -> memref<10240x16xf32, #tpu.memory_space<vmem_shared>>
        tpu.enqueue_indirect_dma source(%arg5 : memref<128x16xf32, #tpu.memory_space<vmem>>) target(%dma_start3A_40 : memref<10240x16xf32, #tpu.memory_space<vmem_shared>>) offsets(%dma_start3A_37 : memref<128xi32, #tpu.memory_space<vmem>>) semaphore(%run_scoped3A_36 : memref<!tpu.dma_semaphore, #tpu.memory_space<semaphore_mem>>) {add = true}
        %dma_wait3A = arith.constant 9984 : i32
        %dma_wait3A_41 = tpu.memref_slice %arg4[%dma_wait3A] : memref<10112xi32, #tpu.memory_space<vmem>> -> memref<128xi32, #tpu.memory_space<vmem>>
        %dma_wait3A_42 = arith.constant 0 : i32
        %dma_wait3A_43 = arith.constant 0 : i32
        %dma_wait3A_44 = tpu.memref_slice %arg7[%dma_wait3A_42, %dma_wait3A_43] : memref<10240x16xf32, #tpu.memory_space<vmem_shared>> -> memref<10240x16xf32, #tpu.memory_space<vmem_shared>>
        tpu.wait_indirect_dma semaphore(%run_scoped3A_36 : memref<!tpu.dma_semaphore, #tpu.memory_space<semaphore_mem>>) src(%arg5 : memref<128x16xf32, #tpu.memory_space<vmem>>) dst(%dma_wait3A_44 : memref<10240x16xf32, #tpu.memory_space<vmem_shared>>)
        tpu.yield
      }) : () -> ()
    } else {
    }
    %barrier3A_31 = arith.constant 0 : index
    tpu.barrier barrier_id(%barrier3A_31)
    %mul3A_32 = arith.constant 640 : i32
    %mul3A_33 = arith.muli %arg1, %mul3A_32 : i32
    %mul3A_34 = arith.constant 640 : i32
    %mul3A_35 = arith.muli %arg1, %mul3A_34 : i32
    "tpu.region"() ({
      %run_scoped3A_36 = tpu.sem_alloc : memref<!tpu.dma_semaphore, #tpu.memory_space<semaphore_mem>>
      %dma_start3A = arith.constant 0 : i32
      %dma_start3A_37 = tpu.memref_slice %arg3[%arg0, %mul3A_35, %dma_start3A] : memref<2x10240x16xf32, #tpu.memory_space<hbm>> -> memref<1x640x16xf32, #tpu.memory_space<hbm>>
      %dma_start3A_38 = tpu.memref_squeeze %dma_start3A_37 : memref<1x640x16xf32, #tpu.memory_space<hbm>> -> memref<640x16xf32, #tpu.memory_space<hbm>>
      %dma_start3A_39 = arith.constant 0 : i32
      %dma_start3A_40 = tpu.memref_slice %arg7[%mul3A_33, %dma_start3A_39] : memref<10240x16xf32, #tpu.memory_space<vmem_shared>> -> memref<640x16xf32, #tpu.memory_space<vmem_shared>>
      tpu.enqueue_dma source(%dma_start3A_40 : memref<640x16xf32, #tpu.memory_space<vmem_shared>>) target(%dma_start3A_38 : memref<640x16xf32, #tpu.memory_space<hbm>>) target_semaphore(%run_scoped3A_36 : memref<!tpu.dma_semaphore, #tpu.memory_space<semaphore_mem>>)
      %dma_wait3A = arith.constant 0 : i32
      %dma_wait3A_41 = tpu.memref_slice %arg3[%arg0, %mul3A_35, %dma_wait3A] : memref<2x10240x16xf32, #tpu.memory_space<hbm>> -> memref<1x640x16xf32, #tpu.memory_space<hbm>>
      %dma_wait3A_42 = tpu.memref_squeeze %dma_wait3A_41 : memref<1x640x16xf32, #tpu.memory_space<hbm>> -> memref<640x16xf32, #tpu.memory_space<hbm>>
      %dma_wait3A_43 = arith.constant 0 : i32
      %dma_wait3A_44 = tpu.memref_slice %arg7[%mul3A_33, %dma_wait3A_43] : memref<10240x16xf32, #tpu.memory_space<vmem_shared>> -> memref<640x16xf32, #tpu.memory_space<vmem_shared>>
      tpu.wait_dma2 semaphore(%run_scoped3A_36 : memref<!tpu.dma_semaphore, #tpu.memory_space<semaphore_mem>>) src(%dma_wait3A_44 : memref<640x16xf32, #tpu.memory_space<vmem_shared>>) dst(%dma_wait3A_42 : memref<640x16xf32, #tpu.memory_space<hbm>>)
      tpu.yield
    }) : () -> ()
    return
  }
}

#map = affine_map<(d0, d1) -> (0, 0)>
module attributes {stable_mosaic.version = 14 : i64} {
  func.func @_sc_gs_body(%arg0: i32, %arg1: i32, %arg2: memref<10000x128xf32, #tpu.memory_space<hbm>>, %arg3: memref<2x320000xi32, #tpu.memory_space<hbm>>, %arg4: memref<10240x128xf32, #tpu.memory_space<hbm>>, %arg5: memref<4992xi32, #tpu.memory_space<vmem>>, %arg6: memref<4992xi32, #tpu.memory_space<vmem>>, %arg7: memref<4x128x64xf32, #tpu.memory_space<vmem>>, %arg8: memref<10000x64xf32, #tpu.memory_space<vmem_shared>>, %arg9: memref<10240x64xf32, #tpu.memory_space<vmem_shared>>, %arg10: memref<!tpu.dma_semaphore, #tpu.memory_space<semaphore_mem>>, %arg11: memref<!tpu.dma_semaphore, #tpu.memory_space<semaphore_mem>>, %arg12: memref<!tpu.dma_semaphore, #tpu.memory_space<semaphore_mem>>, %arg13: memref<!tpu.dma_semaphore, #tpu.memory_space<semaphore_mem>>, %arg14: memref<!tpu.dma_semaphore, #tpu.memory_space<semaphore_mem>>) attributes {dimension_semantics = [#tpu.dimension_semantics<core_parallel>, #tpu.dimension_semantics<subcore_parallel>], iteration_bounds = array<i64: 2, 16>, scalar_prefetch = 0 : i64, scratch_operands = 10 : i64, tpu.core_type = #tpu.core_type<sc_vector_subcore>, window_params = [{transform_indices = #map}, {transform_indices = #map}, {transform_indices = #map}]} {
    %mul3A = arith.constant 64 : i32
    %mul3A_0 = arith.muli %arg0, %mul3A : i32
    %mul3A_1 = arith.constant 156 : i32
    %mul3A_2 = arith.muli %mul3A_1, %arg1 : i32
    %min3A = arith.constant 4 : i32
    %min3A_3 = arith.minsi %arg1, %min3A : i32
    %add3A = arith.addi %mul3A_2, %min3A_3 : i32
    %mul3A_4 = arith.constant 625 : i32
    %mul3A_5 = arith.muli %arg1, %mul3A_4 : i32
    %mul3A_6 = arith.constant 625 : i32
    %mul3A_7 = arith.muli %arg1, %mul3A_6 : i32
    %dma_start3A = arith.constant 0 : i32
    %dma_start3A_8 = tpu.memref_slice %arg8[%mul3A_7, %dma_start3A] : memref<10000x64xf32, #tpu.memory_space<vmem_shared>> -> memref<625x64xf32, #tpu.memory_space<vmem_shared>>
    %dma_start3A_9 = tpu.memref_slice %arg2[%mul3A_5, %mul3A_0] : memref<10000x128xf32, #tpu.memory_space<hbm>> -> memref<625x64xf32, #tpu.memory_space<hbm>>
    tpu.enqueue_dma source(%dma_start3A_9 : memref<625x64xf32, #tpu.memory_space<hbm>>) target(%dma_start3A_8 : memref<625x64xf32, #tpu.memory_space<vmem_shared>>) target_semaphore(%arg14 : memref<!tpu.dma_semaphore, #tpu.memory_space<semaphore_mem>>)
    %scan3A = arith.constant 0 : i32
    %scan3A_10 = arith.constant 0 : i32
    %scan3A_11 = arith.constant 128 : i32
    %scan3A_12 = arith.addi %scan3A_10, %scan3A_11 : i32
    %scan3A_13 = arith.constant 1 : i32
    scf.for %scan3A_44 = %scan3A_10 to %scan3A_12 step %scan3A_13  : i32 {
      %broadcast_in_dim3A = arith.constant 0.000000e+00 : f32
      %broadcast_in_dim3A_45 = vector.broadcast %broadcast_in_dim3A : f32 to vector<16xf32>
      %swap3A = arith.constant 0 : i32
      %swap3A_46 = arith.index_cast %swap3A : i32 to index
      %swap3A_47 = arith.index_cast %scan3A_44 : i32 to index
      %swap3A_48 = arith.constant 0 : index
      %swap3A_49 = tpu.vector_load %arg7[%swap3A_46, %swap3A_47, %swap3A_48] {strides = array<i32>} : memref<4x128x64xf32, #tpu.memory_space<vmem>>, vector<1x1x16xf32>,
      %swap3A_50 = vector.shape_cast %swap3A_49 : vector<1x1x16xf32> to vector<16xf32>
      %swap3A_51 = vector.shape_cast %broadcast_in_dim3A_45 : vector<16xf32> to vector<1x1x16xf32>
      tpu.vector_store %arg7[%swap3A_46, %swap3A_47, %swap3A_48], %swap3A_51 {strides = array<i32>} : memref<4x128x64xf32, #tpu.memory_space<vmem>>, vector<1x1x16xf32>,
      %broadcast_in_dim3A_52 = arith.constant 0.000000e+00 : f32
      %broadcast_in_dim3A_53 = vector.broadcast %broadcast_in_dim3A_52 : f32 to vector<16xf32>
      %swap3A_54 = arith.constant 0 : i32
      %swap3A_55 = arith.index_cast %swap3A_54 : i32 to index
      %swap3A_56 = arith.index_cast %scan3A_44 : i32 to index
      %swap3A_57 = arith.constant 16 : index
      %swap3A_58 = tpu.vector_load %arg7[%swap3A_55, %swap3A_56, %swap3A_57] {strides = array<i32>} : memref<4x128x64xf32, #tpu.memory_space<vmem>>, vector<1x1x16xf32>,
      %swap3A_59 = vector.shape_cast %swap3A_58 : vector<1x1x16xf32> to vector<16xf32>
      %swap3A_60 = vector.shape_cast %broadcast_in_dim3A_53 : vector<16xf32> to vector<1x1x16xf32>
      tpu.vector_store %arg7[%swap3A_55, %swap3A_56, %swap3A_57], %swap3A_60 {strides = array<i32>} : memref<4x128x64xf32, #tpu.memory_space<vmem>>, vector<1x1x16xf32>,
      %broadcast_in_dim3A_61 = arith.constant 0.000000e+00 : f32
      %broadcast_in_dim3A_62 = vector.broadcast %broadcast_in_dim3A_61 : f32 to vector<16xf32>
      %swap3A_63 = arith.constant 0 : i32
      %swap3A_64 = arith.index_cast %swap3A_63 : i32 to index
      %swap3A_65 = arith.index_cast %scan3A_44 : i32 to index
      %swap3A_66 = arith.constant 32 : index
      %swap3A_67 = tpu.vector_load %arg7[%swap3A_64, %swap3A_65, %swap3A_66] {strides = array<i32>} : memref<4x128x64xf32, #tpu.memory_space<vmem>>, vector<1x1x16xf32>,
      %swap3A_68 = vector.shape_cast %swap3A_67 : vector<1x1x16xf32> to vector<16xf32>
      %swap3A_69 = vector.shape_cast %broadcast_in_dim3A_62 : vector<16xf32> to vector<1x1x16xf32>
      tpu.vector_store %arg7[%swap3A_64, %swap3A_65, %swap3A_66], %swap3A_69 {strides = array<i32>} : memref<4x128x64xf32, #tpu.memory_space<vmem>>, vector<1x1x16xf32>,
      %broadcast_in_dim3A_70 = arith.constant 0.000000e+00 : f32
      %broadcast_in_dim3A_71 = vector.broadcast %broadcast_in_dim3A_70 : f32 to vector<16xf32>
      %swap3A_72 = arith.constant 0 : i32
      %swap3A_73 = arith.index_cast %swap3A_72 : i32 to index
      %swap3A_74 = arith.index_cast %scan3A_44 : i32 to index
      %swap3A_75 = arith.constant 48 : index
      %swap3A_76 = tpu.vector_load %arg7[%swap3A_73, %swap3A_74, %swap3A_75] {strides = array<i32>} : memref<4x128x64xf32, #tpu.memory_space<vmem>>, vector<1x1x16xf32>,
      %swap3A_77 = vector.shape_cast %swap3A_76 : vector<1x1x16xf32> to vector<16xf32>
      %swap3A_78 = vector.shape_cast %broadcast_in_dim3A_71 : vector<16xf32> to vector<1x1x16xf32>
      tpu.vector_store %arg7[%swap3A_73, %swap3A_74, %swap3A_75], %swap3A_78 {strides = array<i32>} : memref<4x128x64xf32, #tpu.memory_space<vmem>>, vector<1x1x16xf32>,
    }
    %scan3A_14 = arith.constant 128 : i32
    %scan3A_15 = arith.constant 0 : i32
    %scan3A_16 = arith.constant 0 : i32
    %scan3A_17 = arith.constant 5 : i32
    %scan3A_18 = arith.addi %scan3A_16, %scan3A_17 : i32
    %scan3A_19 = arith.constant 1 : i32
    scf.for %scan3A_44 = %scan3A_16 to %scan3A_18 step %scan3A_19  : i32 {
      %mul3A_45 = arith.constant 640 : i32
      %mul3A_46 = arith.muli %arg1, %mul3A_45 : i32
      %mul3A_47 = arith.constant 128 : i32
      %mul3A_48 = arith.muli %scan3A_44, %mul3A_47 : i32
      %add3A_49 = arith.addi %mul3A_46, %mul3A_48 : i32
      %run_scoped3A = arith.constant 0 : i32
      "tpu.region"() ({
        %run_scoped3A_50 = tpu.sem_alloc : memref<!tpu.dma_semaphore, #tpu.memory_space<semaphore_mem>>
        %dma_start3A_51 = arith.constant 0 : i32
        %dma_start3A_52 = arith.constant 0 : i32
        %dma_start3A_53 = tpu.memref_slice %arg7[%run_scoped3A, %dma_start3A_51, %dma_start3A_52] : memref<4x128x64xf32, #tpu.memory_space<vmem>> -> memref<1x128x64xf32, #tpu.memory_space<vmem>>
        %dma_start3A_54 = tpu.memref_squeeze %dma_start3A_53 : memref<1x128x64xf32, #tpu.memory_space<vmem>> -> memref<128x64xf32, #tpu.memory_space<vmem>>
        %dma_start3A_55 = arith.constant 0 : i32
        %dma_start3A_56 = tpu.memref_slice %arg9[%add3A_49, %dma_start3A_55] : memref<10240x64xf32, #tpu.memory_space<vmem_shared>> -> memref<128x64xf32, #tpu.memory_space<vmem_shared>>
        %dma_start3A_57 = arith.constant 0 : i32
        %dma_start3A_58 = tpu.memref_slice %arg9[%add3A_49, %dma_start3A_57] : memref<10240x64xf32, #tpu.memory_space<vmem_shared>> -> memref<128x64xf32, #tpu.memory_space<vmem_shared>>
        %dma_start3A_59 = arith.constant 0 : i32
        %dma_start3A_60 = arith.constant 0 : i32
        %dma_start3A_61 = tpu.memref_slice %arg7[%run_scoped3A, %dma_start3A_59, %dma_start3A_60] : memref<4x128x64xf32, #tpu.memory_space<vmem>> -> memref<1x128x64xf32, #tpu.memory_space<vmem>>
        %dma_start3A_62 = tpu.memref_squeeze %dma_start3A_61 : memref<1x128x64xf32, #tpu.memory_space<vmem>> -> memref<128x64xf32, #tpu.memory_space<vmem>>
        tpu.enqueue_dma source(%dma_start3A_62 : memref<128x64xf32, #tpu.memory_space<vmem>>) target(%dma_start3A_58 : memref<128x64xf32, #tpu.memory_space<vmem_shared>>) target_semaphore(%run_scoped3A_50 : memref<!tpu.dma_semaphore, #tpu.memory_space<semaphore_mem>>)
        %dma_wait3A_63 = arith.constant 0 : i32
        %dma_wait3A_64 = arith.constant 0 : i32
        %dma_wait3A_65 = tpu.memref_slice %arg7[%run_scoped3A, %dma_wait3A_63, %dma_wait3A_64] : memref<4x128x64xf32, #tpu.memory_space<vmem>> -> memref<1x128x64xf32, #tpu.memory_space<vmem>>
        %dma_wait3A_66 = tpu.memref_squeeze %dma_wait3A_65 : memref<1x128x64xf32, #tpu.memory_space<vmem>> -> memref<128x64xf32, #tpu.memory_space<vmem>>
        %dma_wait3A_67 = arith.constant 0 : i32
        %dma_wait3A_68 = tpu.memref_slice %arg9[%add3A_49, %dma_wait3A_67] : memref<10240x64xf32, #tpu.memory_space<vmem_shared>> -> memref<128x64xf32, #tpu.memory_space<vmem_shared>>
        %dma_wait3A_69 = arith.constant 0 : i32
        %dma_wait3A_70 = tpu.memref_slice %arg9[%add3A_49, %dma_wait3A_69] : memref<10240x64xf32, #tpu.memory_space<vmem_shared>> -> memref<128x64xf32, #tpu.memory_space<vmem_shared>>
        %dma_wait3A_71 = arith.constant 0 : i32
        %dma_wait3A_72 = arith.constant 0 : i32
        %dma_wait3A_73 = tpu.memref_slice %arg7[%run_scoped3A, %dma_wait3A_71, %dma_wait3A_72] : memref<4x128x64xf32, #tpu.memory_space<vmem>> -> memref<1x128x64xf32, #tpu.memory_space<vmem>>
        %dma_wait3A_74 = tpu.memref_squeeze %dma_wait3A_73 : memref<1x128x64xf32, #tpu.memory_space<vmem>> -> memref<128x64xf32, #tpu.memory_space<vmem>>
        tpu.wait_dma2 semaphore(%run_scoped3A_50 : memref<!tpu.dma_semaphore, #tpu.memory_space<semaphore_mem>>) src(%dma_wait3A_74 : memref<128x64xf32, #tpu.memory_space<vmem>>) dst(%dma_wait3A_70 : memref<128x64xf32, #tpu.memory_space<vmem_shared>>)
        tpu.yield
      }) : () -> ()
    }
    %scan3A_20 = arith.constant 5 : i32
    %mul3A_21 = arith.constant 625 : i32
    %mul3A_22 = arith.muli %arg1, %mul3A_21 : i32
    %mul3A_23 = arith.constant 625 : i32
    %mul3A_24 = arith.muli %arg1, %mul3A_23 : i32
    %dma_wait3A = arith.constant 0 : i32
    %dma_wait3A_25 = tpu.memref_slice %arg8[%mul3A_24, %dma_wait3A] : memref<10000x64xf32, #tpu.memory_space<vmem_shared>> -> memref<625x64xf32, #tpu.memory_space<vmem_shared>>
    %dma_wait3A_26 = tpu.memref_slice %arg2[%mul3A_22, %mul3A_0] : memref<10000x128xf32, #tpu.memory_space<hbm>> -> memref<625x64xf32, #tpu.memory_space<hbm>>
    tpu.wait_dma2 semaphore(%arg14 : memref<!tpu.dma_semaphore, #tpu.memory_space<semaphore_mem>>) src(%dma_wait3A_26 : memref<625x64xf32, #tpu.memory_space<hbm>>) dst(%dma_wait3A_25 : memref<625x64xf32, #tpu.memory_space<vmem_shared>>)
    %barrier3A = arith.constant 0 : index
    tpu.barrier barrier_id(%barrier3A)
    %scan3A_27 = arith.constant 0 : i32
    %scan3A_28 = arith.constant 0 : i32
    %scan3A_29 = arith.constant 4 : i32
    %scan3A_30 = arith.addi %scan3A_28, %scan3A_29 : i32
    %scan3A_31 = arith.constant 1 : i32
    scf.for %scan3A_44 = %scan3A_28 to %scan3A_30 step %scan3A_31  : i32 {
      %mul3A_45 = arith.constant 39 : i32
      %mul3A_46 = arith.muli %scan3A_44, %mul3A_45 : i32
      %add3A_47 = arith.addi %add3A, %mul3A_46 : i32
      %mul3A_48 = arith.constant 128 : i32
      %mul3A_49 = arith.muli %add3A_47, %mul3A_48 : i32
      %run_scoped3A = arith.constant 0 : i32
      "tpu.region"() ({
        %run_scoped3A_132 = tpu.sem_alloc : memref<!tpu.dma_semaphore, #tpu.memory_space<semaphore_mem>>
        %dma_start3A_133 = arith.constant 0 : i32
        %dma_start3A_134 = tpu.memref_slice %arg5[%dma_start3A_133] : memref<4992xi32, #tpu.memory_space<vmem>> -> memref<4992xi32, #tpu.memory_space<vmem>>
        %dma_start3A_135 = tpu.memref_slice %arg3[%run_scoped3A, %mul3A_49] : memref<2x320000xi32, #tpu.memory_space<hbm>> -> memref<1x4992xi32, #tpu.memory_space<hbm>>
        %dma_start3A_136 = tpu.memref_squeeze %dma_start3A_135 : memref<1x4992xi32, #tpu.memory_space<hbm>> -> memref<4992xi32, #tpu.memory_space<hbm>>
        %dma_start3A_137 = arith.constant 0 : i32
        %dma_start3A_138 = tpu.memref_slice %arg5[%dma_start3A_137] : memref<4992xi32, #tpu.memory_space<vmem>> -> memref<4992xi32, #tpu.memory_space<vmem>>
        %dma_start3A_139 = tpu.memref_slice %arg3[%run_scoped3A, %mul3A_49] : memref<2x320000xi32, #tpu.memory_space<hbm>> -> memref<1x4992xi32, #tpu.memory_space<hbm>>
        %dma_start3A_140 = tpu.memref_squeeze %dma_start3A_139 : memref<1x4992xi32, #tpu.memory_space<hbm>> -> memref<4992xi32, #tpu.memory_space<hbm>>
        tpu.enqueue_dma source(%dma_start3A_140 : memref<4992xi32, #tpu.memory_space<hbm>>) target(%dma_start3A_138 : memref<4992xi32, #tpu.memory_space<vmem>>) target_semaphore(%run_scoped3A_132 : memref<!tpu.dma_semaphore, #tpu.memory_space<semaphore_mem>>)
        %dma_wait3A_141 = arith.constant 0 : i32
        %dma_wait3A_142 = tpu.memref_slice %arg5[%dma_wait3A_141] : memref<4992xi32, #tpu.memory_space<vmem>> -> memref<4992xi32, #tpu.memory_space<vmem>>
        %dma_wait3A_143 = tpu.memref_slice %arg3[%run_scoped3A, %mul3A_49] : memref<2x320000xi32, #tpu.memory_space<hbm>> -> memref<1x4992xi32, #tpu.memory_space<hbm>>
        %dma_wait3A_144 = tpu.memref_squeeze %dma_wait3A_143 : memref<1x4992xi32, #tpu.memory_space<hbm>> -> memref<4992xi32, #tpu.memory_space<hbm>>
        %dma_wait3A_145 = arith.constant 0 : i32
        %dma_wait3A_146 = tpu.memref_slice %arg5[%dma_wait3A_145] : memref<4992xi32, #tpu.memory_space<vmem>> -> memref<4992xi32, #tpu.memory_space<vmem>>
        %dma_wait3A_147 = tpu.memref_slice %arg3[%run_scoped3A, %mul3A_49] : memref<2x320000xi32, #tpu.memory_space<hbm>> -> memref<1x4992xi32, #tpu.memory_space<hbm>>
        %dma_wait3A_148 = tpu.memref_squeeze %dma_wait3A_147 : memref<1x4992xi32, #tpu.memory_space<hbm>> -> memref<4992xi32, #tpu.memory_space<hbm>>
        tpu.wait_dma2 semaphore(%run_scoped3A_132 : memref<!tpu.dma_semaphore, #tpu.memory_space<semaphore_mem>>) src(%dma_wait3A_148 : memref<4992xi32, #tpu.memory_space<hbm>>) dst(%dma_wait3A_146 : memref<4992xi32, #tpu.memory_space<vmem>>)
        tpu.yield
      }) : () -> ()
      %mul3A_50 = arith.constant 128 : i32
      %mul3A_51 = arith.muli %add3A_47, %mul3A_50 : i32
      %run_scoped3A_52 = arith.constant 1 : i32
      "tpu.region"() ({
        %run_scoped3A_132 = tpu.sem_alloc : memref<!tpu.dma_semaphore, #tpu.memory_space<semaphore_mem>>
        %dma_start3A_133 = arith.constant 0 : i32
        %dma_start3A_134 = tpu.memref_slice %arg6[%dma_start3A_133] : memref<4992xi32, #tpu.memory_space<vmem>> -> memref<4992xi32, #tpu.memory_space<vmem>>
        %dma_start3A_135 = tpu.memref_slice %arg3[%run_scoped3A_52, %mul3A_51] : memref<2x320000xi32, #tpu.memory_space<hbm>> -> memref<1x4992xi32, #tpu.memory_space<hbm>>
        %dma_start3A_136 = tpu.memref_squeeze %dma_start3A_135 : memref<1x4992xi32, #tpu.memory_space<hbm>> -> memref<4992xi32, #tpu.memory_space<hbm>>
        %dma_start3A_137 = arith.constant 0 : i32
        %dma_start3A_138 = tpu.memref_slice %arg6[%dma_start3A_137] : memref<4992xi32, #tpu.memory_space<vmem>> -> memref<4992xi32, #tpu.memory_space<vmem>>
        %dma_start3A_139 = tpu.memref_slice %arg3[%run_scoped3A_52, %mul3A_51] : memref<2x320000xi32, #tpu.memory_space<hbm>> -> memref<1x4992xi32, #tpu.memory_space<hbm>>
        %dma_start3A_140 = tpu.memref_squeeze %dma_start3A_139 : memref<1x4992xi32, #tpu.memory_space<hbm>> -> memref<4992xi32, #tpu.memory_space<hbm>>
        tpu.enqueue_dma source(%dma_start3A_140 : memref<4992xi32, #tpu.memory_space<hbm>>) target(%dma_start3A_138 : memref<4992xi32, #tpu.memory_space<vmem>>) target_semaphore(%run_scoped3A_132 : memref<!tpu.dma_semaphore, #tpu.memory_space<semaphore_mem>>)
        %dma_wait3A_141 = arith.constant 0 : i32
        %dma_wait3A_142 = tpu.memref_slice %arg6[%dma_wait3A_141] : memref<4992xi32, #tpu.memory_space<vmem>> -> memref<4992xi32, #tpu.memory_space<vmem>>
        %dma_wait3A_143 = tpu.memref_slice %arg3[%run_scoped3A_52, %mul3A_51] : memref<2x320000xi32, #tpu.memory_space<hbm>> -> memref<1x4992xi32, #tpu.memory_space<hbm>>
        %dma_wait3A_144 = tpu.memref_squeeze %dma_wait3A_143 : memref<1x4992xi32, #tpu.memory_space<hbm>> -> memref<4992xi32, #tpu.memory_space<hbm>>
        %dma_wait3A_145 = arith.constant 0 : i32
        %dma_wait3A_146 = tpu.memref_slice %arg6[%dma_wait3A_145] : memref<4992xi32, #tpu.memory_space<vmem>> -> memref<4992xi32, #tpu.memory_space<vmem>>
        %dma_wait3A_147 = tpu.memref_slice %arg3[%run_scoped3A_52, %mul3A_51] : memref<2x320000xi32, #tpu.memory_space<hbm>> -> memref<1x4992xi32, #tpu.memory_space<hbm>>
        %dma_wait3A_148 = tpu.memref_squeeze %dma_wait3A_147 : memref<1x4992xi32, #tpu.memory_space<hbm>> -> memref<4992xi32, #tpu.memory_space<hbm>>
        tpu.wait_dma2 semaphore(%run_scoped3A_132 : memref<!tpu.dma_semaphore, #tpu.memory_space<semaphore_mem>>) src(%dma_wait3A_148 : memref<4992xi32, #tpu.memory_space<hbm>>) dst(%dma_wait3A_146 : memref<4992xi32, #tpu.memory_space<vmem>>)
        tpu.yield
      }) : () -> ()
      %dma_start3A_53 = arith.constant 0 : i32
      %dma_start3A_54 = arith.constant 0 : i32
      %dma_start3A_55 = arith.constant 0 : i32
      %dma_start3A_56 = tpu.memref_slice %arg7[%dma_start3A_53, %dma_start3A_54, %dma_start3A_55] : memref<4x128x64xf32, #tpu.memory_space<vmem>> -> memref<1x128x64xf32, #tpu.memory_space<vmem>>
      %dma_start3A_57 = tpu.memref_squeeze %dma_start3A_56 : memref<1x128x64xf32, #tpu.memory_space<vmem>> -> memref<128x64xf32, #tpu.memory_space<vmem>>
      %dma_start3A_58 = arith.constant 0 : i32
      %dma_start3A_59 = tpu.memref_slice %arg5[%dma_start3A_58] : memref<4992xi32, #tpu.memory_space<vmem>> -> memref<128xi32, #tpu.memory_space<vmem>>
      %dma_start3A_60 = arith.constant 0 : i32
      %dma_start3A_61 = arith.constant 0 : i32
      %dma_start3A_62 = tpu.memref_slice %arg8[%dma_start3A_60, %dma_start3A_61] : memref<10000x64xf32, #tpu.memory_space<vmem_shared>> -> memref<10000x64xf32, #tpu.memory_space<vmem_shared>>
      tpu.enqueue_indirect_dma source(%dma_start3A_62 : memref<10000x64xf32, #tpu.memory_space<vmem_shared>>) target(%dma_start3A_57 : memref<128x64xf32, #tpu.memory_space<vmem>>) offsets(%dma_start3A_59 : memref<128xi32, #tpu.memory_space<vmem>>) semaphore(%arg10 : memref<!tpu.dma_semaphore, #tpu.memory_space<semaphore_mem>>)
      %dma_start3A_63 = arith.constant 1 : i32
      %dma_start3A_64 = arith.constant 0 : i32
      %dma_start3A_65 = arith.constant 0 : i32
      %dma_start3A_66 = tpu.memref_slice %arg7[%dma_start3A_63, %dma_start3A_64, %dma_start3A_65] : memref<4x128x64xf32, #tpu.memory_space<vmem>> -> memref<1x128x64xf32, #tpu.memory_space<vmem>>
      %dma_start3A_67 = tpu.memref_squeeze %dma_start3A_66 : memref<1x128x64xf32, #tpu.memory_space<vmem>> -> memref<128x64xf32, #tpu.memory_space<vmem>>
      %dma_start3A_68 = arith.constant 128 : i32
      %dma_start3A_69 = tpu.memref_slice %arg5[%dma_start3A_68] : memref<4992xi32, #tpu.memory_space<vmem>> -> memref<128xi32, #tpu.memory_space<vmem>>
      %dma_start3A_70 = arith.constant 0 : i32
      %dma_start3A_71 = arith.constant 0 : i32
      %dma_start3A_72 = tpu.memref_slice %arg8[%dma_start3A_70, %dma_start3A_71] : memref<10000x64xf32, #tpu.memory_space<vmem_shared>> -> memref<10000x64xf32, #tpu.memory_space<vmem_shared>>
      tpu.enqueue_indirect_dma source(%dma_start3A_72 : memref<10000x64xf32, #tpu.memory_space<vmem_shared>>) target(%dma_start3A_67 : memref<128x64xf32, #tpu.memory_space<vmem>>) offsets(%dma_start3A_69 : memref<128xi32, #tpu.memory_space<vmem>>) semaphore(%arg11 : memref<!tpu.dma_semaphore, #tpu.memory_space<semaphore_mem>>)
      %dma_start3A_73 = arith.constant 2 : i32
      %dma_start3A_74 = arith.constant 0 : i32
      %dma_start3A_75 = arith.constant 0 : i32
      %dma_start3A_76 = tpu.memref_slice %arg7[%dma_start3A_73, %dma_start3A_74, %dma_start3A_75] : memref<4x128x64xf32, #tpu.memory_space<vmem>> -> memref<1x128x64xf32, #tpu.memory_space<vmem>>
      %dma_start3A_77 = tpu.memref_squeeze %dma_start3A_76 : memref<1x128x64xf32, #tpu.memory_space<vmem>> -> memref<128x64xf32, #tpu.memory_space<vmem>>
      %dma_start3A_78 = arith.constant 256 : i32
      %dma_start3A_79 = tpu.memref_slice %arg5[%dma_start3A_78] : memref<4992xi32, #tpu.memory_space<vmem>> -> memref<128xi32, #tpu.memory_space<vmem>>
      %dma_start3A_80 = arith.constant 0 : i32
      %dma_start3A_81 = arith.constant 0 : i32
      %dma_start3A_82 = tpu.memref_slice %arg8[%dma_start3A_80, %dma_start3A_81] : memref<10000x64xf32, #tpu.memory_space<vmem_shared>> -> memref<10000x64xf32, #tpu.memory_space<vmem_shared>>
      tpu.enqueue_indirect_dma source(%dma_start3A_82 : memref<10000x64xf32, #tpu.memory_space<vmem_shared>>) target(%dma_start3A_77 : memref<128x64xf32, #tpu.memory_space<vmem>>) offsets(%dma_start3A_79 : memref<128xi32, #tpu.memory_space<vmem>>) semaphore(%arg12 : memref<!tpu.dma_semaphore, #tpu.memory_space<semaphore_mem>>)
      %dma_start3A_83 = arith.constant 3 : i32
      %dma_start3A_84 = arith.constant 0 : i32
      %dma_start3A_85 = arith.constant 0 : i32
      %dma_start3A_86 = tpu.memref_slice %arg7[%dma_start3A_83, %dma_start3A_84, %dma_start3A_85] : memref<4x128x64xf32, #tpu.memory_space<vmem>> -> memref<1x128x64xf32, #tpu.memory_space<vmem>>
      %dma_start3A_87 = tpu.memref_squeeze %dma_start3A_86 : memref<1x128x64xf32, #tpu.memory_space<vmem>> -> memref<128x64xf32, #tpu.memory_space<vmem>>
      %dma_start3A_88 = arith.constant 384 : i32
      %dma_start3A_89 = tpu.memref_slice %arg5[%dma_start3A_88] : memref<4992xi32, #tpu.memory_space<vmem>> -> memref<128xi32, #tpu.memory_space<vmem>>
      %dma_start3A_90 = arith.constant 0 : i32
      %dma_start3A_91 = arith.constant 0 : i32
      %dma_start3A_92 = tpu.memref_slice %arg8[%dma_start3A_90, %dma_start3A_91] : memref<10000x64xf32, #tpu.memory_space<vmem_shared>> -> memref<10000x64xf32, #tpu.memory_space<vmem_shared>>
      tpu.enqueue_indirect_dma source(%dma_start3A_92 : memref<10000x64xf32, #tpu.memory_space<vmem_shared>>) target(%dma_start3A_87 : memref<128x64xf32, #tpu.memory_space<vmem>>) offsets(%dma_start3A_89 : memref<128xi32, #tpu.memory_space<vmem>>) semaphore(%arg13 : memref<!tpu.dma_semaphore, #tpu.memory_space<semaphore_mem>>)
      %scan3A_93 = arith.constant 0 : i32
      %scan3A_94 = arith.constant 0 : i32
      %scan3A_95 = arith.constant 9 : i32
      %scan3A_96 = arith.addi %scan3A_94, %scan3A_95 : i32
      %scan3A_97 = arith.constant 1 : i32
      scf.for %scan3A_132 = %scan3A_94 to %scan3A_96 step %scan3A_97  : i32 {
        %mul3A_133 = arith.constant 4 : i32
        %mul3A_134 = arith.muli %mul3A_133, %scan3A_132 : i32
        %add3A_135 = arith.constant 0 : i32
        %add3A_136 = arith.addi %mul3A_134, %add3A_135 : i32
        %mul3A_137 = arith.constant 128 : i32
        %mul3A_138 = arith.muli %add3A_136, %mul3A_137 : i32
        %dma_wait3A_139 = arith.constant 0 : i32
        %dma_wait3A_140 = arith.constant 0 : i32
        %dma_wait3A_141 = arith.constant 0 : i32
        %dma_wait3A_142 = tpu.memref_slice %arg7[%dma_wait3A_139, %dma_wait3A_140, %dma_wait3A_141] : memref<4x128x64xf32, #tpu.memory_space<vmem>> -> memref<1x128x64xf32, #tpu.memory_space<vmem>>
        %dma_wait3A_143 = tpu.memref_squeeze %dma_wait3A_142 : memref<1x128x64xf32, #tpu.memory_space<vmem>> -> memref<128x64xf32, #tpu.memory_space<vmem>>
        %dma_wait3A_144 = tpu.memref_slice %arg5[%mul3A_138] : memref<4992xi32, #tpu.memory_space<vmem>> -> memref<128xi32, #tpu.memory_space<vmem>>
        %dma_wait3A_145 = arith.constant 0 : i32
        %dma_wait3A_146 = arith.constant 0 : i32
        %dma_wait3A_147 = tpu.memref_slice %arg8[%dma_wait3A_145, %dma_wait3A_146] : memref<10000x64xf32, #tpu.memory_space<vmem_shared>> -> memref<10000x64xf32, #tpu.memory_space<vmem_shared>>
        tpu.wait_indirect_dma semaphore(%arg10 : memref<!tpu.dma_semaphore, #tpu.memory_space<semaphore_mem>>) src(%dma_wait3A_147 : memref<10000x64xf32, #tpu.memory_space<vmem_shared>>) dst(%dma_wait3A_143 : memref<128x64xf32, #tpu.memory_space<vmem>>)
        %mul3A_148 = arith.constant 128 : i32
        %mul3A_149 = arith.muli %add3A_136, %mul3A_148 : i32
        %run_scoped3A_150 = arith.constant 0 : i32
        "tpu.region"() ({
          %run_scoped3A_233 = tpu.sem_alloc : memref<!tpu.dma_semaphore, #tpu.memory_space<semaphore_mem>>
          %dma_start3A_234 = arith.constant 0 : i32
          %dma_start3A_235 = arith.constant 0 : i32
          %dma_start3A_236 = tpu.memref_slice %arg7[%run_scoped3A_150, %dma_start3A_234, %dma_start3A_235] : memref<4x128x64xf32, #tpu.memory_space<vmem>> -> memref<1x128x64xf32, #tpu.memory_space<vmem>>
          %dma_start3A_237 = tpu.memref_squeeze %dma_start3A_236 : memref<1x128x64xf32, #tpu.memory_space<vmem>> -> memref<128x64xf32, #tpu.memory_space<vmem>>
          %dma_start3A_238 = tpu.memref_slice %arg6[%mul3A_149] : memref<4992xi32, #tpu.memory_space<vmem>> -> memref<128xi32, #tpu.memory_space<vmem>>
          %dma_start3A_239 = arith.constant 0 : i32
          %dma_start3A_240 = arith.constant 0 : i32
          %dma_start3A_241 = tpu.memref_slice %arg9[%dma_start3A_239, %dma_start3A_240] : memref<10240x64xf32, #tpu.memory_space<vmem_shared>> -> memref<10240x64xf32, #tpu.memory_space<vmem_shared>>
          tpu.enqueue_indirect_dma source(%dma_start3A_237 : memref<128x64xf32, #tpu.memory_space<vmem>>) target(%dma_start3A_241 : memref<10240x64xf32, #tpu.memory_space<vmem_shared>>) offsets(%dma_start3A_238 : memref<128xi32, #tpu.memory_space<vmem>>) semaphore(%run_scoped3A_233 : memref<!tpu.dma_semaphore, #tpu.memory_space<semaphore_mem>>) {add = true}
          %dma_wait3A_242 = arith.constant 0 : i32
          %dma_wait3A_243 = arith.constant 0 : i32
          %dma_wait3A_244 = tpu.memref_slice %arg7[%run_scoped3A_150, %dma_wait3A_242, %dma_wait3A_243] : memref<4x128x64xf32, #tpu.memory_space<vmem>> -> memref<1x128x64xf32, #tpu.memory_space<vmem>>
          %dma_wait3A_245 = tpu.memref_squeeze %dma_wait3A_244 : memref<1x128x64xf32, #tpu.memory_space<vmem>> -> memref<128x64xf32, #tpu.memory_space<vmem>>
          %dma_wait3A_246 = tpu.memref_slice %arg6[%mul3A_149] : memref<4992xi32, #tpu.memory_space<vmem>> -> memref<128xi32, #tpu.memory_space<vmem>>
          %dma_wait3A_247 = arith.constant 0 : i32
          %dma_wait3A_248 = arith.constant 0 : i32
          %dma_wait3A_249 = tpu.memref_slice %arg9[%dma_wait3A_247, %dma_wait3A_248] : memref<10240x64xf32, #tpu.memory_space<vmem_shared>> -> memref<10240x64xf32, #tpu.memory_space<vmem_shared>>
          tpu.wait_indirect_dma semaphore(%run_scoped3A_233 : memref<!tpu.dma_semaphore, #tpu.memory_space<semaphore_mem>>) src(%dma_wait3A_245 : memref<128x64xf32, #tpu.memory_space<vmem>>) dst(%dma_wait3A_249 : memref<10240x64xf32, #tpu.memory_space<vmem_shared>>)
          tpu.yield
        }) : () -> ()
        %add3A_151 = arith.constant 4 : i32
        %add3A_152 = arith.addi %add3A_136, %add3A_151 : i32
        %lt3A_153 = arith.constant 39 : i32
        %lt3A_154 = arith.cmpi slt, %add3A_152, %lt3A_153 : i32
        %convert_element_type3A_155 = arith.extui %lt3A_154 : i1 to i32
        %cond3A_156 = arith.constant 0 : i32
        %cond3A_157 = arith.cmpi ne, %convert_element_type3A_155, %cond3A_156 : i32
        scf.if %cond3A_157 {
          %add3A_233 = arith.constant 4 : i32
          %add3A_234 = arith.addi %add3A_136, %add3A_233 : i32
          %mul3A_235 = arith.constant 128 : i32
          %mul3A_236 = arith.muli %add3A_234, %mul3A_235 : i32
          %dma_start3A_237 = arith.constant 0 : i32
          %dma_start3A_238 = arith.constant 0 : i32
          %dma_start3A_239 = arith.constant 0 : i32
          %dma_start3A_240 = tpu.memref_slice %arg7[%dma_start3A_237, %dma_start3A_238, %dma_start3A_239] : memref<4x128x64xf32, #tpu.memory_space<vmem>> -> memref<1x128x64xf32, #tpu.memory_space<vmem>>
          %dma_start3A_241 = tpu.memref_squeeze %dma_start3A_240 : memref<1x128x64xf32, #tpu.memory_space<vmem>> -> memref<128x64xf32, #tpu.memory_space<vmem>>
          %dma_start3A_242 = tpu.memref_slice %arg5[%mul3A_236] : memref<4992xi32, #tpu.memory_space<vmem>> -> memref<128xi32, #tpu.memory_space<vmem>>
          %dma_start3A_243 = arith.constant 0 : i32
          %dma_start3A_244 = arith.constant 0 : i32
          %dma_start3A_245 = tpu.memref_slice %arg8[%dma_start3A_243, %dma_start3A_244] : memref<10000x64xf32, #tpu.memory_space<vmem_shared>> -> memref<10000x64xf32, #tpu.memory_space<vmem_shared>>
          tpu.enqueue_indirect_dma source(%dma_start3A_245 : memref<10000x64xf32, #tpu.memory_space<vmem_shared>>) target(%dma_start3A_241 : memref<128x64xf32, #tpu.memory_space<vmem>>) offsets(%dma_start3A_242 : memref<128xi32, #tpu.memory_space<vmem>>) semaphore(%arg10 : memref<!tpu.dma_semaphore, #tpu.memory_space<semaphore_mem>>)
        } else {
        }
        %mul3A_158 = arith.constant 4 : i32
        %mul3A_159 = arith.muli %mul3A_158, %scan3A_132 : i32
        %add3A_160 = arith.constant 1 : i32
        %add3A_161 = arith.addi %mul3A_159, %add3A_160 : i32
        %mul3A_162 = arith.constant 128 : i32
        %mul3A_163 = arith.muli %add3A_161, %mul3A_162 : i32
        %dma_wait3A_164 = arith.constant 1 : i32
        %dma_wait3A_165 = arith.constant 0 : i32
        %dma_wait3A_166 = arith.constant 0 : i32
        %dma_wait3A_167 = tpu.memref_slice %arg7[%dma_wait3A_164, %dma_wait3A_165, %dma_wait3A_166] : memref<4x128x64xf32, #tpu.memory_space<vmem>> -> memref<1x128x64xf32, #tpu.memory_space<vmem>>
        %dma_wait3A_168 = tpu.memref_squeeze %dma_wait3A_167 : memref<1x128x64xf32, #tpu.memory_space<vmem>> -> memref<128x64xf32, #tpu.memory_space<vmem>>
        %dma_wait3A_169 = tpu.memref_slice %arg5[%mul3A_163] : memref<4992xi32, #tpu.memory_space<vmem>> -> memref<128xi32, #tpu.memory_space<vmem>>
        %dma_wait3A_170 = arith.constant 0 : i32
        %dma_wait3A_171 = arith.constant 0 : i32
        %dma_wait3A_172 = tpu.memref_slice %arg8[%dma_wait3A_170, %dma_wait3A_171] : memref<10000x64xf32, #tpu.memory_space<vmem_shared>> -> memref<10000x64xf32, #tpu.memory_space<vmem_shared>>
        tpu.wait_indirect_dma semaphore(%arg11 : memref<!tpu.dma_semaphore, #tpu.memory_space<semaphore_mem>>) src(%dma_wait3A_172 : memref<10000x64xf32, #tpu.memory_space<vmem_shared>>) dst(%dma_wait3A_168 : memref<128x64xf32, #tpu.memory_space<vmem>>)
        %mul3A_173 = arith.constant 128 : i32
        %mul3A_174 = arith.muli %add3A_161, %mul3A_173 : i32
        %run_scoped3A_175 = arith.constant 1 : i32
        "tpu.region"() ({
          %run_scoped3A_233 = tpu.sem_alloc : memref<!tpu.dma_semaphore, #tpu.memory_space<semaphore_mem>>
          %dma_start3A_234 = arith.constant 0 : i32
          %dma_start3A_235 = arith.constant 0 : i32
          %dma_start3A_236 = tpu.memref_slice %arg7[%run_scoped3A_175, %dma_start3A_234, %dma_start3A_235] : memref<4x128x64xf32, #tpu.memory_space<vmem>> -> memref<1x128x64xf32, #tpu.memory_space<vmem>>
          %dma_start3A_237 = tpu.memref_squeeze %dma_start3A_236 : memref<1x128x64xf32, #tpu.memory_space<vmem>> -> memref<128x64xf32, #tpu.memory_space<vmem>>
          %dma_start3A_238 = tpu.memref_slice %arg6[%mul3A_174] : memref<4992xi32, #tpu.memory_space<vmem>> -> memref<128xi32, #tpu.memory_space<vmem>>
          %dma_start3A_239 = arith.constant 0 : i32
          %dma_start3A_240 = arith.constant 0 : i32
          %dma_start3A_241 = tpu.memref_slice %arg9[%dma_start3A_239, %dma_start3A_240] : memref<10240x64xf32, #tpu.memory_space<vmem_shared>> -> memref<10240x64xf32, #tpu.memory_space<vmem_shared>>
          tpu.enqueue_indirect_dma source(%dma_start3A_237 : memref<128x64xf32, #tpu.memory_space<vmem>>) target(%dma_start3A_241 : memref<10240x64xf32, #tpu.memory_space<vmem_shared>>) offsets(%dma_start3A_238 : memref<128xi32, #tpu.memory_space<vmem>>) semaphore(%run_scoped3A_233 : memref<!tpu.dma_semaphore, #tpu.memory_space<semaphore_mem>>) {add = true}
          %dma_wait3A_242 = arith.constant 0 : i32
          %dma_wait3A_243 = arith.constant 0 : i32
          %dma_wait3A_244 = tpu.memref_slice %arg7[%run_scoped3A_175, %dma_wait3A_242, %dma_wait3A_243] : memref<4x128x64xf32, #tpu.memory_space<vmem>> -> memref<1x128x64xf32, #tpu.memory_space<vmem>>
          %dma_wait3A_245 = tpu.memref_squeeze %dma_wait3A_244 : memref<1x128x64xf32, #tpu.memory_space<vmem>> -> memref<128x64xf32, #tpu.memory_space<vmem>>
          %dma_wait3A_246 = tpu.memref_slice %arg6[%mul3A_174] : memref<4992xi32, #tpu.memory_space<vmem>> -> memref<128xi32, #tpu.memory_space<vmem>>
          %dma_wait3A_247 = arith.constant 0 : i32
          %dma_wait3A_248 = arith.constant 0 : i32
          %dma_wait3A_249 = tpu.memref_slice %arg9[%dma_wait3A_247, %dma_wait3A_248] : memref<10240x64xf32, #tpu.memory_space<vmem_shared>> -> memref<10240x64xf32, #tpu.memory_space<vmem_shared>>
          tpu.wait_indirect_dma semaphore(%run_scoped3A_233 : memref<!tpu.dma_semaphore, #tpu.memory_space<semaphore_mem>>) src(%dma_wait3A_245 : memref<128x64xf32, #tpu.memory_space<vmem>>) dst(%dma_wait3A_249 : memref<10240x64xf32, #tpu.memory_space<vmem_shared>>)
          tpu.yield
        }) : () -> ()
        %add3A_176 = arith.constant 4 : i32
        %add3A_177 = arith.addi %add3A_161, %add3A_176 : i32
        %lt3A_178 = arith.constant 39 : i32
        %lt3A_179 = arith.cmpi slt, %add3A_177, %lt3A_178 : i32
        %convert_element_type3A_180 = arith.extui %lt3A_179 : i1 to i32
        %cond3A_181 = arith.constant 0 : i32
        %cond3A_182 = arith.cmpi ne, %convert_element_type3A_180, %cond3A_181 : i32
        scf.if %cond3A_182 {
          %add3A_233 = arith.constant 4 : i32
          %add3A_234 = arith.addi %add3A_161, %add3A_233 : i32
          %mul3A_235 = arith.constant 128 : i32
          %mul3A_236 = arith.muli %add3A_234, %mul3A_235 : i32
          %dma_start3A_237 = arith.constant 1 : i32
          %dma_start3A_238 = arith.constant 0 : i32
          %dma_start3A_239 = arith.constant 0 : i32
          %dma_start3A_240 = tpu.memref_slice %arg7[%dma_start3A_237, %dma_start3A_238, %dma_start3A_239] : memref<4x128x64xf32, #tpu.memory_space<vmem>> -> memref<1x128x64xf32, #tpu.memory_space<vmem>>
          %dma_start3A_241 = tpu.memref_squeeze %dma_start3A_240 : memref<1x128x64xf32, #tpu.memory_space<vmem>> -> memref<128x64xf32, #tpu.memory_space<vmem>>
          %dma_start3A_242 = tpu.memref_slice %arg5[%mul3A_236] : memref<4992xi32, #tpu.memory_space<vmem>> -> memref<128xi32, #tpu.memory_space<vmem>>
          %dma_start3A_243 = arith.constant 0 : i32
          %dma_start3A_244 = arith.constant 0 : i32
          %dma_start3A_245 = tpu.memref_slice %arg8[%dma_start3A_243, %dma_start3A_244] : memref<10000x64xf32, #tpu.memory_space<vmem_shared>> -> memref<10000x64xf32, #tpu.memory_space<vmem_shared>>
          tpu.enqueue_indirect_dma source(%dma_start3A_245 : memref<10000x64xf32, #tpu.memory_space<vmem_shared>>) target(%dma_start3A_241 : memref<128x64xf32, #tpu.memory_space<vmem>>) offsets(%dma_start3A_242 : memref<128xi32, #tpu.memory_space<vmem>>) semaphore(%arg11 : memref<!tpu.dma_semaphore, #tpu.memory_space<semaphore_mem>>)
        } else {
        }
        %mul3A_183 = arith.constant 4 : i32
        %mul3A_184 = arith.muli %mul3A_183, %scan3A_132 : i32
        %add3A_185 = arith.constant 2 : i32
        %add3A_186 = arith.addi %mul3A_184, %add3A_185 : i32
        %mul3A_187 = arith.constant 128 : i32
        %mul3A_188 = arith.muli %add3A_186, %mul3A_187 : i32
        %dma_wait3A_189 = arith.constant 2 : i32
        %dma_wait3A_190 = arith.constant 0 : i32
        %dma_wait3A_191 = arith.constant 0 : i32
        %dma_wait3A_192 = tpu.memref_slice %arg7[%dma_wait3A_189, %dma_wait3A_190, %dma_wait3A_191] : memref<4x128x64xf32, #tpu.memory_space<vmem>> -> memref<1x128x64xf32, #tpu.memory_space<vmem>>
        %dma_wait3A_193 = tpu.memref_squeeze %dma_wait3A_192 : memref<1x128x64xf32, #tpu.memory_space<vmem>> -> memref<128x64xf32, #tpu.memory_space<vmem>>
        %dma_wait3A_194 = tpu.memref_slice %arg5[%mul3A_188] : memref<4992xi32, #tpu.memory_space<vmem>> -> memref<128xi32, #tpu.memory_space<vmem>>
        %dma_wait3A_195 = arith.constant 0 : i32
        %dma_wait3A_196 = arith.constant 0 : i32
        %dma_wait3A_197 = tpu.memref_slice %arg8[%dma_wait3A_195, %dma_wait3A_196] : memref<10000x64xf32, #tpu.memory_space<vmem_shared>> -> memref<10000x64xf32, #tpu.memory_space<vmem_shared>>
        tpu.wait_indirect_dma semaphore(%arg12 : memref<!tpu.dma_semaphore, #tpu.memory_space<semaphore_mem>>) src(%dma_wait3A_197 : memref<10000x64xf32, #tpu.memory_space<vmem_shared>>) dst(%dma_wait3A_193 : memref<128x64xf32, #tpu.memory_space<vmem>>)
        %mul3A_198 = arith.constant 128 : i32
        %mul3A_199 = arith.muli %add3A_186, %mul3A_198 : i32
        %run_scoped3A_200 = arith.constant 2 : i32
        "tpu.region"() ({
          %run_scoped3A_233 = tpu.sem_alloc : memref<!tpu.dma_semaphore, #tpu.memory_space<semaphore_mem>>
          %dma_start3A_234 = arith.constant 0 : i32
          %dma_start3A_235 = arith.constant 0 : i32
          %dma_start3A_236 = tpu.memref_slice %arg7[%run_scoped3A_200, %dma_start3A_234, %dma_start3A_235] : memref<4x128x64xf32, #tpu.memory_space<vmem>> -> memref<1x128x64xf32, #tpu.memory_space<vmem>>
          %dma_start3A_237 = tpu.memref_squeeze %dma_start3A_236 : memref<1x128x64xf32, #tpu.memory_space<vmem>> -> memref<128x64xf32, #tpu.memory_space<vmem>>
          %dma_start3A_238 = tpu.memref_slice %arg6[%mul3A_199] : memref<4992xi32, #tpu.memory_space<vmem>> -> memref<128xi32, #tpu.memory_space<vmem>>
          %dma_start3A_239 = arith.constant 0 : i32
          %dma_start3A_240 = arith.constant 0 : i32
          %dma_start3A_241 = tpu.memref_slice %arg9[%dma_start3A_239, %dma_start3A_240] : memref<10240x64xf32, #tpu.memory_space<vmem_shared>> -> memref<10240x64xf32, #tpu.memory_space<vmem_shared>>
          tpu.enqueue_indirect_dma source(%dma_start3A_237 : memref<128x64xf32, #tpu.memory_space<vmem>>) target(%dma_start3A_241 : memref<10240x64xf32, #tpu.memory_space<vmem_shared>>) offsets(%dma_start3A_238 : memref<128xi32, #tpu.memory_space<vmem>>) semaphore(%run_scoped3A_233 : memref<!tpu.dma_semaphore, #tpu.memory_space<semaphore_mem>>) {add = true}
          %dma_wait3A_242 = arith.constant 0 : i32
          %dma_wait3A_243 = arith.constant 0 : i32
          %dma_wait3A_244 = tpu.memref_slice %arg7[%run_scoped3A_200, %dma_wait3A_242, %dma_wait3A_243] : memref<4x128x64xf32, #tpu.memory_space<vmem>> -> memref<1x128x64xf32, #tpu.memory_space<vmem>>
          %dma_wait3A_245 = tpu.memref_squeeze %dma_wait3A_244 : memref<1x128x64xf32, #tpu.memory_space<vmem>> -> memref<128x64xf32, #tpu.memory_space<vmem>>
          %dma_wait3A_246 = tpu.memref_slice %arg6[%mul3A_199] : memref<4992xi32, #tpu.memory_space<vmem>> -> memref<128xi32, #tpu.memory_space<vmem>>
          %dma_wait3A_247 = arith.constant 0 : i32
          %dma_wait3A_248 = arith.constant 0 : i32
          %dma_wait3A_249 = tpu.memref_slice %arg9[%dma_wait3A_247, %dma_wait3A_248] : memref<10240x64xf32, #tpu.memory_space<vmem_shared>> -> memref<10240x64xf32, #tpu.memory_space<vmem_shared>>
          tpu.wait_indirect_dma semaphore(%run_scoped3A_233 : memref<!tpu.dma_semaphore, #tpu.memory_space<semaphore_mem>>) src(%dma_wait3A_245 : memref<128x64xf32, #tpu.memory_space<vmem>>) dst(%dma_wait3A_249 : memref<10240x64xf32, #tpu.memory_space<vmem_shared>>)
          tpu.yield
        }) : () -> ()
        %add3A_201 = arith.constant 4 : i32
        %add3A_202 = arith.addi %add3A_186, %add3A_201 : i32
        %lt3A_203 = arith.constant 39 : i32
        %lt3A_204 = arith.cmpi slt, %add3A_202, %lt3A_203 : i32
        %convert_element_type3A_205 = arith.extui %lt3A_204 : i1 to i32
        %cond3A_206 = arith.constant 0 : i32
        %cond3A_207 = arith.cmpi ne, %convert_element_type3A_205, %cond3A_206 : i32
        scf.if %cond3A_207 {
          %add3A_233 = arith.constant 4 : i32
          %add3A_234 = arith.addi %add3A_186, %add3A_233 : i32
          %mul3A_235 = arith.constant 128 : i32
          %mul3A_236 = arith.muli %add3A_234, %mul3A_235 : i32
          %dma_start3A_237 = arith.constant 2 : i32
          %dma_start3A_238 = arith.constant 0 : i32
          %dma_start3A_239 = arith.constant 0 : i32
          %dma_start3A_240 = tpu.memref_slice %arg7[%dma_start3A_237, %dma_start3A_238, %dma_start3A_239] : memref<4x128x64xf32, #tpu.memory_space<vmem>> -> memref<1x128x64xf32, #tpu.memory_space<vmem>>
          %dma_start3A_241 = tpu.memref_squeeze %dma_start3A_240 : memref<1x128x64xf32, #tpu.memory_space<vmem>> -> memref<128x64xf32, #tpu.memory_space<vmem>>
          %dma_start3A_242 = tpu.memref_slice %arg5[%mul3A_236] : memref<4992xi32, #tpu.memory_space<vmem>> -> memref<128xi32, #tpu.memory_space<vmem>>
          %dma_start3A_243 = arith.constant 0 : i32
          %dma_start3A_244 = arith.constant 0 : i32
          %dma_start3A_245 = tpu.memref_slice %arg8[%dma_start3A_243, %dma_start3A_244] : memref<10000x64xf32, #tpu.memory_space<vmem_shared>> -> memref<10000x64xf32, #tpu.memory_space<vmem_shared>>
          tpu.enqueue_indirect_dma source(%dma_start3A_245 : memref<10000x64xf32, #tpu.memory_space<vmem_shared>>) target(%dma_start3A_241 : memref<128x64xf32, #tpu.memory_space<vmem>>) offsets(%dma_start3A_242 : memref<128xi32, #tpu.memory_space<vmem>>) semaphore(%arg12 : memref<!tpu.dma_semaphore, #tpu.memory_space<semaphore_mem>>)
        } else {
        }
        %mul3A_208 = arith.constant 4 : i32
        %mul3A_209 = arith.muli %mul3A_208, %scan3A_132 : i32
        %add3A_210 = arith.constant 3 : i32
        %add3A_211 = arith.addi %mul3A_209, %add3A_210 : i32
        %mul3A_212 = arith.constant 128 : i32
        %mul3A_213 = arith.muli %add3A_211, %mul3A_212 : i32
        %dma_wait3A_214 = arith.constant 3 : i32
        %dma_wait3A_215 = arith.constant 0 : i32
        %dma_wait3A_216 = arith.constant 0 : i32
        %dma_wait3A_217 = tpu.memref_slice %arg7[%dma_wait3A_214, %dma_wait3A_215, %dma_wait3A_216] : memref<4x128x64xf32, #tpu.memory_space<vmem>> -> memref<1x128x64xf32, #tpu.memory_space<vmem>>
        %dma_wait3A_218 = tpu.memref_squeeze %dma_wait3A_217 : memref<1x128x64xf32, #tpu.memory_space<vmem>> -> memref<128x64xf32, #tpu.memory_space<vmem>>
        %dma_wait3A_219 = tpu.memref_slice %arg5[%mul3A_213] : memref<4992xi32, #tpu.memory_space<vmem>> -> memref<128xi32, #tpu.memory_space<vmem>>
        %dma_wait3A_220 = arith.constant 0 : i32
        %dma_wait3A_221 = arith.constant 0 : i32
        %dma_wait3A_222 = tpu.memref_slice %arg8[%dma_wait3A_220, %dma_wait3A_221] : memref<10000x64xf32, #tpu.memory_space<vmem_shared>> -> memref<10000x64xf32, #tpu.memory_space<vmem_shared>>
        tpu.wait_indirect_dma semaphore(%arg13 : memref<!tpu.dma_semaphore, #tpu.memory_space<semaphore_mem>>) src(%dma_wait3A_222 : memref<10000x64xf32, #tpu.memory_space<vmem_shared>>) dst(%dma_wait3A_218 : memref<128x64xf32, #tpu.memory_space<vmem>>)
        %mul3A_223 = arith.constant 128 : i32
        %mul3A_224 = arith.muli %add3A_211, %mul3A_223 : i32
        %run_scoped3A_225 = arith.constant 3 : i32
        "tpu.region"() ({
          %run_scoped3A_233 = tpu.sem_alloc : memref<!tpu.dma_semaphore, #tpu.memory_space<semaphore_mem>>
          %dma_start3A_234 = arith.constant 0 : i32
          %dma_start3A_235 = arith.constant 0 : i32
          %dma_start3A_236 = tpu.memref_slice %arg7[%run_scoped3A_225, %dma_start3A_234, %dma_start3A_235] : memref<4x128x64xf32, #tpu.memory_space<vmem>> -> memref<1x128x64xf32, #tpu.memory_space<vmem>>
          %dma_start3A_237 = tpu.memref_squeeze %dma_start3A_236 : memref<1x128x64xf32, #tpu.memory_space<vmem>> -> memref<128x64xf32, #tpu.memory_space<vmem>>
          %dma_start3A_238 = tpu.memref_slice %arg6[%mul3A_224] : memref<4992xi32, #tpu.memory_space<vmem>> -> memref<128xi32, #tpu.memory_space<vmem>>
          %dma_start3A_239 = arith.constant 0 : i32
          %dma_start3A_240 = arith.constant 0 : i32
          %dma_start3A_241 = tpu.memref_slice %arg9[%dma_start3A_239, %dma_start3A_240] : memref<10240x64xf32, #tpu.memory_space<vmem_shared>> -> memref<10240x64xf32, #tpu.memory_space<vmem_shared>>
          tpu.enqueue_indirect_dma source(%dma_start3A_237 : memref<128x64xf32, #tpu.memory_space<vmem>>) target(%dma_start3A_241 : memref<10240x64xf32, #tpu.memory_space<vmem_shared>>) offsets(%dma_start3A_238 : memref<128xi32, #tpu.memory_space<vmem>>) semaphore(%run_scoped3A_233 : memref<!tpu.dma_semaphore, #tpu.memory_space<semaphore_mem>>) {add = true}
          %dma_wait3A_242 = arith.constant 0 : i32
          %dma_wait3A_243 = arith.constant 0 : i32
          %dma_wait3A_244 = tpu.memref_slice %arg7[%run_scoped3A_225, %dma_wait3A_242, %dma_wait3A_243] : memref<4x128x64xf32, #tpu.memory_space<vmem>> -> memref<1x128x64xf32, #tpu.memory_space<vmem>>
          %dma_wait3A_245 = tpu.memref_squeeze %dma_wait3A_244 : memref<1x128x64xf32, #tpu.memory_space<vmem>> -> memref<128x64xf32, #tpu.memory_space<vmem>>
          %dma_wait3A_246 = tpu.memref_slice %arg6[%mul3A_224] : memref<4992xi32, #tpu.memory_space<vmem>> -> memref<128xi32, #tpu.memory_space<vmem>>
          %dma_wait3A_247 = arith.constant 0 : i32
          %dma_wait3A_248 = arith.constant 0 : i32
          %dma_wait3A_249 = tpu.memref_slice %arg9[%dma_wait3A_247, %dma_wait3A_248] : memref<10240x64xf32, #tpu.memory_space<vmem_shared>> -> memref<10240x64xf32, #tpu.memory_space<vmem_shared>>
          tpu.wait_indirect_dma semaphore(%run_scoped3A_233 : memref<!tpu.dma_semaphore, #tpu.memory_space<semaphore_mem>>) src(%dma_wait3A_245 : memref<128x64xf32, #tpu.memory_space<vmem>>) dst(%dma_wait3A_249 : memref<10240x64xf32, #tpu.memory_space<vmem_shared>>)
          tpu.yield
        }) : () -> ()
        %add3A_226 = arith.constant 4 : i32
        %add3A_227 = arith.addi %add3A_211, %add3A_226 : i32
        %lt3A_228 = arith.constant 39 : i32
        %lt3A_229 = arith.cmpi slt, %add3A_227, %lt3A_228 : i32
        %convert_element_type3A_230 = arith.extui %lt3A_229 : i1 to i32
        %cond3A_231 = arith.constant 0 : i32
        %cond3A_232 = arith.cmpi ne, %convert_element_type3A_230, %cond3A_231 : i32
        scf.if %cond3A_232 {
          %add3A_233 = arith.constant 4 : i32
          %add3A_234 = arith.addi %add3A_211, %add3A_233 : i32
          %mul3A_235 = arith.constant 128 : i32
          %mul3A_236 = arith.muli %add3A_234, %mul3A_235 : i32
          %dma_start3A_237 = arith.constant 3 : i32
          %dma_start3A_238 = arith.constant 0 : i32
          %dma_start3A_239 = arith.constant 0 : i32
          %dma_start3A_240 = tpu.memref_slice %arg7[%dma_start3A_237, %dma_start3A_238, %dma_start3A_239] : memref<4x128x64xf32, #tpu.memory_space<vmem>> -> memref<1x128x64xf32, #tpu.memory_space<vmem>>
          %dma_start3A_241 = tpu.memref_squeeze %dma_start3A_240 : memref<1x128x64xf32, #tpu.memory_space<vmem>> -> memref<128x64xf32, #tpu.memory_space<vmem>>
          %dma_start3A_242 = tpu.memref_slice %arg5[%mul3A_236] : memref<4992xi32, #tpu.memory_space<vmem>> -> memref<128xi32, #tpu.memory_space<vmem>>
          %dma_start3A_243 = arith.constant 0 : i32
          %dma_start3A_244 = arith.constant 0 : i32
          %dma_start3A_245 = tpu.memref_slice %arg8[%dma_start3A_243, %dma_start3A_244] : memref<10000x64xf32, #tpu.memory_space<vmem_shared>> -> memref<10000x64xf32, #tpu.memory_space<vmem_shared>>
          tpu.enqueue_indirect_dma source(%dma_start3A_245 : memref<10000x64xf32, #tpu.memory_space<vmem_shared>>) target(%dma_start3A_241 : memref<128x64xf32, #tpu.memory_space<vmem>>) offsets(%dma_start3A_242 : memref<128xi32, #tpu.memory_space<vmem>>) semaphore(%arg13 : memref<!tpu.dma_semaphore, #tpu.memory_space<semaphore_mem>>)
        } else {
        }
      }
      %scan3A_98 = arith.constant 9 : i32
      %dma_wait3A_99 = arith.constant 0 : i32
      %dma_wait3A_100 = arith.constant 0 : i32
      %dma_wait3A_101 = arith.constant 0 : i32
      %dma_wait3A_102 = tpu.memref_slice %arg7[%dma_wait3A_99, %dma_wait3A_100, %dma_wait3A_101] : memref<4x128x64xf32, #tpu.memory_space<vmem>> -> memref<1x128x64xf32, #tpu.memory_space<vmem>>
      %dma_wait3A_103 = tpu.memref_squeeze %dma_wait3A_102 : memref<1x128x64xf32, #tpu.memory_space<vmem>> -> memref<128x64xf32, #tpu.memory_space<vmem>>
      %dma_wait3A_104 = arith.constant 4608 : i32
      %dma_wait3A_105 = tpu.memref_slice %arg5[%dma_wait3A_104] : memref<4992xi32, #tpu.memory_space<vmem>> -> memref<128xi32, #tpu.memory_space<vmem>>
      %dma_wait3A_106 = arith.constant 0 : i32
      %dma_wait3A_107 = arith.constant 0 : i32
      %dma_wait3A_108 = tpu.memref_slice %arg8[%dma_wait3A_106, %dma_wait3A_107] : memref<10000x64xf32, #tpu.memory_space<vmem_shared>> -> memref<10000x64xf32, #tpu.memory_space<vmem_shared>>
      tpu.wait_indirect_dma semaphore(%arg10 : memref<!tpu.dma_semaphore, #tpu.memory_space<semaphore_mem>>) src(%dma_wait3A_108 : memref<10000x64xf32, #tpu.memory_space<vmem_shared>>) dst(%dma_wait3A_103 : memref<128x64xf32, #tpu.memory_space<vmem>>)
      %run_scoped3A_109 = arith.constant 0 : i32
      "tpu.region"() ({
        %run_scoped3A_132 = tpu.sem_alloc : memref<!tpu.dma_semaphore, #tpu.memory_space<semaphore_mem>>
        %dma_start3A_133 = arith.constant 0 : i32
        %dma_start3A_134 = arith.constant 0 : i32
        %dma_start3A_135 = tpu.memref_slice %arg7[%run_scoped3A_109, %dma_start3A_133, %dma_start3A_134] : memref<4x128x64xf32, #tpu.memory_space<vmem>> -> memref<1x128x64xf32, #tpu.memory_space<vmem>>
        %dma_start3A_136 = tpu.memref_squeeze %dma_start3A_135 : memref<1x128x64xf32, #tpu.memory_space<vmem>> -> memref<128x64xf32, #tpu.memory_space<vmem>>
        %dma_start3A_137 = arith.constant 4608 : i32
        %dma_start3A_138 = tpu.memref_slice %arg6[%dma_start3A_137] : memref<4992xi32, #tpu.memory_space<vmem>> -> memref<128xi32, #tpu.memory_space<vmem>>
        %dma_start3A_139 = arith.constant 0 : i32
        %dma_start3A_140 = arith.constant 0 : i32
        %dma_start3A_141 = tpu.memref_slice %arg9[%dma_start3A_139, %dma_start3A_140] : memref<10240x64xf32, #tpu.memory_space<vmem_shared>> -> memref<10240x64xf32, #tpu.memory_space<vmem_shared>>
        tpu.enqueue_indirect_dma source(%dma_start3A_136 : memref<128x64xf32, #tpu.memory_space<vmem>>) target(%dma_start3A_141 : memref<10240x64xf32, #tpu.memory_space<vmem_shared>>) offsets(%dma_start3A_138 : memref<128xi32, #tpu.memory_space<vmem>>) semaphore(%run_scoped3A_132 : memref<!tpu.dma_semaphore, #tpu.memory_space<semaphore_mem>>) {add = true}
        %dma_wait3A_142 = arith.constant 0 : i32
        %dma_wait3A_143 = arith.constant 0 : i32
        %dma_wait3A_144 = tpu.memref_slice %arg7[%run_scoped3A_109, %dma_wait3A_142, %dma_wait3A_143] : memref<4x128x64xf32, #tpu.memory_space<vmem>> -> memref<1x128x64xf32, #tpu.memory_space<vmem>>
        %dma_wait3A_145 = tpu.memref_squeeze %dma_wait3A_144 : memref<1x128x64xf32, #tpu.memory_space<vmem>> -> memref<128x64xf32, #tpu.memory_space<vmem>>
        %dma_wait3A_146 = arith.constant 4608 : i32
        %dma_wait3A_147 = tpu.memref_slice %arg6[%dma_wait3A_146] : memref<4992xi32, #tpu.memory_space<vmem>> -> memref<128xi32, #tpu.memory_space<vmem>>
        %dma_wait3A_148 = arith.constant 0 : i32
        %dma_wait3A_149 = arith.constant 0 : i32
        %dma_wait3A_150 = tpu.memref_slice %arg9[%dma_wait3A_148, %dma_wait3A_149] : memref<10240x64xf32, #tpu.memory_space<vmem_shared>> -> memref<10240x64xf32, #tpu.memory_space<vmem_shared>>
        tpu.wait_indirect_dma semaphore(%run_scoped3A_132 : memref<!tpu.dma_semaphore, #tpu.memory_space<semaphore_mem>>) src(%dma_wait3A_145 : memref<128x64xf32, #tpu.memory_space<vmem>>) dst(%dma_wait3A_150 : memref<10240x64xf32, #tpu.memory_space<vmem_shared>>)
        tpu.yield
      }) : () -> ()
      %dma_wait3A_110 = arith.constant 1 : i32
      %dma_wait3A_111 = arith.constant 0 : i32
      %dma_wait3A_112 = arith.constant 0 : i32
      %dma_wait3A_113 = tpu.memref_slice %arg7[%dma_wait3A_110, %dma_wait3A_111, %dma_wait3A_112] : memref<4x128x64xf32, #tpu.memory_space<vmem>> -> memref<1x128x64xf32, #tpu.memory_space<vmem>>
      %dma_wait3A_114 = tpu.memref_squeeze %dma_wait3A_113 : memref<1x128x64xf32, #tpu.memory_space<vmem>> -> memref<128x64xf32, #tpu.memory_space<vmem>>
      %dma_wait3A_115 = arith.constant 4736 : i32
      %dma_wait3A_116 = tpu.memref_slice %arg5[%dma_wait3A_115] : memref<4992xi32, #tpu.memory_space<vmem>> -> memref<128xi32, #tpu.memory_space<vmem>>
      %dma_wait3A_117 = arith.constant 0 : i32
      %dma_wait3A_118 = arith.constant 0 : i32
      %dma_wait3A_119 = tpu.memref_slice %arg8[%dma_wait3A_117, %dma_wait3A_118] : memref<10000x64xf32, #tpu.memory_space<vmem_shared>> -> memref<10000x64xf32, #tpu.memory_space<vmem_shared>>
      tpu.wait_indirect_dma semaphore(%arg11 : memref<!tpu.dma_semaphore, #tpu.memory_space<semaphore_mem>>) src(%dma_wait3A_119 : memref<10000x64xf32, #tpu.memory_space<vmem_shared>>) dst(%dma_wait3A_114 : memref<128x64xf32, #tpu.memory_space<vmem>>)
      %run_scoped3A_120 = arith.constant 1 : i32
      "tpu.region"() ({
        %run_scoped3A_132 = tpu.sem_alloc : memref<!tpu.dma_semaphore, #tpu.memory_space<semaphore_mem>>
        %dma_start3A_133 = arith.constant 0 : i32
        %dma_start3A_134 = arith.constant 0 : i32
        %dma_start3A_135 = tpu.memref_slice %arg7[%run_scoped3A_120, %dma_start3A_133, %dma_start3A_134] : memref<4x128x64xf32, #tpu.memory_space<vmem>> -> memref<1x128x64xf32, #tpu.memory_space<vmem>>
        %dma_start3A_136 = tpu.memref_squeeze %dma_start3A_135 : memref<1x128x64xf32, #tpu.memory_space<vmem>> -> memref<128x64xf32, #tpu.memory_space<vmem>>
        %dma_start3A_137 = arith.constant 4736 : i32
        %dma_start3A_138 = tpu.memref_slice %arg6[%dma_start3A_137] : memref<4992xi32, #tpu.memory_space<vmem>> -> memref<128xi32, #tpu.memory_space<vmem>>
        %dma_start3A_139 = arith.constant 0 : i32
        %dma_start3A_140 = arith.constant 0 : i32
        %dma_start3A_141 = tpu.memref_slice %arg9[%dma_start3A_139, %dma_start3A_140] : memref<10240x64xf32, #tpu.memory_space<vmem_shared>> -> memref<10240x64xf32, #tpu.memory_space<vmem_shared>>
        tpu.enqueue_indirect_dma source(%dma_start3A_136 : memref<128x64xf32, #tpu.memory_space<vmem>>) target(%dma_start3A_141 : memref<10240x64xf32, #tpu.memory_space<vmem_shared>>) offsets(%dma_start3A_138 : memref<128xi32, #tpu.memory_space<vmem>>) semaphore(%run_scoped3A_132 : memref<!tpu.dma_semaphore, #tpu.memory_space<semaphore_mem>>) {add = true}
        %dma_wait3A_142 = arith.constant 0 : i32
        %dma_wait3A_143 = arith.constant 0 : i32
        %dma_wait3A_144 = tpu.memref_slice %arg7[%run_scoped3A_120, %dma_wait3A_142, %dma_wait3A_143] : memref<4x128x64xf32, #tpu.memory_space<vmem>> -> memref<1x128x64xf32, #tpu.memory_space<vmem>>
        %dma_wait3A_145 = tpu.memref_squeeze %dma_wait3A_144 : memref<1x128x64xf32, #tpu.memory_space<vmem>> -> memref<128x64xf32, #tpu.memory_space<vmem>>
        %dma_wait3A_146 = arith.constant 4736 : i32
        %dma_wait3A_147 = tpu.memref_slice %arg6[%dma_wait3A_146] : memref<4992xi32, #tpu.memory_space<vmem>> -> memref<128xi32, #tpu.memory_space<vmem>>
        %dma_wait3A_148 = arith.constant 0 : i32
        %dma_wait3A_149 = arith.constant 0 : i32
        %dma_wait3A_150 = tpu.memref_slice %arg9[%dma_wait3A_148, %dma_wait3A_149] : memref<10240x64xf32, #tpu.memory_space<vmem_shared>> -> memref<10240x64xf32, #tpu.memory_space<vmem_shared>>
        tpu.wait_indirect_dma semaphore(%run_scoped3A_132 : memref<!tpu.dma_semaphore, #tpu.memory_space<semaphore_mem>>) src(%dma_wait3A_145 : memref<128x64xf32, #tpu.memory_space<vmem>>) dst(%dma_wait3A_150 : memref<10240x64xf32, #tpu.memory_space<vmem_shared>>)
        tpu.yield
      }) : () -> ()
      %dma_wait3A_121 = arith.constant 2 : i32
      %dma_wait3A_122 = arith.constant 0 : i32
      %dma_wait3A_123 = arith.constant 0 : i32
      %dma_wait3A_124 = tpu.memref_slice %arg7[%dma_wait3A_121, %dma_wait3A_122, %dma_wait3A_123] : memref<4x128x64xf32, #tpu.memory_space<vmem>> -> memref<1x128x64xf32, #tpu.memory_space<vmem>>
      %dma_wait3A_125 = tpu.memref_squeeze %dma_wait3A_124 : memref<1x128x64xf32, #tpu.memory_space<vmem>> -> memref<128x64xf32, #tpu.memory_space<vmem>>
      %dma_wait3A_126 = arith.constant 4864 : i32
      %dma_wait3A_127 = tpu.memref_slice %arg5[%dma_wait3A_126] : memref<4992xi32, #tpu.memory_space<vmem>> -> memref<128xi32, #tpu.memory_space<vmem>>
      %dma_wait3A_128 = arith.constant 0 : i32
      %dma_wait3A_129 = arith.constant 0 : i32
      %dma_wait3A_130 = tpu.memref_slice %arg8[%dma_wait3A_128, %dma_wait3A_129] : memref<10000x64xf32, #tpu.memory_space<vmem_shared>> -> memref<10000x64xf32, #tpu.memory_space<vmem_shared>>
      tpu.wait_indirect_dma semaphore(%arg12 : memref<!tpu.dma_semaphore, #tpu.memory_space<semaphore_mem>>) src(%dma_wait3A_130 : memref<10000x64xf32, #tpu.memory_space<vmem_shared>>) dst(%dma_wait3A_125 : memref<128x64xf32, #tpu.memory_space<vmem>>)
      %run_scoped3A_131 = arith.constant 2 : i32
      "tpu.region"() ({
        %run_scoped3A_132 = tpu.sem_alloc : memref<!tpu.dma_semaphore, #tpu.memory_space<semaphore_mem>>
        %dma_start3A_133 = arith.constant 0 : i32
        %dma_start3A_134 = arith.constant 0 : i32
        %dma_start3A_135 = tpu.memref_slice %arg7[%run_scoped3A_131, %dma_start3A_133, %dma_start3A_134] : memref<4x128x64xf32, #tpu.memory_space<vmem>> -> memref<1x128x64xf32, #tpu.memory_space<vmem>>
        %dma_start3A_136 = tpu.memref_squeeze %dma_start3A_135 : memref<1x128x64xf32, #tpu.memory_space<vmem>> -> memref<128x64xf32, #tpu.memory_space<vmem>>
        %dma_start3A_137 = arith.constant 4864 : i32
        %dma_start3A_138 = tpu.memref_slice %arg6[%dma_start3A_137] : memref<4992xi32, #tpu.memory_space<vmem>> -> memref<128xi32, #tpu.memory_space<vmem>>
        %dma_start3A_139 = arith.constant 0 : i32
        %dma_start3A_140 = arith.constant 0 : i32
        %dma_start3A_141 = tpu.memref_slice %arg9[%dma_start3A_139, %dma_start3A_140] : memref<10240x64xf32, #tpu.memory_space<vmem_shared>> -> memref<10240x64xf32, #tpu.memory_space<vmem_shared>>
        tpu.enqueue_indirect_dma source(%dma_start3A_136 : memref<128x64xf32, #tpu.memory_space<vmem>>) target(%dma_start3A_141 : memref<10240x64xf32, #tpu.memory_space<vmem_shared>>) offsets(%dma_start3A_138 : memref<128xi32, #tpu.memory_space<vmem>>) semaphore(%run_scoped3A_132 : memref<!tpu.dma_semaphore, #tpu.memory_space<semaphore_mem>>) {add = true}
        %dma_wait3A_142 = arith.constant 0 : i32
        %dma_wait3A_143 = arith.constant 0 : i32
        %dma_wait3A_144 = tpu.memref_slice %arg7[%run_scoped3A_131, %dma_wait3A_142, %dma_wait3A_143] : memref<4x128x64xf32, #tpu.memory_space<vmem>> -> memref<1x128x64xf32, #tpu.memory_space<vmem>>
        %dma_wait3A_145 = tpu.memref_squeeze %dma_wait3A_144 : memref<1x128x64xf32, #tpu.memory_space<vmem>> -> memref<128x64xf32, #tpu.memory_space<vmem>>
        %dma_wait3A_146 = arith.constant 4864 : i32
        %dma_wait3A_147 = tpu.memref_slice %arg6[%dma_wait3A_146] : memref<4992xi32, #tpu.memory_space<vmem>> -> memref<128xi32, #tpu.memory_space<vmem>>
        %dma_wait3A_148 = arith.constant 0 : i32
        %dma_wait3A_149 = arith.constant 0 : i32
        %dma_wait3A_150 = tpu.memref_slice %arg9[%dma_wait3A_148, %dma_wait3A_149] : memref<10240x64xf32, #tpu.memory_space<vmem_shared>> -> memref<10240x64xf32, #tpu.memory_space<vmem_shared>>
        tpu.wait_indirect_dma semaphore(%run_scoped3A_132 : memref<!tpu.dma_semaphore, #tpu.memory_space<semaphore_mem>>) src(%dma_wait3A_145 : memref<128x64xf32, #tpu.memory_space<vmem>>) dst(%dma_wait3A_150 : memref<10240x64xf32, #tpu.memory_space<vmem_shared>>)
        tpu.yield
      }) : () -> ()
    }
    %scan3A_32 = arith.constant 4 : i32
    %add3A_33 = arith.constant 156 : i32
    %add3A_34 = arith.addi %add3A, %add3A_33 : i32
    %lt3A = arith.constant 4 : i32
    %lt3A_35 = arith.cmpi slt, %arg1, %lt3A : i32
    %convert_element_type3A = arith.extui %lt3A_35 : i1 to i32
    %cond3A = arith.constant 0 : i32
    %cond3A_36 = arith.cmpi ne, %convert_element_type3A, %cond3A : i32
    scf.if %cond3A_36 {
      %add3A_44 = arith.constant 156 : i32
      %add3A_45 = arith.addi %add3A, %add3A_44 : i32
      %mul3A_46 = arith.constant 128 : i32
      %mul3A_47 = arith.muli %add3A_45, %mul3A_46 : i32
      %run_scoped3A = arith.constant 0 : i32
      "tpu.region"() ({
        %run_scoped3A_72 = tpu.sem_alloc : memref<!tpu.dma_semaphore, #tpu.memory_space<semaphore_mem>>
        %dma_start3A_73 = arith.constant 0 : i32
        %dma_start3A_74 = tpu.memref_slice %arg5[%dma_start3A_73] : memref<4992xi32, #tpu.memory_space<vmem>> -> memref<128xi32, #tpu.memory_space<vmem>>
        %dma_start3A_75 = tpu.memref_slice %arg3[%run_scoped3A, %mul3A_47] : memref<2x320000xi32, #tpu.memory_space<hbm>> -> memref<1x128xi32, #tpu.memory_space<hbm>>
        %dma_start3A_76 = tpu.memref_squeeze %dma_start3A_75 : memref<1x128xi32, #tpu.memory_space<hbm>> -> memref<128xi32, #tpu.memory_space<hbm>>
        %dma_start3A_77 = arith.constant 0 : i32
        %dma_start3A_78 = tpu.memref_slice %arg5[%dma_start3A_77] : memref<4992xi32, #tpu.memory_space<vmem>> -> memref<128xi32, #tpu.memory_space<vmem>>
        %dma_start3A_79 = tpu.memref_slice %arg3[%run_scoped3A, %mul3A_47] : memref<2x320000xi32, #tpu.memory_space<hbm>> -> memref<1x128xi32, #tpu.memory_space<hbm>>
        %dma_start3A_80 = tpu.memref_squeeze %dma_start3A_79 : memref<1x128xi32, #tpu.memory_space<hbm>> -> memref<128xi32, #tpu.memory_space<hbm>>
        tpu.enqueue_dma source(%dma_start3A_80 : memref<128xi32, #tpu.memory_space<hbm>>) target(%dma_start3A_78 : memref<128xi32, #tpu.memory_space<vmem>>) target_semaphore(%run_scoped3A_72 : memref<!tpu.dma_semaphore, #tpu.memory_space<semaphore_mem>>)
        %dma_wait3A_81 = arith.constant 0 : i32
        %dma_wait3A_82 = tpu.memref_slice %arg5[%dma_wait3A_81] : memref<4992xi32, #tpu.memory_space<vmem>> -> memref<128xi32, #tpu.memory_space<vmem>>
        %dma_wait3A_83 = tpu.memref_slice %arg3[%run_scoped3A, %mul3A_47] : memref<2x320000xi32, #tpu.memory_space<hbm>> -> memref<1x128xi32, #tpu.memory_space<hbm>>
        %dma_wait3A_84 = tpu.memref_squeeze %dma_wait3A_83 : memref<1x128xi32, #tpu.memory_space<hbm>> -> memref<128xi32, #tpu.memory_space<hbm>>
        %dma_wait3A_85 = arith.constant 0 : i32
        %dma_wait3A_86 = tpu.memref_slice %arg5[%dma_wait3A_85] : memref<4992xi32, #tpu.memory_space<vmem>> -> memref<128xi32, #tpu.memory_space<vmem>>
        %dma_wait3A_87 = tpu.memref_slice %arg3[%run_scoped3A, %mul3A_47] : memref<2x320000xi32, #tpu.memory_space<hbm>> -> memref<1x128xi32, #tpu.memory_space<hbm>>
        %dma_wait3A_88 = tpu.memref_squeeze %dma_wait3A_87 : memref<1x128xi32, #tpu.memory_space<hbm>> -> memref<128xi32, #tpu.memory_space<hbm>>
        tpu.wait_dma2 semaphore(%run_scoped3A_72 : memref<!tpu.dma_semaphore, #tpu.memory_space<semaphore_mem>>) src(%dma_wait3A_88 : memref<128xi32, #tpu.memory_space<hbm>>) dst(%dma_wait3A_86 : memref<128xi32, #tpu.memory_space<vmem>>)
        tpu.yield
      }) : () -> ()
      %mul3A_48 = arith.constant 128 : i32
      %mul3A_49 = arith.muli %add3A_45, %mul3A_48 : i32
      %run_scoped3A_50 = arith.constant 1 : i32
      "tpu.region"() ({
        %run_scoped3A_72 = tpu.sem_alloc : memref<!tpu.dma_semaphore, #tpu.memory_space<semaphore_mem>>
        %dma_start3A_73 = arith.constant 0 : i32
        %dma_start3A_74 = tpu.memref_slice %arg6[%dma_start3A_73] : memref<4992xi32, #tpu.memory_space<vmem>> -> memref<128xi32, #tpu.memory_space<vmem>>
        %dma_start3A_75 = tpu.memref_slice %arg3[%run_scoped3A_50, %mul3A_49] : memref<2x320000xi32, #tpu.memory_space<hbm>> -> memref<1x128xi32, #tpu.memory_space<hbm>>
        %dma_start3A_76 = tpu.memref_squeeze %dma_start3A_75 : memref<1x128xi32, #tpu.memory_space<hbm>> -> memref<128xi32, #tpu.memory_space<hbm>>
        %dma_start3A_77 = arith.constant 0 : i32
        %dma_start3A_78 = tpu.memref_slice %arg6[%dma_start3A_77] : memref<4992xi32, #tpu.memory_space<vmem>> -> memref<128xi32, #tpu.memory_space<vmem>>
        %dma_start3A_79 = tpu.memref_slice %arg3[%run_scoped3A_50, %mul3A_49] : memref<2x320000xi32, #tpu.memory_space<hbm>> -> memref<1x128xi32, #tpu.memory_space<hbm>>
        %dma_start3A_80 = tpu.memref_squeeze %dma_start3A_79 : memref<1x128xi32, #tpu.memory_space<hbm>> -> memref<128xi32, #tpu.memory_space<hbm>>
        tpu.enqueue_dma source(%dma_start3A_80 : memref<128xi32, #tpu.memory_space<hbm>>) target(%dma_start3A_78 : memref<128xi32, #tpu.memory_space<vmem>>) target_semaphore(%run_scoped3A_72 : memref<!tpu.dma_semaphore, #tpu.memory_space<semaphore_mem>>)
        %dma_wait3A_81 = arith.constant 0 : i32
        %dma_wait3A_82 = tpu.memref_slice %arg6[%dma_wait3A_81] : memref<4992xi32, #tpu.memory_space<vmem>> -> memref<128xi32, #tpu.memory_space<vmem>>
        %dma_wait3A_83 = tpu.memref_slice %arg3[%run_scoped3A_50, %mul3A_49] : memref<2x320000xi32, #tpu.memory_space<hbm>> -> memref<1x128xi32, #tpu.memory_space<hbm>>
        %dma_wait3A_84 = tpu.memref_squeeze %dma_wait3A_83 : memref<1x128xi32, #tpu.memory_space<hbm>> -> memref<128xi32, #tpu.memory_space<hbm>>
        %dma_wait3A_85 = arith.constant 0 : i32
        %dma_wait3A_86 = tpu.memref_slice %arg6[%dma_wait3A_85] : memref<4992xi32, #tpu.memory_space<vmem>> -> memref<128xi32, #tpu.memory_space<vmem>>
        %dma_wait3A_87 = tpu.memref_slice %arg3[%run_scoped3A_50, %mul3A_49] : memref<2x320000xi32, #tpu.memory_space<hbm>> -> memref<1x128xi32, #tpu.memory_space<hbm>>
        %dma_wait3A_88 = tpu.memref_squeeze %dma_wait3A_87 : memref<1x128xi32, #tpu.memory_space<hbm>> -> memref<128xi32, #tpu.memory_space<hbm>>
        tpu.wait_dma2 semaphore(%run_scoped3A_72 : memref<!tpu.dma_semaphore, #tpu.memory_space<semaphore_mem>>) src(%dma_wait3A_88 : memref<128xi32, #tpu.memory_space<hbm>>) dst(%dma_wait3A_86 : memref<128xi32, #tpu.memory_space<vmem>>)
        tpu.yield
      }) : () -> ()
      %dma_start3A_51 = arith.constant 0 : i32
      %dma_start3A_52 = arith.constant 0 : i32
      %dma_start3A_53 = arith.constant 0 : i32
      %dma_start3A_54 = tpu.memref_slice %arg7[%dma_start3A_51, %dma_start3A_52, %dma_start3A_53] : memref<4x128x64xf32, #tpu.memory_space<vmem>> -> memref<1x128x64xf32, #tpu.memory_space<vmem>>
      %dma_start3A_55 = tpu.memref_squeeze %dma_start3A_54 : memref<1x128x64xf32, #tpu.memory_space<vmem>> -> memref<128x64xf32, #tpu.memory_space<vmem>>
      %dma_start3A_56 = arith.constant 0 : i32
      %dma_start3A_57 = tpu.memref_slice %arg5[%dma_start3A_56] : memref<4992xi32, #tpu.memory_space<vmem>> -> memref<128xi32, #tpu.memory_space<vmem>>
      %dma_start3A_58 = arith.constant 0 : i32
      %dma_start3A_59 = arith.constant 0 : i32
      %dma_start3A_60 = tpu.memref_slice %arg8[%dma_start3A_58, %dma_start3A_59] : memref<10000x64xf32, #tpu.memory_space<vmem_shared>> -> memref<10000x64xf32, #tpu.memory_space<vmem_shared>>
      tpu.enqueue_indirect_dma source(%dma_start3A_60 : memref<10000x64xf32, #tpu.memory_space<vmem_shared>>) target(%dma_start3A_55 : memref<128x64xf32, #tpu.memory_space<vmem>>) offsets(%dma_start3A_57 : memref<128xi32, #tpu.memory_space<vmem>>) semaphore(%arg10 : memref<!tpu.dma_semaphore, #tpu.memory_space<semaphore_mem>>)
      %dma_wait3A_61 = arith.constant 0 : i32
      %dma_wait3A_62 = arith.constant 0 : i32
      %dma_wait3A_63 = arith.constant 0 : i32
      %dma_wait3A_64 = tpu.memref_slice %arg7[%dma_wait3A_61, %dma_wait3A_62, %dma_wait3A_63] : memref<4x128x64xf32, #tpu.memory_space<vmem>> -> memref<1x128x64xf32, #tpu.memory_space<vmem>>
      %dma_wait3A_65 = tpu.memref_squeeze %dma_wait3A_64 : memref<1x128x64xf32, #tpu.memory_space<vmem>> -> memref<128x64xf32, #tpu.memory_space<vmem>>
      %dma_wait3A_66 = arith.constant 0 : i32
      %dma_wait3A_67 = tpu.memref_slice %arg5[%dma_wait3A_66] : memref<4992xi32, #tpu.memory_space<vmem>> -> memref<128xi32, #tpu.memory_space<vmem>>
      %dma_wait3A_68 = arith.constant 0 : i32
      %dma_wait3A_69 = arith.constant 0 : i32
      %dma_wait3A_70 = tpu.memref_slice %arg8[%dma_wait3A_68, %dma_wait3A_69] : memref<10000x64xf32, #tpu.memory_space<vmem_shared>> -> memref<10000x64xf32, #tpu.memory_space<vmem_shared>>
      tpu.wait_indirect_dma semaphore(%arg10 : memref<!tpu.dma_semaphore, #tpu.memory_space<semaphore_mem>>) src(%dma_wait3A_70 : memref<10000x64xf32, #tpu.memory_space<vmem_shared>>) dst(%dma_wait3A_65 : memref<128x64xf32, #tpu.memory_space<vmem>>)
      %run_scoped3A_71 = arith.constant 0 : i32
      "tpu.region"() ({
        %run_scoped3A_72 = tpu.sem_alloc : memref<!tpu.dma_semaphore, #tpu.memory_space<semaphore_mem>>
        %dma_start3A_73 = arith.constant 0 : i32
        %dma_start3A_74 = arith.constant 0 : i32
        %dma_start3A_75 = tpu.memref_slice %arg7[%run_scoped3A_71, %dma_start3A_73, %dma_start3A_74] : memref<4x128x64xf32, #tpu.memory_space<vmem>> -> memref<1x128x64xf32, #tpu.memory_space<vmem>>
        %dma_start3A_76 = tpu.memref_squeeze %dma_start3A_75 : memref<1x128x64xf32, #tpu.memory_space<vmem>> -> memref<128x64xf32, #tpu.memory_space<vmem>>
        %dma_start3A_77 = arith.constant 0 : i32
        %dma_start3A_78 = tpu.memref_slice %arg6[%dma_start3A_77] : memref<4992xi32, #tpu.memory_space<vmem>> -> memref<128xi32, #tpu.memory_space<vmem>>
        %dma_start3A_79 = arith.constant 0 : i32
        %dma_start3A_80 = arith.constant 0 : i32
        %dma_start3A_81 = tpu.memref_slice %arg9[%dma_start3A_79, %dma_start3A_80] : memref<10240x64xf32, #tpu.memory_space<vmem_shared>> -> memref<10240x64xf32, #tpu.memory_space<vmem_shared>>
        tpu.enqueue_indirect_dma source(%dma_start3A_76 : memref<128x64xf32, #tpu.memory_space<vmem>>) target(%dma_start3A_81 : memref<10240x64xf32, #tpu.memory_space<vmem_shared>>) offsets(%dma_start3A_78 : memref<128xi32, #tpu.memory_space<vmem>>) semaphore(%run_scoped3A_72 : memref<!tpu.dma_semaphore, #tpu.memory_space<semaphore_mem>>) {add = true}
        %dma_wait3A_82 = arith.constant 0 : i32
        %dma_wait3A_83 = arith.constant 0 : i32
        %dma_wait3A_84 = tpu.memref_slice %arg7[%run_scoped3A_71, %dma_wait3A_82, %dma_wait3A_83] : memref<4x128x64xf32, #tpu.memory_space<vmem>> -> memref<1x128x64xf32, #tpu.memory_space<vmem>>
        %dma_wait3A_85 = tpu.memref_squeeze %dma_wait3A_84 : memref<1x128x64xf32, #tpu.memory_space<vmem>> -> memref<128x64xf32, #tpu.memory_space<vmem>>
        %dma_wait3A_86 = arith.constant 0 : i32
        %dma_wait3A_87 = tpu.memref_slice %arg6[%dma_wait3A_86] : memref<4992xi32, #tpu.memory_space<vmem>> -> memref<128xi32, #tpu.memory_space<vmem>>
        %dma_wait3A_88 = arith.constant 0 : i32
        %dma_wait3A_89 = arith.constant 0 : i32
        %dma_wait3A_90 = tpu.memref_slice %arg9[%dma_wait3A_88, %dma_wait3A_89] : memref<10240x64xf32, #tpu.memory_space<vmem_shared>> -> memref<10240x64xf32, #tpu.memory_space<vmem_shared>>
        tpu.wait_indirect_dma semaphore(%run_scoped3A_72 : memref<!tpu.dma_semaphore, #tpu.memory_space<semaphore_mem>>) src(%dma_wait3A_85 : memref<128x64xf32, #tpu.memory_space<vmem>>) dst(%dma_wait3A_90 : memref<10240x64xf32, #tpu.memory_space<vmem_shared>>)
        tpu.yield
      }) : () -> ()
    } else {
    }
    %barrier3A_37 = arith.constant 0 : index
    tpu.barrier barrier_id(%barrier3A_37)
    %mul3A_38 = arith.constant 640 : i32
    %mul3A_39 = arith.muli %arg1, %mul3A_38 : i32
    %mul3A_40 = arith.constant 640 : i32
    %mul3A_41 = arith.muli %arg1, %mul3A_40 : i32
    %mul3A_42 = arith.constant 64 : i32
    %mul3A_43 = arith.muli %arg0, %mul3A_42 : i32
    "tpu.region"() ({
      %run_scoped3A = tpu.sem_alloc : memref<!tpu.dma_semaphore, #tpu.memory_space<semaphore_mem>>
      %dma_start3A_44 = tpu.memref_slice %arg4[%mul3A_41, %mul3A_43] : memref<10240x128xf32, #tpu.memory_space<hbm>> -> memref<640x64xf32, #tpu.memory_space<hbm>>
      %dma_start3A_45 = arith.constant 0 : i32
      %dma_start3A_46 = tpu.memref_slice %arg9[%mul3A_39, %dma_start3A_45] : memref<10240x64xf32, #tpu.memory_space<vmem_shared>> -> memref<640x64xf32, #tpu.memory_space<vmem_shared>>
      tpu.enqueue_dma source(%dma_start3A_46 : memref<640x64xf32, #tpu.memory_space<vmem_shared>>) target(%dma_start3A_44 : memref<640x64xf32, #tpu.memory_space<hbm>>) target_semaphore(%run_scoped3A : memref<!tpu.dma_semaphore, #tpu.memory_space<semaphore_mem>>)
      %dma_wait3A_47 = tpu.memref_slice %arg4[%mul3A_41, %mul3A_43] : memref<10240x128xf32, #tpu.memory_space<hbm>> -> memref<640x64xf32, #tpu.memory_space<hbm>>
      %dma_wait3A_48 = arith.constant 0 : i32
      %dma_wait3A_49 = tpu.memref_slice %arg9[%mul3A_39, %dma_wait3A_48] : memref<10240x64xf32, #tpu.memory_space<vmem_shared>> -> memref<640x64xf32, #tpu.memory_space<vmem_shared>>
      tpu.wait_dma2 semaphore(%run_scoped3A : memref<!tpu.dma_semaphore, #tpu.memory_space<semaphore_mem>>) src(%dma_wait3A_49 : memref<640x64xf32, #tpu.memory_space<vmem_shared>>) dst(%dma_wait3A_47 : memref<640x64xf32, #tpu.memory_space<hbm>>)
      tpu.yield
    }) : () -> ()
    return
  }
}

#map = affine_map<(d0, d1) -> (0, 0)>
module attributes {stable_mosaic.version = 14 : i64} {
  func.func @_sc_gs_body(%arg0: i32, %arg1: i32, %arg2: memref<10000x128xf32, #tpu.memory_space<hbm>>, %arg3: memref<2x320000xi32, #tpu.memory_space<hbm>>, %arg4: memref<10240x128xf32, #tpu.memory_space<hbm>>, %arg5: memref<4992xi32, #tpu.memory_space<vmem>>, %arg6: memref<4992xi32, #tpu.memory_space<vmem>>, %arg7: memref<4x128x64xf32, #tpu.memory_space<vmem>>, %arg8: memref<10000x64xf32, #tpu.memory_space<vmem_shared>>, %arg9: memref<10240x64xf32, #tpu.memory_space<vmem_shared>>, %arg10: memref<!tpu.dma_semaphore, #tpu.memory_space<semaphore_mem>>, %arg11: memref<!tpu.dma_semaphore, #tpu.memory_space<semaphore_mem>>, %arg12: memref<!tpu.dma_semaphore, #tpu.memory_space<semaphore_mem>>, %arg13: memref<!tpu.dma_semaphore, #tpu.memory_space<semaphore_mem>>, %arg14: memref<!tpu.dma_semaphore, #tpu.memory_space<semaphore_mem>>) attributes {dimension_semantics = [#tpu.dimension_semantics<core_parallel>, #tpu.dimension_semantics<subcore_parallel>], iteration_bounds = array<i64: 2, 16>, scalar_prefetch = 0 : i64, scratch_operands = 10 : i64, tpu.core_type = #tpu.core_type<sc_vector_subcore>, window_params = [{transform_indices = #map}, {transform_indices = #map}, {transform_indices = #map}]} {
    %mul3A = arith.constant 16 : i32
    %mul3A_0 = arith.muli %arg0, %mul3A : i32
    %add3A = arith.addi %mul3A_0, %arg1 : i32
    %mul3A_1 = arith.constant 78 : i32
    %mul3A_2 = arith.muli %mul3A_1, %add3A : i32
    %min3A = arith.constant 4 : i32
    %min3A_3 = arith.minsi %add3A, %min3A : i32
    %add3A_4 = arith.addi %mul3A_2, %min3A_3 : i32
    %mul3A_5 = arith.constant 625 : i32
    %mul3A_6 = arith.muli %arg1, %mul3A_5 : i32
    %mul3A_7 = arith.constant 625 : i32
    %mul3A_8 = arith.muli %arg1, %mul3A_7 : i32
    %dma_start3A = arith.constant 0 : i32
    %dma_start3A_9 = tpu.memref_slice %arg8[%mul3A_8, %dma_start3A] : memref<10000x64xf32, #tpu.memory_space<vmem_shared>> -> memref<625x64xf32, #tpu.memory_space<vmem_shared>>
    %dma_start3A_10 = arith.constant 0 : i32
    %dma_start3A_11 = tpu.memref_slice %arg2[%mul3A_6, %dma_start3A_10] : memref<10000x128xf32, #tpu.memory_space<hbm>> -> memref<625x64xf32, #tpu.memory_space<hbm>>
    tpu.enqueue_dma source(%dma_start3A_11 : memref<625x64xf32, #tpu.memory_space<hbm>>) target(%dma_start3A_9 : memref<625x64xf32, #tpu.memory_space<vmem_shared>>) target_semaphore(%arg14 : memref<!tpu.dma_semaphore, #tpu.memory_space<semaphore_mem>>)
    %scan3A = arith.constant 0 : i32
    %scan3A_12 = arith.constant 0 : i32
    %scan3A_13 = arith.constant 128 : i32
    %scan3A_14 = arith.addi %scan3A_12, %scan3A_13 : i32
    %scan3A_15 = arith.constant 1 : i32
    scf.for %scan3A_47 = %scan3A_12 to %scan3A_14 step %scan3A_15  : i32 {
      %broadcast_in_dim3A = arith.constant 0.000000e+00 : f32
      %broadcast_in_dim3A_48 = vector.broadcast %broadcast_in_dim3A : f32 to vector<16xf32>
      %swap3A = arith.constant 0 : i32
      %swap3A_49 = arith.index_cast %swap3A : i32 to index
      %swap3A_50 = arith.index_cast %scan3A_47 : i32 to index
      %swap3A_51 = arith.constant 0 : index
      %swap3A_52 = tpu.vector_load %arg7[%swap3A_49, %swap3A_50, %swap3A_51] {strides = array<i32>} : memref<4x128x64xf32, #tpu.memory_space<vmem>>, vector<1x1x16xf32>,
      %swap3A_53 = vector.shape_cast %swap3A_52 : vector<1x1x16xf32> to vector<16xf32>
      %swap3A_54 = vector.shape_cast %broadcast_in_dim3A_48 : vector<16xf32> to vector<1x1x16xf32>
      tpu.vector_store %arg7[%swap3A_49, %swap3A_50, %swap3A_51], %swap3A_54 {strides = array<i32>} : memref<4x128x64xf32, #tpu.memory_space<vmem>>, vector<1x1x16xf32>,
      %broadcast_in_dim3A_55 = arith.constant 0.000000e+00 : f32
      %broadcast_in_dim3A_56 = vector.broadcast %broadcast_in_dim3A_55 : f32 to vector<16xf32>
      %swap3A_57 = arith.constant 0 : i32
      %swap3A_58 = arith.index_cast %swap3A_57 : i32 to index
      %swap3A_59 = arith.index_cast %scan3A_47 : i32 to index
      %swap3A_60 = arith.constant 16 : index
      %swap3A_61 = tpu.vector_load %arg7[%swap3A_58, %swap3A_59, %swap3A_60] {strides = array<i32>} : memref<4x128x64xf32, #tpu.memory_space<vmem>>, vector<1x1x16xf32>,
      %swap3A_62 = vector.shape_cast %swap3A_61 : vector<1x1x16xf32> to vector<16xf32>
      %swap3A_63 = vector.shape_cast %broadcast_in_dim3A_56 : vector<16xf32> to vector<1x1x16xf32>
      tpu.vector_store %arg7[%swap3A_58, %swap3A_59, %swap3A_60], %swap3A_63 {strides = array<i32>} : memref<4x128x64xf32, #tpu.memory_space<vmem>>, vector<1x1x16xf32>,
      %broadcast_in_dim3A_64 = arith.constant 0.000000e+00 : f32
      %broadcast_in_dim3A_65 = vector.broadcast %broadcast_in_dim3A_64 : f32 to vector<16xf32>
      %swap3A_66 = arith.constant 0 : i32
      %swap3A_67 = arith.index_cast %swap3A_66 : i32 to index
      %swap3A_68 = arith.index_cast %scan3A_47 : i32 to index
      %swap3A_69 = arith.constant 32 : index
      %swap3A_70 = tpu.vector_load %arg7[%swap3A_67, %swap3A_68, %swap3A_69] {strides = array<i32>} : memref<4x128x64xf32, #tpu.memory_space<vmem>>, vector<1x1x16xf32>,
      %swap3A_71 = vector.shape_cast %swap3A_70 : vector<1x1x16xf32> to vector<16xf32>
      %swap3A_72 = vector.shape_cast %broadcast_in_dim3A_65 : vector<16xf32> to vector<1x1x16xf32>
      tpu.vector_store %arg7[%swap3A_67, %swap3A_68, %swap3A_69], %swap3A_72 {strides = array<i32>} : memref<4x128x64xf32, #tpu.memory_space<vmem>>, vector<1x1x16xf32>,
      %broadcast_in_dim3A_73 = arith.constant 0.000000e+00 : f32
      %broadcast_in_dim3A_74 = vector.broadcast %broadcast_in_dim3A_73 : f32 to vector<16xf32>
      %swap3A_75 = arith.constant 0 : i32
      %swap3A_76 = arith.index_cast %swap3A_75 : i32 to index
      %swap3A_77 = arith.index_cast %scan3A_47 : i32 to index
      %swap3A_78 = arith.constant 48 : index
      %swap3A_79 = tpu.vector_load %arg7[%swap3A_76, %swap3A_77, %swap3A_78] {strides = array<i32>} : memref<4x128x64xf32, #tpu.memory_space<vmem>>, vector<1x1x16xf32>,
      %swap3A_80 = vector.shape_cast %swap3A_79 : vector<1x1x16xf32> to vector<16xf32>
      %swap3A_81 = vector.shape_cast %broadcast_in_dim3A_74 : vector<16xf32> to vector<1x1x16xf32>
      tpu.vector_store %arg7[%swap3A_76, %swap3A_77, %swap3A_78], %swap3A_81 {strides = array<i32>} : memref<4x128x64xf32, #tpu.memory_space<vmem>>, vector<1x1x16xf32>,
    }
    %scan3A_16 = arith.constant 128 : i32
    %scan3A_17 = arith.constant 0 : i32
    %scan3A_18 = arith.constant 0 : i32
    %scan3A_19 = arith.constant 5 : i32
    %scan3A_20 = arith.addi %scan3A_18, %scan3A_19 : i32
    %scan3A_21 = arith.constant 1 : i32
    scf.for %scan3A_47 = %scan3A_18 to %scan3A_20 step %scan3A_21  : i32 {
      %mul3A_48 = arith.constant 640 : i32
      %mul3A_49 = arith.muli %arg1, %mul3A_48 : i32
      %mul3A_50 = arith.constant 128 : i32
      %mul3A_51 = arith.muli %scan3A_47, %mul3A_50 : i32
      %add3A_52 = arith.addi %mul3A_49, %mul3A_51 : i32
      %run_scoped3A = arith.constant 0 : i32
      "tpu.region"() ({
        %run_scoped3A_53 = tpu.sem_alloc : memref<!tpu.dma_semaphore, #tpu.memory_space<semaphore_mem>>
        %dma_start3A_54 = arith.constant 0 : i32
        %dma_start3A_55 = arith.constant 0 : i32
        %dma_start3A_56 = tpu.memref_slice %arg7[%run_scoped3A, %dma_start3A_54, %dma_start3A_55] : memref<4x128x64xf32, #tpu.memory_space<vmem>> -> memref<1x128x64xf32, #tpu.memory_space<vmem>>
        %dma_start3A_57 = tpu.memref_squeeze %dma_start3A_56 : memref<1x128x64xf32, #tpu.memory_space<vmem>> -> memref<128x64xf32, #tpu.memory_space<vmem>>
        %dma_start3A_58 = arith.constant 0 : i32
        %dma_start3A_59 = tpu.memref_slice %arg9[%add3A_52, %dma_start3A_58] : memref<10240x64xf32, #tpu.memory_space<vmem_shared>> -> memref<128x64xf32, #tpu.memory_space<vmem_shared>>
        %dma_start3A_60 = arith.constant 0 : i32
        %dma_start3A_61 = tpu.memref_slice %arg9[%add3A_52, %dma_start3A_60] : memref<10240x64xf32, #tpu.memory_space<vmem_shared>> -> memref<128x64xf32, #tpu.memory_space<vmem_shared>>
        %dma_start3A_62 = arith.constant 0 : i32
        %dma_start3A_63 = arith.constant 0 : i32
        %dma_start3A_64 = tpu.memref_slice %arg7[%run_scoped3A, %dma_start3A_62, %dma_start3A_63] : memref<4x128x64xf32, #tpu.memory_space<vmem>> -> memref<1x128x64xf32, #tpu.memory_space<vmem>>
        %dma_start3A_65 = tpu.memref_squeeze %dma_start3A_64 : memref<1x128x64xf32, #tpu.memory_space<vmem>> -> memref<128x64xf32, #tpu.memory_space<vmem>>
        tpu.enqueue_dma source(%dma_start3A_65 : memref<128x64xf32, #tpu.memory_space<vmem>>) target(%dma_start3A_61 : memref<128x64xf32, #tpu.memory_space<vmem_shared>>) target_semaphore(%run_scoped3A_53 : memref<!tpu.dma_semaphore, #tpu.memory_space<semaphore_mem>>)
        %dma_wait3A_66 = arith.constant 0 : i32
        %dma_wait3A_67 = arith.constant 0 : i32
        %dma_wait3A_68 = tpu.memref_slice %arg7[%run_scoped3A, %dma_wait3A_66, %dma_wait3A_67] : memref<4x128x64xf32, #tpu.memory_space<vmem>> -> memref<1x128x64xf32, #tpu.memory_space<vmem>>
        %dma_wait3A_69 = tpu.memref_squeeze %dma_wait3A_68 : memref<1x128x64xf32, #tpu.memory_space<vmem>> -> memref<128x64xf32, #tpu.memory_space<vmem>>
        %dma_wait3A_70 = arith.constant 0 : i32
        %dma_wait3A_71 = tpu.memref_slice %arg9[%add3A_52, %dma_wait3A_70] : memref<10240x64xf32, #tpu.memory_space<vmem_shared>> -> memref<128x64xf32, #tpu.memory_space<vmem_shared>>
        %dma_wait3A_72 = arith.constant 0 : i32
        %dma_wait3A_73 = tpu.memref_slice %arg9[%add3A_52, %dma_wait3A_72] : memref<10240x64xf32, #tpu.memory_space<vmem_shared>> -> memref<128x64xf32, #tpu.memory_space<vmem_shared>>
        %dma_wait3A_74 = arith.constant 0 : i32
        %dma_wait3A_75 = arith.constant 0 : i32
        %dma_wait3A_76 = tpu.memref_slice %arg7[%run_scoped3A, %dma_wait3A_74, %dma_wait3A_75] : memref<4x128x64xf32, #tpu.memory_space<vmem>> -> memref<1x128x64xf32, #tpu.memory_space<vmem>>
        %dma_wait3A_77 = tpu.memref_squeeze %dma_wait3A_76 : memref<1x128x64xf32, #tpu.memory_space<vmem>> -> memref<128x64xf32, #tpu.memory_space<vmem>>
        tpu.wait_dma2 semaphore(%run_scoped3A_53 : memref<!tpu.dma_semaphore, #tpu.memory_space<semaphore_mem>>) src(%dma_wait3A_77 : memref<128x64xf32, #tpu.memory_space<vmem>>) dst(%dma_wait3A_73 : memref<128x64xf32, #tpu.memory_space<vmem_shared>>)
        tpu.yield
      }) : () -> ()
    }
    %scan3A_22 = arith.constant 5 : i32
    %mul3A_23 = arith.constant 625 : i32
    %mul3A_24 = arith.muli %arg1, %mul3A_23 : i32
    %mul3A_25 = arith.constant 625 : i32
    %mul3A_26 = arith.muli %arg1, %mul3A_25 : i32
    %dma_wait3A = arith.constant 0 : i32
    %dma_wait3A_27 = tpu.memref_slice %arg8[%mul3A_26, %dma_wait3A] : memref<10000x64xf32, #tpu.memory_space<vmem_shared>> -> memref<625x64xf32, #tpu.memory_space<vmem_shared>>
    %dma_wait3A_28 = arith.constant 0 : i32
    %dma_wait3A_29 = tpu.memref_slice %arg2[%mul3A_24, %dma_wait3A_28] : memref<10000x128xf32, #tpu.memory_space<hbm>> -> memref<625x64xf32, #tpu.memory_space<hbm>>
    tpu.wait_dma2 semaphore(%arg14 : memref<!tpu.dma_semaphore, #tpu.memory_space<semaphore_mem>>) src(%dma_wait3A_29 : memref<625x64xf32, #tpu.memory_space<hbm>>) dst(%dma_wait3A_27 : memref<625x64xf32, #tpu.memory_space<vmem_shared>>)
    %barrier3A = arith.constant 0 : index
    tpu.barrier barrier_id(%barrier3A)
    %scan3A_30 = arith.constant 0 : i32
    %scan3A_31 = arith.constant 0 : i32
    %scan3A_32 = arith.constant 2 : i32
    %scan3A_33 = arith.addi %scan3A_31, %scan3A_32 : i32
    %scan3A_34 = arith.constant 1 : i32
    scf.for %scan3A_47 = %scan3A_31 to %scan3A_33 step %scan3A_34  : i32 {
      %mul3A_48 = arith.constant 39 : i32
      %mul3A_49 = arith.muli %scan3A_47, %mul3A_48 : i32
      %add3A_50 = arith.addi %add3A_4, %mul3A_49 : i32
      %mul3A_51 = arith.constant 128 : i32
      %mul3A_52 = arith.muli %add3A_50, %mul3A_51 : i32
      %run_scoped3A = arith.constant 0 : i32
      "tpu.region"() ({
        %run_scoped3A_135 = tpu.sem_alloc : memref<!tpu.dma_semaphore, #tpu.memory_space<semaphore_mem>>
        %dma_start3A_136 = arith.constant 0 : i32
        %dma_start3A_137 = tpu.memref_slice %arg5[%dma_start3A_136] : memref<4992xi32, #tpu.memory_space<vmem>> -> memref<4992xi32, #tpu.memory_space<vmem>>
        %dma_start3A_138 = tpu.memref_slice %arg3[%run_scoped3A, %mul3A_52] : memref<2x320000xi32, #tpu.memory_space<hbm>> -> memref<1x4992xi32, #tpu.memory_space<hbm>>
        %dma_start3A_139 = tpu.memref_squeeze %dma_start3A_138 : memref<1x4992xi32, #tpu.memory_space<hbm>> -> memref<4992xi32, #tpu.memory_space<hbm>>
        %dma_start3A_140 = arith.constant 0 : i32
        %dma_start3A_141 = tpu.memref_slice %arg5[%dma_start3A_140] : memref<4992xi32, #tpu.memory_space<vmem>> -> memref<4992xi32, #tpu.memory_space<vmem>>
        %dma_start3A_142 = tpu.memref_slice %arg3[%run_scoped3A, %mul3A_52] : memref<2x320000xi32, #tpu.memory_space<hbm>> -> memref<1x4992xi32, #tpu.memory_space<hbm>>
        %dma_start3A_143 = tpu.memref_squeeze %dma_start3A_142 : memref<1x4992xi32, #tpu.memory_space<hbm>> -> memref<4992xi32, #tpu.memory_space<hbm>>
        tpu.enqueue_dma source(%dma_start3A_143 : memref<4992xi32, #tpu.memory_space<hbm>>) target(%dma_start3A_141 : memref<4992xi32, #tpu.memory_space<vmem>>) target_semaphore(%run_scoped3A_135 : memref<!tpu.dma_semaphore, #tpu.memory_space<semaphore_mem>>)
        %dma_wait3A_144 = arith.constant 0 : i32
        %dma_wait3A_145 = tpu.memref_slice %arg5[%dma_wait3A_144] : memref<4992xi32, #tpu.memory_space<vmem>> -> memref<4992xi32, #tpu.memory_space<vmem>>
        %dma_wait3A_146 = tpu.memref_slice %arg3[%run_scoped3A, %mul3A_52] : memref<2x320000xi32, #tpu.memory_space<hbm>> -> memref<1x4992xi32, #tpu.memory_space<hbm>>
        %dma_wait3A_147 = tpu.memref_squeeze %dma_wait3A_146 : memref<1x4992xi32, #tpu.memory_space<hbm>> -> memref<4992xi32, #tpu.memory_space<hbm>>
        %dma_wait3A_148 = arith.constant 0 : i32
        %dma_wait3A_149 = tpu.memref_slice %arg5[%dma_wait3A_148] : memref<4992xi32, #tpu.memory_space<vmem>> -> memref<4992xi32, #tpu.memory_space<vmem>>
        %dma_wait3A_150 = tpu.memref_slice %arg3[%run_scoped3A, %mul3A_52] : memref<2x320000xi32, #tpu.memory_space<hbm>> -> memref<1x4992xi32, #tpu.memory_space<hbm>>
        %dma_wait3A_151 = tpu.memref_squeeze %dma_wait3A_150 : memref<1x4992xi32, #tpu.memory_space<hbm>> -> memref<4992xi32, #tpu.memory_space<hbm>>
        tpu.wait_dma2 semaphore(%run_scoped3A_135 : memref<!tpu.dma_semaphore, #tpu.memory_space<semaphore_mem>>) src(%dma_wait3A_151 : memref<4992xi32, #tpu.memory_space<hbm>>) dst(%dma_wait3A_149 : memref<4992xi32, #tpu.memory_space<vmem>>)
        tpu.yield
      }) : () -> ()
      %mul3A_53 = arith.constant 128 : i32
      %mul3A_54 = arith.muli %add3A_50, %mul3A_53 : i32
      %run_scoped3A_55 = arith.constant 1 : i32
      "tpu.region"() ({
        %run_scoped3A_135 = tpu.sem_alloc : memref<!tpu.dma_semaphore, #tpu.memory_space<semaphore_mem>>
        %dma_start3A_136 = arith.constant 0 : i32
        %dma_start3A_137 = tpu.memref_slice %arg6[%dma_start3A_136] : memref<4992xi32, #tpu.memory_space<vmem>> -> memref<4992xi32, #tpu.memory_space<vmem>>
        %dma_start3A_138 = tpu.memref_slice %arg3[%run_scoped3A_55, %mul3A_54] : memref<2x320000xi32, #tpu.memory_space<hbm>> -> memref<1x4992xi32, #tpu.memory_space<hbm>>
        %dma_start3A_139 = tpu.memref_squeeze %dma_start3A_138 : memref<1x4992xi32, #tpu.memory_space<hbm>> -> memref<4992xi32, #tpu.memory_space<hbm>>
        %dma_start3A_140 = arith.constant 0 : i32
        %dma_start3A_141 = tpu.memref_slice %arg6[%dma_start3A_140] : memref<4992xi32, #tpu.memory_space<vmem>> -> memref<4992xi32, #tpu.memory_space<vmem>>
        %dma_start3A_142 = tpu.memref_slice %arg3[%run_scoped3A_55, %mul3A_54] : memref<2x320000xi32, #tpu.memory_space<hbm>> -> memref<1x4992xi32, #tpu.memory_space<hbm>>
        %dma_start3A_143 = tpu.memref_squeeze %dma_start3A_142 : memref<1x4992xi32, #tpu.memory_space<hbm>> -> memref<4992xi32, #tpu.memory_space<hbm>>
        tpu.enqueue_dma source(%dma_start3A_143 : memref<4992xi32, #tpu.memory_space<hbm>>) target(%dma_start3A_141 : memref<4992xi32, #tpu.memory_space<vmem>>) target_semaphore(%run_scoped3A_135 : memref<!tpu.dma_semaphore, #tpu.memory_space<semaphore_mem>>)
        %dma_wait3A_144 = arith.constant 0 : i32
        %dma_wait3A_145 = tpu.memref_slice %arg6[%dma_wait3A_144] : memref<4992xi32, #tpu.memory_space<vmem>> -> memref<4992xi32, #tpu.memory_space<vmem>>
        %dma_wait3A_146 = tpu.memref_slice %arg3[%run_scoped3A_55, %mul3A_54] : memref<2x320000xi32, #tpu.memory_space<hbm>> -> memref<1x4992xi32, #tpu.memory_space<hbm>>
        %dma_wait3A_147 = tpu.memref_squeeze %dma_wait3A_146 : memref<1x4992xi32, #tpu.memory_space<hbm>> -> memref<4992xi32, #tpu.memory_space<hbm>>
        %dma_wait3A_148 = arith.constant 0 : i32
        %dma_wait3A_149 = tpu.memref_slice %arg6[%dma_wait3A_148] : memref<4992xi32, #tpu.memory_space<vmem>> -> memref<4992xi32, #tpu.memory_space<vmem>>
        %dma_wait3A_150 = tpu.memref_slice %arg3[%run_scoped3A_55, %mul3A_54] : memref<2x320000xi32, #tpu.memory_space<hbm>> -> memref<1x4992xi32, #tpu.memory_space<hbm>>
        %dma_wait3A_151 = tpu.memref_squeeze %dma_wait3A_150 : memref<1x4992xi32, #tpu.memory_space<hbm>> -> memref<4992xi32, #tpu.memory_space<hbm>>
        tpu.wait_dma2 semaphore(%run_scoped3A_135 : memref<!tpu.dma_semaphore, #tpu.memory_space<semaphore_mem>>) src(%dma_wait3A_151 : memref<4992xi32, #tpu.memory_space<hbm>>) dst(%dma_wait3A_149 : memref<4992xi32, #tpu.memory_space<vmem>>)
        tpu.yield
      }) : () -> ()
      %dma_start3A_56 = arith.constant 0 : i32
      %dma_start3A_57 = arith.constant 0 : i32
      %dma_start3A_58 = arith.constant 0 : i32
      %dma_start3A_59 = tpu.memref_slice %arg7[%dma_start3A_56, %dma_start3A_57, %dma_start3A_58] : memref<4x128x64xf32, #tpu.memory_space<vmem>> -> memref<1x128x64xf32, #tpu.memory_space<vmem>>
      %dma_start3A_60 = tpu.memref_squeeze %dma_start3A_59 : memref<1x128x64xf32, #tpu.memory_space<vmem>> -> memref<128x64xf32, #tpu.memory_space<vmem>>
      %dma_start3A_61 = arith.constant 0 : i32
      %dma_start3A_62 = tpu.memref_slice %arg5[%dma_start3A_61] : memref<4992xi32, #tpu.memory_space<vmem>> -> memref<128xi32, #tpu.memory_space<vmem>>
      %dma_start3A_63 = arith.constant 0 : i32
      %dma_start3A_64 = arith.constant 0 : i32
      %dma_start3A_65 = tpu.memref_slice %arg8[%dma_start3A_63, %dma_start3A_64] : memref<10000x64xf32, #tpu.memory_space<vmem_shared>> -> memref<10000x64xf32, #tpu.memory_space<vmem_shared>>
      tpu.enqueue_indirect_dma source(%dma_start3A_65 : memref<10000x64xf32, #tpu.memory_space<vmem_shared>>) target(%dma_start3A_60 : memref<128x64xf32, #tpu.memory_space<vmem>>) offsets(%dma_start3A_62 : memref<128xi32, #tpu.memory_space<vmem>>) semaphore(%arg10 : memref<!tpu.dma_semaphore, #tpu.memory_space<semaphore_mem>>)
      %dma_start3A_66 = arith.constant 1 : i32
      %dma_start3A_67 = arith.constant 0 : i32
      %dma_start3A_68 = arith.constant 0 : i32
      %dma_start3A_69 = tpu.memref_slice %arg7[%dma_start3A_66, %dma_start3A_67, %dma_start3A_68] : memref<4x128x64xf32, #tpu.memory_space<vmem>> -> memref<1x128x64xf32, #tpu.memory_space<vmem>>
      %dma_start3A_70 = tpu.memref_squeeze %dma_start3A_69 : memref<1x128x64xf32, #tpu.memory_space<vmem>> -> memref<128x64xf32, #tpu.memory_space<vmem>>
      %dma_start3A_71 = arith.constant 128 : i32
      %dma_start3A_72 = tpu.memref_slice %arg5[%dma_start3A_71] : memref<4992xi32, #tpu.memory_space<vmem>> -> memref<128xi32, #tpu.memory_space<vmem>>
      %dma_start3A_73 = arith.constant 0 : i32
      %dma_start3A_74 = arith.constant 0 : i32
      %dma_start3A_75 = tpu.memref_slice %arg8[%dma_start3A_73, %dma_start3A_74] : memref<10000x64xf32, #tpu.memory_space<vmem_shared>> -> memref<10000x64xf32, #tpu.memory_space<vmem_shared>>
      tpu.enqueue_indirect_dma source(%dma_start3A_75 : memref<10000x64xf32, #tpu.memory_space<vmem_shared>>) target(%dma_start3A_70 : memref<128x64xf32, #tpu.memory_space<vmem>>) offsets(%dma_start3A_72 : memref<128xi32, #tpu.memory_space<vmem>>) semaphore(%arg11 : memref<!tpu.dma_semaphore, #tpu.memory_space<semaphore_mem>>)
      %dma_start3A_76 = arith.constant 2 : i32
      %dma_start3A_77 = arith.constant 0 : i32
      %dma_start3A_78 = arith.constant 0 : i32
      %dma_start3A_79 = tpu.memref_slice %arg7[%dma_start3A_76, %dma_start3A_77, %dma_start3A_78] : memref<4x128x64xf32, #tpu.memory_space<vmem>> -> memref<1x128x64xf32, #tpu.memory_space<vmem>>
      %dma_start3A_80 = tpu.memref_squeeze %dma_start3A_79 : memref<1x128x64xf32, #tpu.memory_space<vmem>> -> memref<128x64xf32, #tpu.memory_space<vmem>>
      %dma_start3A_81 = arith.constant 256 : i32
      %dma_start3A_82 = tpu.memref_slice %arg5[%dma_start3A_81] : memref<4992xi32, #tpu.memory_space<vmem>> -> memref<128xi32, #tpu.memory_space<vmem>>
      %dma_start3A_83 = arith.constant 0 : i32
      %dma_start3A_84 = arith.constant 0 : i32
      %dma_start3A_85 = tpu.memref_slice %arg8[%dma_start3A_83, %dma_start3A_84] : memref<10000x64xf32, #tpu.memory_space<vmem_shared>> -> memref<10000x64xf32, #tpu.memory_space<vmem_shared>>
      tpu.enqueue_indirect_dma source(%dma_start3A_85 : memref<10000x64xf32, #tpu.memory_space<vmem_shared>>) target(%dma_start3A_80 : memref<128x64xf32, #tpu.memory_space<vmem>>) offsets(%dma_start3A_82 : memref<128xi32, #tpu.memory_space<vmem>>) semaphore(%arg12 : memref<!tpu.dma_semaphore, #tpu.memory_space<semaphore_mem>>)
      %dma_start3A_86 = arith.constant 3 : i32
      %dma_start3A_87 = arith.constant 0 : i32
      %dma_start3A_88 = arith.constant 0 : i32
      %dma_start3A_89 = tpu.memref_slice %arg7[%dma_start3A_86, %dma_start3A_87, %dma_start3A_88] : memref<4x128x64xf32, #tpu.memory_space<vmem>> -> memref<1x128x64xf32, #tpu.memory_space<vmem>>
      %dma_start3A_90 = tpu.memref_squeeze %dma_start3A_89 : memref<1x128x64xf32, #tpu.memory_space<vmem>> -> memref<128x64xf32, #tpu.memory_space<vmem>>
      %dma_start3A_91 = arith.constant 384 : i32
      %dma_start3A_92 = tpu.memref_slice %arg5[%dma_start3A_91] : memref<4992xi32, #tpu.memory_space<vmem>> -> memref<128xi32, #tpu.memory_space<vmem>>
      %dma_start3A_93 = arith.constant 0 : i32
      %dma_start3A_94 = arith.constant 0 : i32
      %dma_start3A_95 = tpu.memref_slice %arg8[%dma_start3A_93, %dma_start3A_94] : memref<10000x64xf32, #tpu.memory_space<vmem_shared>> -> memref<10000x64xf32, #tpu.memory_space<vmem_shared>>
      tpu.enqueue_indirect_dma source(%dma_start3A_95 : memref<10000x64xf32, #tpu.memory_space<vmem_shared>>) target(%dma_start3A_90 : memref<128x64xf32, #tpu.memory_space<vmem>>) offsets(%dma_start3A_92 : memref<128xi32, #tpu.memory_space<vmem>>) semaphore(%arg13 : memref<!tpu.dma_semaphore, #tpu.memory_space<semaphore_mem>>)
      %scan3A_96 = arith.constant 0 : i32
      %scan3A_97 = arith.constant 0 : i32
      %scan3A_98 = arith.constant 9 : i32
      %scan3A_99 = arith.addi %scan3A_97, %scan3A_98 : i32
      %scan3A_100 = arith.constant 1 : i32
      scf.for %scan3A_135 = %scan3A_97 to %scan3A_99 step %scan3A_100  : i32 {
        %mul3A_136 = arith.constant 4 : i32
        %mul3A_137 = arith.muli %mul3A_136, %scan3A_135 : i32
        %add3A_138 = arith.constant 0 : i32
        %add3A_139 = arith.addi %mul3A_137, %add3A_138 : i32
        %mul3A_140 = arith.constant 128 : i32
        %mul3A_141 = arith.muli %add3A_139, %mul3A_140 : i32
        %dma_wait3A_142 = arith.constant 0 : i32
        %dma_wait3A_143 = arith.constant 0 : i32
        %dma_wait3A_144 = arith.constant 0 : i32
        %dma_wait3A_145 = tpu.memref_slice %arg7[%dma_wait3A_142, %dma_wait3A_143, %dma_wait3A_144] : memref<4x128x64xf32, #tpu.memory_space<vmem>> -> memref<1x128x64xf32, #tpu.memory_space<vmem>>
        %dma_wait3A_146 = tpu.memref_squeeze %dma_wait3A_145 : memref<1x128x64xf32, #tpu.memory_space<vmem>> -> memref<128x64xf32, #tpu.memory_space<vmem>>
        %dma_wait3A_147 = tpu.memref_slice %arg5[%mul3A_141] : memref<4992xi32, #tpu.memory_space<vmem>> -> memref<128xi32, #tpu.memory_space<vmem>>
        %dma_wait3A_148 = arith.constant 0 : i32
        %dma_wait3A_149 = arith.constant 0 : i32
        %dma_wait3A_150 = tpu.memref_slice %arg8[%dma_wait3A_148, %dma_wait3A_149] : memref<10000x64xf32, #tpu.memory_space<vmem_shared>> -> memref<10000x64xf32, #tpu.memory_space<vmem_shared>>
        tpu.wait_indirect_dma semaphore(%arg10 : memref<!tpu.dma_semaphore, #tpu.memory_space<semaphore_mem>>) src(%dma_wait3A_150 : memref<10000x64xf32, #tpu.memory_space<vmem_shared>>) dst(%dma_wait3A_146 : memref<128x64xf32, #tpu.memory_space<vmem>>)
        %mul3A_151 = arith.constant 128 : i32
        %mul3A_152 = arith.muli %add3A_139, %mul3A_151 : i32
        %run_scoped3A_153 = arith.constant 0 : i32
        "tpu.region"() ({
          %run_scoped3A_236 = tpu.sem_alloc : memref<!tpu.dma_semaphore, #tpu.memory_space<semaphore_mem>>
          %dma_start3A_237 = arith.constant 0 : i32
          %dma_start3A_238 = arith.constant 0 : i32
          %dma_start3A_239 = tpu.memref_slice %arg7[%run_scoped3A_153, %dma_start3A_237, %dma_start3A_238] : memref<4x128x64xf32, #tpu.memory_space<vmem>> -> memref<1x128x64xf32, #tpu.memory_space<vmem>>
          %dma_start3A_240 = tpu.memref_squeeze %dma_start3A_239 : memref<1x128x64xf32, #tpu.memory_space<vmem>> -> memref<128x64xf32, #tpu.memory_space<vmem>>
          %dma_start3A_241 = tpu.memref_slice %arg6[%mul3A_152] : memref<4992xi32, #tpu.memory_space<vmem>> -> memref<128xi32, #tpu.memory_space<vmem>>
          %dma_start3A_242 = arith.constant 0 : i32
          %dma_start3A_243 = arith.constant 0 : i32
          %dma_start3A_244 = tpu.memref_slice %arg9[%dma_start3A_242, %dma_start3A_243] : memref<10240x64xf32, #tpu.memory_space<vmem_shared>> -> memref<10240x64xf32, #tpu.memory_space<vmem_shared>>
          tpu.enqueue_indirect_dma source(%dma_start3A_240 : memref<128x64xf32, #tpu.memory_space<vmem>>) target(%dma_start3A_244 : memref<10240x64xf32, #tpu.memory_space<vmem_shared>>) offsets(%dma_start3A_241 : memref<128xi32, #tpu.memory_space<vmem>>) semaphore(%run_scoped3A_236 : memref<!tpu.dma_semaphore, #tpu.memory_space<semaphore_mem>>) {add = true}
          %dma_wait3A_245 = arith.constant 0 : i32
          %dma_wait3A_246 = arith.constant 0 : i32
          %dma_wait3A_247 = tpu.memref_slice %arg7[%run_scoped3A_153, %dma_wait3A_245, %dma_wait3A_246] : memref<4x128x64xf32, #tpu.memory_space<vmem>> -> memref<1x128x64xf32, #tpu.memory_space<vmem>>
          %dma_wait3A_248 = tpu.memref_squeeze %dma_wait3A_247 : memref<1x128x64xf32, #tpu.memory_space<vmem>> -> memref<128x64xf32, #tpu.memory_space<vmem>>
          %dma_wait3A_249 = tpu.memref_slice %arg6[%mul3A_152] : memref<4992xi32, #tpu.memory_space<vmem>> -> memref<128xi32, #tpu.memory_space<vmem>>
          %dma_wait3A_250 = arith.constant 0 : i32
          %dma_wait3A_251 = arith.constant 0 : i32
          %dma_wait3A_252 = tpu.memref_slice %arg9[%dma_wait3A_250, %dma_wait3A_251] : memref<10240x64xf32, #tpu.memory_space<vmem_shared>> -> memref<10240x64xf32, #tpu.memory_space<vmem_shared>>
          tpu.wait_indirect_dma semaphore(%run_scoped3A_236 : memref<!tpu.dma_semaphore, #tpu.memory_space<semaphore_mem>>) src(%dma_wait3A_248 : memref<128x64xf32, #tpu.memory_space<vmem>>) dst(%dma_wait3A_252 : memref<10240x64xf32, #tpu.memory_space<vmem_shared>>)
          tpu.yield
        }) : () -> ()
        %add3A_154 = arith.constant 4 : i32
        %add3A_155 = arith.addi %add3A_139, %add3A_154 : i32
        %lt3A_156 = arith.constant 39 : i32
        %lt3A_157 = arith.cmpi slt, %add3A_155, %lt3A_156 : i32
        %convert_element_type3A_158 = arith.extui %lt3A_157 : i1 to i32
        %cond3A_159 = arith.constant 0 : i32
        %cond3A_160 = arith.cmpi ne, %convert_element_type3A_158, %cond3A_159 : i32
        scf.if %cond3A_160 {
          %add3A_236 = arith.constant 4 : i32
          %add3A_237 = arith.addi %add3A_139, %add3A_236 : i32
          %mul3A_238 = arith.constant 128 : i32
          %mul3A_239 = arith.muli %add3A_237, %mul3A_238 : i32
          %dma_start3A_240 = arith.constant 0 : i32
          %dma_start3A_241 = arith.constant 0 : i32
          %dma_start3A_242 = arith.constant 0 : i32
          %dma_start3A_243 = tpu.memref_slice %arg7[%dma_start3A_240, %dma_start3A_241, %dma_start3A_242] : memref<4x128x64xf32, #tpu.memory_space<vmem>> -> memref<1x128x64xf32, #tpu.memory_space<vmem>>
          %dma_start3A_244 = tpu.memref_squeeze %dma_start3A_243 : memref<1x128x64xf32, #tpu.memory_space<vmem>> -> memref<128x64xf32, #tpu.memory_space<vmem>>
          %dma_start3A_245 = tpu.memref_slice %arg5[%mul3A_239] : memref<4992xi32, #tpu.memory_space<vmem>> -> memref<128xi32, #tpu.memory_space<vmem>>
          %dma_start3A_246 = arith.constant 0 : i32
          %dma_start3A_247 = arith.constant 0 : i32
          %dma_start3A_248 = tpu.memref_slice %arg8[%dma_start3A_246, %dma_start3A_247] : memref<10000x64xf32, #tpu.memory_space<vmem_shared>> -> memref<10000x64xf32, #tpu.memory_space<vmem_shared>>
          tpu.enqueue_indirect_dma source(%dma_start3A_248 : memref<10000x64xf32, #tpu.memory_space<vmem_shared>>) target(%dma_start3A_244 : memref<128x64xf32, #tpu.memory_space<vmem>>) offsets(%dma_start3A_245 : memref<128xi32, #tpu.memory_space<vmem>>) semaphore(%arg10 : memref<!tpu.dma_semaphore, #tpu.memory_space<semaphore_mem>>)
        } else {
        }
        %mul3A_161 = arith.constant 4 : i32
        %mul3A_162 = arith.muli %mul3A_161, %scan3A_135 : i32
        %add3A_163 = arith.constant 1 : i32
        %add3A_164 = arith.addi %mul3A_162, %add3A_163 : i32
        %mul3A_165 = arith.constant 128 : i32
        %mul3A_166 = arith.muli %add3A_164, %mul3A_165 : i32
        %dma_wait3A_167 = arith.constant 1 : i32
        %dma_wait3A_168 = arith.constant 0 : i32
        %dma_wait3A_169 = arith.constant 0 : i32
        %dma_wait3A_170 = tpu.memref_slice %arg7[%dma_wait3A_167, %dma_wait3A_168, %dma_wait3A_169] : memref<4x128x64xf32, #tpu.memory_space<vmem>> -> memref<1x128x64xf32, #tpu.memory_space<vmem>>
        %dma_wait3A_171 = tpu.memref_squeeze %dma_wait3A_170 : memref<1x128x64xf32, #tpu.memory_space<vmem>> -> memref<128x64xf32, #tpu.memory_space<vmem>>
        %dma_wait3A_172 = tpu.memref_slice %arg5[%mul3A_166] : memref<4992xi32, #tpu.memory_space<vmem>> -> memref<128xi32, #tpu.memory_space<vmem>>
        %dma_wait3A_173 = arith.constant 0 : i32
        %dma_wait3A_174 = arith.constant 0 : i32
        %dma_wait3A_175 = tpu.memref_slice %arg8[%dma_wait3A_173, %dma_wait3A_174] : memref<10000x64xf32, #tpu.memory_space<vmem_shared>> -> memref<10000x64xf32, #tpu.memory_space<vmem_shared>>
        tpu.wait_indirect_dma semaphore(%arg11 : memref<!tpu.dma_semaphore, #tpu.memory_space<semaphore_mem>>) src(%dma_wait3A_175 : memref<10000x64xf32, #tpu.memory_space<vmem_shared>>) dst(%dma_wait3A_171 : memref<128x64xf32, #tpu.memory_space<vmem>>)
        %mul3A_176 = arith.constant 128 : i32
        %mul3A_177 = arith.muli %add3A_164, %mul3A_176 : i32
        %run_scoped3A_178 = arith.constant 1 : i32
        "tpu.region"() ({
          %run_scoped3A_236 = tpu.sem_alloc : memref<!tpu.dma_semaphore, #tpu.memory_space<semaphore_mem>>
          %dma_start3A_237 = arith.constant 0 : i32
          %dma_start3A_238 = arith.constant 0 : i32
          %dma_start3A_239 = tpu.memref_slice %arg7[%run_scoped3A_178, %dma_start3A_237, %dma_start3A_238] : memref<4x128x64xf32, #tpu.memory_space<vmem>> -> memref<1x128x64xf32, #tpu.memory_space<vmem>>
          %dma_start3A_240 = tpu.memref_squeeze %dma_start3A_239 : memref<1x128x64xf32, #tpu.memory_space<vmem>> -> memref<128x64xf32, #tpu.memory_space<vmem>>
          %dma_start3A_241 = tpu.memref_slice %arg6[%mul3A_177] : memref<4992xi32, #tpu.memory_space<vmem>> -> memref<128xi32, #tpu.memory_space<vmem>>
          %dma_start3A_242 = arith.constant 0 : i32
          %dma_start3A_243 = arith.constant 0 : i32
          %dma_start3A_244 = tpu.memref_slice %arg9[%dma_start3A_242, %dma_start3A_243] : memref<10240x64xf32, #tpu.memory_space<vmem_shared>> -> memref<10240x64xf32, #tpu.memory_space<vmem_shared>>
          tpu.enqueue_indirect_dma source(%dma_start3A_240 : memref<128x64xf32, #tpu.memory_space<vmem>>) target(%dma_start3A_244 : memref<10240x64xf32, #tpu.memory_space<vmem_shared>>) offsets(%dma_start3A_241 : memref<128xi32, #tpu.memory_space<vmem>>) semaphore(%run_scoped3A_236 : memref<!tpu.dma_semaphore, #tpu.memory_space<semaphore_mem>>) {add = true}
          %dma_wait3A_245 = arith.constant 0 : i32
          %dma_wait3A_246 = arith.constant 0 : i32
          %dma_wait3A_247 = tpu.memref_slice %arg7[%run_scoped3A_178, %dma_wait3A_245, %dma_wait3A_246] : memref<4x128x64xf32, #tpu.memory_space<vmem>> -> memref<1x128x64xf32, #tpu.memory_space<vmem>>
          %dma_wait3A_248 = tpu.memref_squeeze %dma_wait3A_247 : memref<1x128x64xf32, #tpu.memory_space<vmem>> -> memref<128x64xf32, #tpu.memory_space<vmem>>
          %dma_wait3A_249 = tpu.memref_slice %arg6[%mul3A_177] : memref<4992xi32, #tpu.memory_space<vmem>> -> memref<128xi32, #tpu.memory_space<vmem>>
          %dma_wait3A_250 = arith.constant 0 : i32
          %dma_wait3A_251 = arith.constant 0 : i32
          %dma_wait3A_252 = tpu.memref_slice %arg9[%dma_wait3A_250, %dma_wait3A_251] : memref<10240x64xf32, #tpu.memory_space<vmem_shared>> -> memref<10240x64xf32, #tpu.memory_space<vmem_shared>>
          tpu.wait_indirect_dma semaphore(%run_scoped3A_236 : memref<!tpu.dma_semaphore, #tpu.memory_space<semaphore_mem>>) src(%dma_wait3A_248 : memref<128x64xf32, #tpu.memory_space<vmem>>) dst(%dma_wait3A_252 : memref<10240x64xf32, #tpu.memory_space<vmem_shared>>)
          tpu.yield
        }) : () -> ()
        %add3A_179 = arith.constant 4 : i32
        %add3A_180 = arith.addi %add3A_164, %add3A_179 : i32
        %lt3A_181 = arith.constant 39 : i32
        %lt3A_182 = arith.cmpi slt, %add3A_180, %lt3A_181 : i32
        %convert_element_type3A_183 = arith.extui %lt3A_182 : i1 to i32
        %cond3A_184 = arith.constant 0 : i32
        %cond3A_185 = arith.cmpi ne, %convert_element_type3A_183, %cond3A_184 : i32
        scf.if %cond3A_185 {
          %add3A_236 = arith.constant 4 : i32
          %add3A_237 = arith.addi %add3A_164, %add3A_236 : i32
          %mul3A_238 = arith.constant 128 : i32
          %mul3A_239 = arith.muli %add3A_237, %mul3A_238 : i32
          %dma_start3A_240 = arith.constant 1 : i32
          %dma_start3A_241 = arith.constant 0 : i32
          %dma_start3A_242 = arith.constant 0 : i32
          %dma_start3A_243 = tpu.memref_slice %arg7[%dma_start3A_240, %dma_start3A_241, %dma_start3A_242] : memref<4x128x64xf32, #tpu.memory_space<vmem>> -> memref<1x128x64xf32, #tpu.memory_space<vmem>>
          %dma_start3A_244 = tpu.memref_squeeze %dma_start3A_243 : memref<1x128x64xf32, #tpu.memory_space<vmem>> -> memref<128x64xf32, #tpu.memory_space<vmem>>
          %dma_start3A_245 = tpu.memref_slice %arg5[%mul3A_239] : memref<4992xi32, #tpu.memory_space<vmem>> -> memref<128xi32, #tpu.memory_space<vmem>>
          %dma_start3A_246 = arith.constant 0 : i32
          %dma_start3A_247 = arith.constant 0 : i32
          %dma_start3A_248 = tpu.memref_slice %arg8[%dma_start3A_246, %dma_start3A_247] : memref<10000x64xf32, #tpu.memory_space<vmem_shared>> -> memref<10000x64xf32, #tpu.memory_space<vmem_shared>>
          tpu.enqueue_indirect_dma source(%dma_start3A_248 : memref<10000x64xf32, #tpu.memory_space<vmem_shared>>) target(%dma_start3A_244 : memref<128x64xf32, #tpu.memory_space<vmem>>) offsets(%dma_start3A_245 : memref<128xi32, #tpu.memory_space<vmem>>) semaphore(%arg11 : memref<!tpu.dma_semaphore, #tpu.memory_space<semaphore_mem>>)
        } else {
        }
        %mul3A_186 = arith.constant 4 : i32
        %mul3A_187 = arith.muli %mul3A_186, %scan3A_135 : i32
        %add3A_188 = arith.constant 2 : i32
        %add3A_189 = arith.addi %mul3A_187, %add3A_188 : i32
        %mul3A_190 = arith.constant 128 : i32
        %mul3A_191 = arith.muli %add3A_189, %mul3A_190 : i32
        %dma_wait3A_192 = arith.constant 2 : i32
        %dma_wait3A_193 = arith.constant 0 : i32
        %dma_wait3A_194 = arith.constant 0 : i32
        %dma_wait3A_195 = tpu.memref_slice %arg7[%dma_wait3A_192, %dma_wait3A_193, %dma_wait3A_194] : memref<4x128x64xf32, #tpu.memory_space<vmem>> -> memref<1x128x64xf32, #tpu.memory_space<vmem>>
        %dma_wait3A_196 = tpu.memref_squeeze %dma_wait3A_195 : memref<1x128x64xf32, #tpu.memory_space<vmem>> -> memref<128x64xf32, #tpu.memory_space<vmem>>
        %dma_wait3A_197 = tpu.memref_slice %arg5[%mul3A_191] : memref<4992xi32, #tpu.memory_space<vmem>> -> memref<128xi32, #tpu.memory_space<vmem>>
        %dma_wait3A_198 = arith.constant 0 : i32
        %dma_wait3A_199 = arith.constant 0 : i32
        %dma_wait3A_200 = tpu.memref_slice %arg8[%dma_wait3A_198, %dma_wait3A_199] : memref<10000x64xf32, #tpu.memory_space<vmem_shared>> -> memref<10000x64xf32, #tpu.memory_space<vmem_shared>>
        tpu.wait_indirect_dma semaphore(%arg12 : memref<!tpu.dma_semaphore, #tpu.memory_space<semaphore_mem>>) src(%dma_wait3A_200 : memref<10000x64xf32, #tpu.memory_space<vmem_shared>>) dst(%dma_wait3A_196 : memref<128x64xf32, #tpu.memory_space<vmem>>)
        %mul3A_201 = arith.constant 128 : i32
        %mul3A_202 = arith.muli %add3A_189, %mul3A_201 : i32
        %run_scoped3A_203 = arith.constant 2 : i32
        "tpu.region"() ({
          %run_scoped3A_236 = tpu.sem_alloc : memref<!tpu.dma_semaphore, #tpu.memory_space<semaphore_mem>>
          %dma_start3A_237 = arith.constant 0 : i32
          %dma_start3A_238 = arith.constant 0 : i32
          %dma_start3A_239 = tpu.memref_slice %arg7[%run_scoped3A_203, %dma_start3A_237, %dma_start3A_238] : memref<4x128x64xf32, #tpu.memory_space<vmem>> -> memref<1x128x64xf32, #tpu.memory_space<vmem>>
          %dma_start3A_240 = tpu.memref_squeeze %dma_start3A_239 : memref<1x128x64xf32, #tpu.memory_space<vmem>> -> memref<128x64xf32, #tpu.memory_space<vmem>>
          %dma_start3A_241 = tpu.memref_slice %arg6[%mul3A_202] : memref<4992xi32, #tpu.memory_space<vmem>> -> memref<128xi32, #tpu.memory_space<vmem>>
          %dma_start3A_242 = arith.constant 0 : i32
          %dma_start3A_243 = arith.constant 0 : i32
          %dma_start3A_244 = tpu.memref_slice %arg9[%dma_start3A_242, %dma_start3A_243] : memref<10240x64xf32, #tpu.memory_space<vmem_shared>> -> memref<10240x64xf32, #tpu.memory_space<vmem_shared>>
          tpu.enqueue_indirect_dma source(%dma_start3A_240 : memref<128x64xf32, #tpu.memory_space<vmem>>) target(%dma_start3A_244 : memref<10240x64xf32, #tpu.memory_space<vmem_shared>>) offsets(%dma_start3A_241 : memref<128xi32, #tpu.memory_space<vmem>>) semaphore(%run_scoped3A_236 : memref<!tpu.dma_semaphore, #tpu.memory_space<semaphore_mem>>) {add = true}
          %dma_wait3A_245 = arith.constant 0 : i32
          %dma_wait3A_246 = arith.constant 0 : i32
          %dma_wait3A_247 = tpu.memref_slice %arg7[%run_scoped3A_203, %dma_wait3A_245, %dma_wait3A_246] : memref<4x128x64xf32, #tpu.memory_space<vmem>> -> memref<1x128x64xf32, #tpu.memory_space<vmem>>
          %dma_wait3A_248 = tpu.memref_squeeze %dma_wait3A_247 : memref<1x128x64xf32, #tpu.memory_space<vmem>> -> memref<128x64xf32, #tpu.memory_space<vmem>>
          %dma_wait3A_249 = tpu.memref_slice %arg6[%mul3A_202] : memref<4992xi32, #tpu.memory_space<vmem>> -> memref<128xi32, #tpu.memory_space<vmem>>
          %dma_wait3A_250 = arith.constant 0 : i32
          %dma_wait3A_251 = arith.constant 0 : i32
          %dma_wait3A_252 = tpu.memref_slice %arg9[%dma_wait3A_250, %dma_wait3A_251] : memref<10240x64xf32, #tpu.memory_space<vmem_shared>> -> memref<10240x64xf32, #tpu.memory_space<vmem_shared>>
          tpu.wait_indirect_dma semaphore(%run_scoped3A_236 : memref<!tpu.dma_semaphore, #tpu.memory_space<semaphore_mem>>) src(%dma_wait3A_248 : memref<128x64xf32, #tpu.memory_space<vmem>>) dst(%dma_wait3A_252 : memref<10240x64xf32, #tpu.memory_space<vmem_shared>>)
          tpu.yield
        }) : () -> ()
        %add3A_204 = arith.constant 4 : i32
        %add3A_205 = arith.addi %add3A_189, %add3A_204 : i32
        %lt3A_206 = arith.constant 39 : i32
        %lt3A_207 = arith.cmpi slt, %add3A_205, %lt3A_206 : i32
        %convert_element_type3A_208 = arith.extui %lt3A_207 : i1 to i32
        %cond3A_209 = arith.constant 0 : i32
        %cond3A_210 = arith.cmpi ne, %convert_element_type3A_208, %cond3A_209 : i32
        scf.if %cond3A_210 {
          %add3A_236 = arith.constant 4 : i32
          %add3A_237 = arith.addi %add3A_189, %add3A_236 : i32
          %mul3A_238 = arith.constant 128 : i32
          %mul3A_239 = arith.muli %add3A_237, %mul3A_238 : i32
          %dma_start3A_240 = arith.constant 2 : i32
          %dma_start3A_241 = arith.constant 0 : i32
          %dma_start3A_242 = arith.constant 0 : i32
          %dma_start3A_243 = tpu.memref_slice %arg7[%dma_start3A_240, %dma_start3A_241, %dma_start3A_242] : memref<4x128x64xf32, #tpu.memory_space<vmem>> -> memref<1x128x64xf32, #tpu.memory_space<vmem>>
          %dma_start3A_244 = tpu.memref_squeeze %dma_start3A_243 : memref<1x128x64xf32, #tpu.memory_space<vmem>> -> memref<128x64xf32, #tpu.memory_space<vmem>>
          %dma_start3A_245 = tpu.memref_slice %arg5[%mul3A_239] : memref<4992xi32, #tpu.memory_space<vmem>> -> memref<128xi32, #tpu.memory_space<vmem>>
          %dma_start3A_246 = arith.constant 0 : i32
          %dma_start3A_247 = arith.constant 0 : i32
          %dma_start3A_248 = tpu.memref_slice %arg8[%dma_start3A_246, %dma_start3A_247] : memref<10000x64xf32, #tpu.memory_space<vmem_shared>> -> memref<10000x64xf32, #tpu.memory_space<vmem_shared>>
          tpu.enqueue_indirect_dma source(%dma_start3A_248 : memref<10000x64xf32, #tpu.memory_space<vmem_shared>>) target(%dma_start3A_244 : memref<128x64xf32, #tpu.memory_space<vmem>>) offsets(%dma_start3A_245 : memref<128xi32, #tpu.memory_space<vmem>>) semaphore(%arg12 : memref<!tpu.dma_semaphore, #tpu.memory_space<semaphore_mem>>)
        } else {
        }
        %mul3A_211 = arith.constant 4 : i32
        %mul3A_212 = arith.muli %mul3A_211, %scan3A_135 : i32
        %add3A_213 = arith.constant 3 : i32
        %add3A_214 = arith.addi %mul3A_212, %add3A_213 : i32
        %mul3A_215 = arith.constant 128 : i32
        %mul3A_216 = arith.muli %add3A_214, %mul3A_215 : i32
        %dma_wait3A_217 = arith.constant 3 : i32
        %dma_wait3A_218 = arith.constant 0 : i32
        %dma_wait3A_219 = arith.constant 0 : i32
        %dma_wait3A_220 = tpu.memref_slice %arg7[%dma_wait3A_217, %dma_wait3A_218, %dma_wait3A_219] : memref<4x128x64xf32, #tpu.memory_space<vmem>> -> memref<1x128x64xf32, #tpu.memory_space<vmem>>
        %dma_wait3A_221 = tpu.memref_squeeze %dma_wait3A_220 : memref<1x128x64xf32, #tpu.memory_space<vmem>> -> memref<128x64xf32, #tpu.memory_space<vmem>>
        %dma_wait3A_222 = tpu.memref_slice %arg5[%mul3A_216] : memref<4992xi32, #tpu.memory_space<vmem>> -> memref<128xi32, #tpu.memory_space<vmem>>
        %dma_wait3A_223 = arith.constant 0 : i32
        %dma_wait3A_224 = arith.constant 0 : i32
        %dma_wait3A_225 = tpu.memref_slice %arg8[%dma_wait3A_223, %dma_wait3A_224] : memref<10000x64xf32, #tpu.memory_space<vmem_shared>> -> memref<10000x64xf32, #tpu.memory_space<vmem_shared>>
        tpu.wait_indirect_dma semaphore(%arg13 : memref<!tpu.dma_semaphore, #tpu.memory_space<semaphore_mem>>) src(%dma_wait3A_225 : memref<10000x64xf32, #tpu.memory_space<vmem_shared>>) dst(%dma_wait3A_221 : memref<128x64xf32, #tpu.memory_space<vmem>>)
        %mul3A_226 = arith.constant 128 : i32
        %mul3A_227 = arith.muli %add3A_214, %mul3A_226 : i32
        %run_scoped3A_228 = arith.constant 3 : i32
        "tpu.region"() ({
          %run_scoped3A_236 = tpu.sem_alloc : memref<!tpu.dma_semaphore, #tpu.memory_space<semaphore_mem>>
          %dma_start3A_237 = arith.constant 0 : i32
          %dma_start3A_238 = arith.constant 0 : i32
          %dma_start3A_239 = tpu.memref_slice %arg7[%run_scoped3A_228, %dma_start3A_237, %dma_start3A_238] : memref<4x128x64xf32, #tpu.memory_space<vmem>> -> memref<1x128x64xf32, #tpu.memory_space<vmem>>
          %dma_start3A_240 = tpu.memref_squeeze %dma_start3A_239 : memref<1x128x64xf32, #tpu.memory_space<vmem>> -> memref<128x64xf32, #tpu.memory_space<vmem>>
          %dma_start3A_241 = tpu.memref_slice %arg6[%mul3A_227] : memref<4992xi32, #tpu.memory_space<vmem>> -> memref<128xi32, #tpu.memory_space<vmem>>
          %dma_start3A_242 = arith.constant 0 : i32
          %dma_start3A_243 = arith.constant 0 : i32
          %dma_start3A_244 = tpu.memref_slice %arg9[%dma_start3A_242, %dma_start3A_243] : memref<10240x64xf32, #tpu.memory_space<vmem_shared>> -> memref<10240x64xf32, #tpu.memory_space<vmem_shared>>
          tpu.enqueue_indirect_dma source(%dma_start3A_240 : memref<128x64xf32, #tpu.memory_space<vmem>>) target(%dma_start3A_244 : memref<10240x64xf32, #tpu.memory_space<vmem_shared>>) offsets(%dma_start3A_241 : memref<128xi32, #tpu.memory_space<vmem>>) semaphore(%run_scoped3A_236 : memref<!tpu.dma_semaphore, #tpu.memory_space<semaphore_mem>>) {add = true}
          %dma_wait3A_245 = arith.constant 0 : i32
          %dma_wait3A_246 = arith.constant 0 : i32
          %dma_wait3A_247 = tpu.memref_slice %arg7[%run_scoped3A_228, %dma_wait3A_245, %dma_wait3A_246] : memref<4x128x64xf32, #tpu.memory_space<vmem>> -> memref<1x128x64xf32, #tpu.memory_space<vmem>>
          %dma_wait3A_248 = tpu.memref_squeeze %dma_wait3A_247 : memref<1x128x64xf32, #tpu.memory_space<vmem>> -> memref<128x64xf32, #tpu.memory_space<vmem>>
          %dma_wait3A_249 = tpu.memref_slice %arg6[%mul3A_227] : memref<4992xi32, #tpu.memory_space<vmem>> -> memref<128xi32, #tpu.memory_space<vmem>>
          %dma_wait3A_250 = arith.constant 0 : i32
          %dma_wait3A_251 = arith.constant 0 : i32
          %dma_wait3A_252 = tpu.memref_slice %arg9[%dma_wait3A_250, %dma_wait3A_251] : memref<10240x64xf32, #tpu.memory_space<vmem_shared>> -> memref<10240x64xf32, #tpu.memory_space<vmem_shared>>
          tpu.wait_indirect_dma semaphore(%run_scoped3A_236 : memref<!tpu.dma_semaphore, #tpu.memory_space<semaphore_mem>>) src(%dma_wait3A_248 : memref<128x64xf32, #tpu.memory_space<vmem>>) dst(%dma_wait3A_252 : memref<10240x64xf32, #tpu.memory_space<vmem_shared>>)
          tpu.yield
        }) : () -> ()
        %add3A_229 = arith.constant 4 : i32
        %add3A_230 = arith.addi %add3A_214, %add3A_229 : i32
        %lt3A_231 = arith.constant 39 : i32
        %lt3A_232 = arith.cmpi slt, %add3A_230, %lt3A_231 : i32
        %convert_element_type3A_233 = arith.extui %lt3A_232 : i1 to i32
        %cond3A_234 = arith.constant 0 : i32
        %cond3A_235 = arith.cmpi ne, %convert_element_type3A_233, %cond3A_234 : i32
        scf.if %cond3A_235 {
          %add3A_236 = arith.constant 4 : i32
          %add3A_237 = arith.addi %add3A_214, %add3A_236 : i32
          %mul3A_238 = arith.constant 128 : i32
          %mul3A_239 = arith.muli %add3A_237, %mul3A_238 : i32
          %dma_start3A_240 = arith.constant 3 : i32
          %dma_start3A_241 = arith.constant 0 : i32
          %dma_start3A_242 = arith.constant 0 : i32
          %dma_start3A_243 = tpu.memref_slice %arg7[%dma_start3A_240, %dma_start3A_241, %dma_start3A_242] : memref<4x128x64xf32, #tpu.memory_space<vmem>> -> memref<1x128x64xf32, #tpu.memory_space<vmem>>
          %dma_start3A_244 = tpu.memref_squeeze %dma_start3A_243 : memref<1x128x64xf32, #tpu.memory_space<vmem>> -> memref<128x64xf32, #tpu.memory_space<vmem>>
          %dma_start3A_245 = tpu.memref_slice %arg5[%mul3A_239] : memref<4992xi32, #tpu.memory_space<vmem>> -> memref<128xi32, #tpu.memory_space<vmem>>
          %dma_start3A_246 = arith.constant 0 : i32
          %dma_start3A_247 = arith.constant 0 : i32
          %dma_start3A_248 = tpu.memref_slice %arg8[%dma_start3A_246, %dma_start3A_247] : memref<10000x64xf32, #tpu.memory_space<vmem_shared>> -> memref<10000x64xf32, #tpu.memory_space<vmem_shared>>
          tpu.enqueue_indirect_dma source(%dma_start3A_248 : memref<10000x64xf32, #tpu.memory_space<vmem_shared>>) target(%dma_start3A_244 : memref<128x64xf32, #tpu.memory_space<vmem>>) offsets(%dma_start3A_245 : memref<128xi32, #tpu.memory_space<vmem>>) semaphore(%arg13 : memref<!tpu.dma_semaphore, #tpu.memory_space<semaphore_mem>>)
        } else {
        }
      }
      %scan3A_101 = arith.constant 9 : i32
      %dma_wait3A_102 = arith.constant 0 : i32
      %dma_wait3A_103 = arith.constant 0 : i32
      %dma_wait3A_104 = arith.constant 0 : i32
      %dma_wait3A_105 = tpu.memref_slice %arg7[%dma_wait3A_102, %dma_wait3A_103, %dma_wait3A_104] : memref<4x128x64xf32, #tpu.memory_space<vmem>> -> memref<1x128x64xf32, #tpu.memory_space<vmem>>
      %dma_wait3A_106 = tpu.memref_squeeze %dma_wait3A_105 : memref<1x128x64xf32, #tpu.memory_space<vmem>> -> memref<128x64xf32, #tpu.memory_space<vmem>>
      %dma_wait3A_107 = arith.constant 4608 : i32
      %dma_wait3A_108 = tpu.memref_slice %arg5[%dma_wait3A_107] : memref<4992xi32, #tpu.memory_space<vmem>> -> memref<128xi32, #tpu.memory_space<vmem>>
      %dma_wait3A_109 = arith.constant 0 : i32
      %dma_wait3A_110 = arith.constant 0 : i32
      %dma_wait3A_111 = tpu.memref_slice %arg8[%dma_wait3A_109, %dma_wait3A_110] : memref<10000x64xf32, #tpu.memory_space<vmem_shared>> -> memref<10000x64xf32, #tpu.memory_space<vmem_shared>>
      tpu.wait_indirect_dma semaphore(%arg10 : memref<!tpu.dma_semaphore, #tpu.memory_space<semaphore_mem>>) src(%dma_wait3A_111 : memref<10000x64xf32, #tpu.memory_space<vmem_shared>>) dst(%dma_wait3A_106 : memref<128x64xf32, #tpu.memory_space<vmem>>)
      %run_scoped3A_112 = arith.constant 0 : i32
      "tpu.region"() ({
        %run_scoped3A_135 = tpu.sem_alloc : memref<!tpu.dma_semaphore, #tpu.memory_space<semaphore_mem>>
        %dma_start3A_136 = arith.constant 0 : i32
        %dma_start3A_137 = arith.constant 0 : i32
        %dma_start3A_138 = tpu.memref_slice %arg7[%run_scoped3A_112, %dma_start3A_136, %dma_start3A_137] : memref<4x128x64xf32, #tpu.memory_space<vmem>> -> memref<1x128x64xf32, #tpu.memory_space<vmem>>
        %dma_start3A_139 = tpu.memref_squeeze %dma_start3A_138 : memref<1x128x64xf32, #tpu.memory_space<vmem>> -> memref<128x64xf32, #tpu.memory_space<vmem>>
        %dma_start3A_140 = arith.constant 4608 : i32
        %dma_start3A_141 = tpu.memref_slice %arg6[%dma_start3A_140] : memref<4992xi32, #tpu.memory_space<vmem>> -> memref<128xi32, #tpu.memory_space<vmem>>
        %dma_start3A_142 = arith.constant 0 : i32
        %dma_start3A_143 = arith.constant 0 : i32
        %dma_start3A_144 = tpu.memref_slice %arg9[%dma_start3A_142, %dma_start3A_143] : memref<10240x64xf32, #tpu.memory_space<vmem_shared>> -> memref<10240x64xf32, #tpu.memory_space<vmem_shared>>
        tpu.enqueue_indirect_dma source(%dma_start3A_139 : memref<128x64xf32, #tpu.memory_space<vmem>>) target(%dma_start3A_144 : memref<10240x64xf32, #tpu.memory_space<vmem_shared>>) offsets(%dma_start3A_141 : memref<128xi32, #tpu.memory_space<vmem>>) semaphore(%run_scoped3A_135 : memref<!tpu.dma_semaphore, #tpu.memory_space<semaphore_mem>>) {add = true}
        %dma_wait3A_145 = arith.constant 0 : i32
        %dma_wait3A_146 = arith.constant 0 : i32
        %dma_wait3A_147 = tpu.memref_slice %arg7[%run_scoped3A_112, %dma_wait3A_145, %dma_wait3A_146] : memref<4x128x64xf32, #tpu.memory_space<vmem>> -> memref<1x128x64xf32, #tpu.memory_space<vmem>>
        %dma_wait3A_148 = tpu.memref_squeeze %dma_wait3A_147 : memref<1x128x64xf32, #tpu.memory_space<vmem>> -> memref<128x64xf32, #tpu.memory_space<vmem>>
        %dma_wait3A_149 = arith.constant 4608 : i32
        %dma_wait3A_150 = tpu.memref_slice %arg6[%dma_wait3A_149] : memref<4992xi32, #tpu.memory_space<vmem>> -> memref<128xi32, #tpu.memory_space<vmem>>
        %dma_wait3A_151 = arith.constant 0 : i32
        %dma_wait3A_152 = arith.constant 0 : i32
        %dma_wait3A_153 = tpu.memref_slice %arg9[%dma_wait3A_151, %dma_wait3A_152] : memref<10240x64xf32, #tpu.memory_space<vmem_shared>> -> memref<10240x64xf32, #tpu.memory_space<vmem_shared>>
        tpu.wait_indirect_dma semaphore(%run_scoped3A_135 : memref<!tpu.dma_semaphore, #tpu.memory_space<semaphore_mem>>) src(%dma_wait3A_148 : memref<128x64xf32, #tpu.memory_space<vmem>>) dst(%dma_wait3A_153 : memref<10240x64xf32, #tpu.memory_space<vmem_shared>>)
        tpu.yield
      }) : () -> ()
      %dma_wait3A_113 = arith.constant 1 : i32
      %dma_wait3A_114 = arith.constant 0 : i32
      %dma_wait3A_115 = arith.constant 0 : i32
      %dma_wait3A_116 = tpu.memref_slice %arg7[%dma_wait3A_113, %dma_wait3A_114, %dma_wait3A_115] : memref<4x128x64xf32, #tpu.memory_space<vmem>> -> memref<1x128x64xf32, #tpu.memory_space<vmem>>
      %dma_wait3A_117 = tpu.memref_squeeze %dma_wait3A_116 : memref<1x128x64xf32, #tpu.memory_space<vmem>> -> memref<128x64xf32, #tpu.memory_space<vmem>>
      %dma_wait3A_118 = arith.constant 4736 : i32
      %dma_wait3A_119 = tpu.memref_slice %arg5[%dma_wait3A_118] : memref<4992xi32, #tpu.memory_space<vmem>> -> memref<128xi32, #tpu.memory_space<vmem>>
      %dma_wait3A_120 = arith.constant 0 : i32
      %dma_wait3A_121 = arith.constant 0 : i32
      %dma_wait3A_122 = tpu.memref_slice %arg8[%dma_wait3A_120, %dma_wait3A_121] : memref<10000x64xf32, #tpu.memory_space<vmem_shared>> -> memref<10000x64xf32, #tpu.memory_space<vmem_shared>>
      tpu.wait_indirect_dma semaphore(%arg11 : memref<!tpu.dma_semaphore, #tpu.memory_space<semaphore_mem>>) src(%dma_wait3A_122 : memref<10000x64xf32, #tpu.memory_space<vmem_shared>>) dst(%dma_wait3A_117 : memref<128x64xf32, #tpu.memory_space<vmem>>)
      %run_scoped3A_123 = arith.constant 1 : i32
      "tpu.region"() ({
        %run_scoped3A_135 = tpu.sem_alloc : memref<!tpu.dma_semaphore, #tpu.memory_space<semaphore_mem>>
        %dma_start3A_136 = arith.constant 0 : i32
        %dma_start3A_137 = arith.constant 0 : i32
        %dma_start3A_138 = tpu.memref_slice %arg7[%run_scoped3A_123, %dma_start3A_136, %dma_start3A_137] : memref<4x128x64xf32, #tpu.memory_space<vmem>> -> memref<1x128x64xf32, #tpu.memory_space<vmem>>
        %dma_start3A_139 = tpu.memref_squeeze %dma_start3A_138 : memref<1x128x64xf32, #tpu.memory_space<vmem>> -> memref<128x64xf32, #tpu.memory_space<vmem>>
        %dma_start3A_140 = arith.constant 4736 : i32
        %dma_start3A_141 = tpu.memref_slice %arg6[%dma_start3A_140] : memref<4992xi32, #tpu.memory_space<vmem>> -> memref<128xi32, #tpu.memory_space<vmem>>
        %dma_start3A_142 = arith.constant 0 : i32
        %dma_start3A_143 = arith.constant 0 : i32
        %dma_start3A_144 = tpu.memref_slice %arg9[%dma_start3A_142, %dma_start3A_143] : memref<10240x64xf32, #tpu.memory_space<vmem_shared>> -> memref<10240x64xf32, #tpu.memory_space<vmem_shared>>
        tpu.enqueue_indirect_dma source(%dma_start3A_139 : memref<128x64xf32, #tpu.memory_space<vmem>>) target(%dma_start3A_144 : memref<10240x64xf32, #tpu.memory_space<vmem_shared>>) offsets(%dma_start3A_141 : memref<128xi32, #tpu.memory_space<vmem>>) semaphore(%run_scoped3A_135 : memref<!tpu.dma_semaphore, #tpu.memory_space<semaphore_mem>>) {add = true}
        %dma_wait3A_145 = arith.constant 0 : i32
        %dma_wait3A_146 = arith.constant 0 : i32
        %dma_wait3A_147 = tpu.memref_slice %arg7[%run_scoped3A_123, %dma_wait3A_145, %dma_wait3A_146] : memref<4x128x64xf32, #tpu.memory_space<vmem>> -> memref<1x128x64xf32, #tpu.memory_space<vmem>>
        %dma_wait3A_148 = tpu.memref_squeeze %dma_wait3A_147 : memref<1x128x64xf32, #tpu.memory_space<vmem>> -> memref<128x64xf32, #tpu.memory_space<vmem>>
        %dma_wait3A_149 = arith.constant 4736 : i32
        %dma_wait3A_150 = tpu.memref_slice %arg6[%dma_wait3A_149] : memref<4992xi32, #tpu.memory_space<vmem>> -> memref<128xi32, #tpu.memory_space<vmem>>
        %dma_wait3A_151 = arith.constant 0 : i32
        %dma_wait3A_152 = arith.constant 0 : i32
        %dma_wait3A_153 = tpu.memref_slice %arg9[%dma_wait3A_151, %dma_wait3A_152] : memref<10240x64xf32, #tpu.memory_space<vmem_shared>> -> memref<10240x64xf32, #tpu.memory_space<vmem_shared>>
        tpu.wait_indirect_dma semaphore(%run_scoped3A_135 : memref<!tpu.dma_semaphore, #tpu.memory_space<semaphore_mem>>) src(%dma_wait3A_148 : memref<128x64xf32, #tpu.memory_space<vmem>>) dst(%dma_wait3A_153 : memref<10240x64xf32, #tpu.memory_space<vmem_shared>>)
        tpu.yield
      }) : () -> ()
      %dma_wait3A_124 = arith.constant 2 : i32
      %dma_wait3A_125 = arith.constant 0 : i32
      %dma_wait3A_126 = arith.constant 0 : i32
      %dma_wait3A_127 = tpu.memref_slice %arg7[%dma_wait3A_124, %dma_wait3A_125, %dma_wait3A_126] : memref<4x128x64xf32, #tpu.memory_space<vmem>> -> memref<1x128x64xf32, #tpu.memory_space<vmem>>
      %dma_wait3A_128 = tpu.memref_squeeze %dma_wait3A_127 : memref<1x128x64xf32, #tpu.memory_space<vmem>> -> memref<128x64xf32, #tpu.memory_space<vmem>>
      %dma_wait3A_129 = arith.constant 4864 : i32
      %dma_wait3A_130 = tpu.memref_slice %arg5[%dma_wait3A_129] : memref<4992xi32, #tpu.memory_space<vmem>> -> memref<128xi32, #tpu.memory_space<vmem>>
      %dma_wait3A_131 = arith.constant 0 : i32
      %dma_wait3A_132 = arith.constant 0 : i32
      %dma_wait3A_133 = tpu.memref_slice %arg8[%dma_wait3A_131, %dma_wait3A_132] : memref<10000x64xf32, #tpu.memory_space<vmem_shared>> -> memref<10000x64xf32, #tpu.memory_space<vmem_shared>>
      tpu.wait_indirect_dma semaphore(%arg12 : memref<!tpu.dma_semaphore, #tpu.memory_space<semaphore_mem>>) src(%dma_wait3A_133 : memref<10000x64xf32, #tpu.memory_space<vmem_shared>>) dst(%dma_wait3A_128 : memref<128x64xf32, #tpu.memory_space<vmem>>)
      %run_scoped3A_134 = arith.constant 2 : i32
      "tpu.region"() ({
        %run_scoped3A_135 = tpu.sem_alloc : memref<!tpu.dma_semaphore, #tpu.memory_space<semaphore_mem>>
        %dma_start3A_136 = arith.constant 0 : i32
        %dma_start3A_137 = arith.constant 0 : i32
        %dma_start3A_138 = tpu.memref_slice %arg7[%run_scoped3A_134, %dma_start3A_136, %dma_start3A_137] : memref<4x128x64xf32, #tpu.memory_space<vmem>> -> memref<1x128x64xf32, #tpu.memory_space<vmem>>
        %dma_start3A_139 = tpu.memref_squeeze %dma_start3A_138 : memref<1x128x64xf32, #tpu.memory_space<vmem>> -> memref<128x64xf32, #tpu.memory_space<vmem>>
        %dma_start3A_140 = arith.constant 4864 : i32
        %dma_start3A_141 = tpu.memref_slice %arg6[%dma_start3A_140] : memref<4992xi32, #tpu.memory_space<vmem>> -> memref<128xi32, #tpu.memory_space<vmem>>
        %dma_start3A_142 = arith.constant 0 : i32
        %dma_start3A_143 = arith.constant 0 : i32
        %dma_start3A_144 = tpu.memref_slice %arg9[%dma_start3A_142, %dma_start3A_143] : memref<10240x64xf32, #tpu.memory_space<vmem_shared>> -> memref<10240x64xf32, #tpu.memory_space<vmem_shared>>
        tpu.enqueue_indirect_dma source(%dma_start3A_139 : memref<128x64xf32, #tpu.memory_space<vmem>>) target(%dma_start3A_144 : memref<10240x64xf32, #tpu.memory_space<vmem_shared>>) offsets(%dma_start3A_141 : memref<128xi32, #tpu.memory_space<vmem>>) semaphore(%run_scoped3A_135 : memref<!tpu.dma_semaphore, #tpu.memory_space<semaphore_mem>>) {add = true}
        %dma_wait3A_145 = arith.constant 0 : i32
        %dma_wait3A_146 = arith.constant 0 : i32
        %dma_wait3A_147 = tpu.memref_slice %arg7[%run_scoped3A_134, %dma_wait3A_145, %dma_wait3A_146] : memref<4x128x64xf32, #tpu.memory_space<vmem>> -> memref<1x128x64xf32, #tpu.memory_space<vmem>>
        %dma_wait3A_148 = tpu.memref_squeeze %dma_wait3A_147 : memref<1x128x64xf32, #tpu.memory_space<vmem>> -> memref<128x64xf32, #tpu.memory_space<vmem>>
        %dma_wait3A_149 = arith.constant 4864 : i32
        %dma_wait3A_150 = tpu.memref_slice %arg6[%dma_wait3A_149] : memref<4992xi32, #tpu.memory_space<vmem>> -> memref<128xi32, #tpu.memory_space<vmem>>
        %dma_wait3A_151 = arith.constant 0 : i32
        %dma_wait3A_152 = arith.constant 0 : i32
        %dma_wait3A_153 = tpu.memref_slice %arg9[%dma_wait3A_151, %dma_wait3A_152] : memref<10240x64xf32, #tpu.memory_space<vmem_shared>> -> memref<10240x64xf32, #tpu.memory_space<vmem_shared>>
        tpu.wait_indirect_dma semaphore(%run_scoped3A_135 : memref<!tpu.dma_semaphore, #tpu.memory_space<semaphore_mem>>) src(%dma_wait3A_148 : memref<128x64xf32, #tpu.memory_space<vmem>>) dst(%dma_wait3A_153 : memref<10240x64xf32, #tpu.memory_space<vmem_shared>>)
        tpu.yield
      }) : () -> ()
    }
    %scan3A_35 = arith.constant 2 : i32
    %add3A_36 = arith.constant 78 : i32
    %add3A_37 = arith.addi %add3A_4, %add3A_36 : i32
    %lt3A = arith.constant 4 : i32
    %lt3A_38 = arith.cmpi slt, %add3A, %lt3A : i32
    %convert_element_type3A = arith.extui %lt3A_38 : i1 to i32
    %cond3A = arith.constant 0 : i32
    %cond3A_39 = arith.cmpi ne, %convert_element_type3A, %cond3A : i32
    scf.if %cond3A_39 {
      %add3A_47 = arith.constant 78 : i32
      %add3A_48 = arith.addi %add3A_4, %add3A_47 : i32
      %mul3A_49 = arith.constant 128 : i32
      %mul3A_50 = arith.muli %add3A_48, %mul3A_49 : i32
      %run_scoped3A = arith.constant 0 : i32
      "tpu.region"() ({
        %run_scoped3A_75 = tpu.sem_alloc : memref<!tpu.dma_semaphore, #tpu.memory_space<semaphore_mem>>
        %dma_start3A_76 = arith.constant 0 : i32
        %dma_start3A_77 = tpu.memref_slice %arg5[%dma_start3A_76] : memref<4992xi32, #tpu.memory_space<vmem>> -> memref<128xi32, #tpu.memory_space<vmem>>
        %dma_start3A_78 = tpu.memref_slice %arg3[%run_scoped3A, %mul3A_50] : memref<2x320000xi32, #tpu.memory_space<hbm>> -> memref<1x128xi32, #tpu.memory_space<hbm>>
        %dma_start3A_79 = tpu.memref_squeeze %dma_start3A_78 : memref<1x128xi32, #tpu.memory_space<hbm>> -> memref<128xi32, #tpu.memory_space<hbm>>
        %dma_start3A_80 = arith.constant 0 : i32
        %dma_start3A_81 = tpu.memref_slice %arg5[%dma_start3A_80] : memref<4992xi32, #tpu.memory_space<vmem>> -> memref<128xi32, #tpu.memory_space<vmem>>
        %dma_start3A_82 = tpu.memref_slice %arg3[%run_scoped3A, %mul3A_50] : memref<2x320000xi32, #tpu.memory_space<hbm>> -> memref<1x128xi32, #tpu.memory_space<hbm>>
        %dma_start3A_83 = tpu.memref_squeeze %dma_start3A_82 : memref<1x128xi32, #tpu.memory_space<hbm>> -> memref<128xi32, #tpu.memory_space<hbm>>
        tpu.enqueue_dma source(%dma_start3A_83 : memref<128xi32, #tpu.memory_space<hbm>>) target(%dma_start3A_81 : memref<128xi32, #tpu.memory_space<vmem>>) target_semaphore(%run_scoped3A_75 : memref<!tpu.dma_semaphore, #tpu.memory_space<semaphore_mem>>)
        %dma_wait3A_84 = arith.constant 0 : i32
        %dma_wait3A_85 = tpu.memref_slice %arg5[%dma_wait3A_84] : memref<4992xi32, #tpu.memory_space<vmem>> -> memref<128xi32, #tpu.memory_space<vmem>>
        %dma_wait3A_86 = tpu.memref_slice %arg3[%run_scoped3A, %mul3A_50] : memref<2x320000xi32, #tpu.memory_space<hbm>> -> memref<1x128xi32, #tpu.memory_space<hbm>>
        %dma_wait3A_87 = tpu.memref_squeeze %dma_wait3A_86 : memref<1x128xi32, #tpu.memory_space<hbm>> -> memref<128xi32, #tpu.memory_space<hbm>>
        %dma_wait3A_88 = arith.constant 0 : i32
        %dma_wait3A_89 = tpu.memref_slice %arg5[%dma_wait3A_88] : memref<4992xi32, #tpu.memory_space<vmem>> -> memref<128xi32, #tpu.memory_space<vmem>>
        %dma_wait3A_90 = tpu.memref_slice %arg3[%run_scoped3A, %mul3A_50] : memref<2x320000xi32, #tpu.memory_space<hbm>> -> memref<1x128xi32, #tpu.memory_space<hbm>>
        %dma_wait3A_91 = tpu.memref_squeeze %dma_wait3A_90 : memref<1x128xi32, #tpu.memory_space<hbm>> -> memref<128xi32, #tpu.memory_space<hbm>>
        tpu.wait_dma2 semaphore(%run_scoped3A_75 : memref<!tpu.dma_semaphore, #tpu.memory_space<semaphore_mem>>) src(%dma_wait3A_91 : memref<128xi32, #tpu.memory_space<hbm>>) dst(%dma_wait3A_89 : memref<128xi32, #tpu.memory_space<vmem>>)
        tpu.yield
      }) : () -> ()
      %mul3A_51 = arith.constant 128 : i32
      %mul3A_52 = arith.muli %add3A_48, %mul3A_51 : i32
      %run_scoped3A_53 = arith.constant 1 : i32
      "tpu.region"() ({
        %run_scoped3A_75 = tpu.sem_alloc : memref<!tpu.dma_semaphore, #tpu.memory_space<semaphore_mem>>
        %dma_start3A_76 = arith.constant 0 : i32
        %dma_start3A_77 = tpu.memref_slice %arg6[%dma_start3A_76] : memref<4992xi32, #tpu.memory_space<vmem>> -> memref<128xi32, #tpu.memory_space<vmem>>
        %dma_start3A_78 = tpu.memref_slice %arg3[%run_scoped3A_53, %mul3A_52] : memref<2x320000xi32, #tpu.memory_space<hbm>> -> memref<1x128xi32, #tpu.memory_space<hbm>>
        %dma_start3A_79 = tpu.memref_squeeze %dma_start3A_78 : memref<1x128xi32, #tpu.memory_space<hbm>> -> memref<128xi32, #tpu.memory_space<hbm>>
        %dma_start3A_80 = arith.constant 0 : i32
        %dma_start3A_81 = tpu.memref_slice %arg6[%dma_start3A_80] : memref<4992xi32, #tpu.memory_space<vmem>> -> memref<128xi32, #tpu.memory_space<vmem>>
        %dma_start3A_82 = tpu.memref_slice %arg3[%run_scoped3A_53, %mul3A_52] : memref<2x320000xi32, #tpu.memory_space<hbm>> -> memref<1x128xi32, #tpu.memory_space<hbm>>
        %dma_start3A_83 = tpu.memref_squeeze %dma_start3A_82 : memref<1x128xi32, #tpu.memory_space<hbm>> -> memref<128xi32, #tpu.memory_space<hbm>>
        tpu.enqueue_dma source(%dma_start3A_83 : memref<128xi32, #tpu.memory_space<hbm>>) target(%dma_start3A_81 : memref<128xi32, #tpu.memory_space<vmem>>) target_semaphore(%run_scoped3A_75 : memref<!tpu.dma_semaphore, #tpu.memory_space<semaphore_mem>>)
        %dma_wait3A_84 = arith.constant 0 : i32
        %dma_wait3A_85 = tpu.memref_slice %arg6[%dma_wait3A_84] : memref<4992xi32, #tpu.memory_space<vmem>> -> memref<128xi32, #tpu.memory_space<vmem>>
        %dma_wait3A_86 = tpu.memref_slice %arg3[%run_scoped3A_53, %mul3A_52] : memref<2x320000xi32, #tpu.memory_space<hbm>> -> memref<1x128xi32, #tpu.memory_space<hbm>>
        %dma_wait3A_87 = tpu.memref_squeeze %dma_wait3A_86 : memref<1x128xi32, #tpu.memory_space<hbm>> -> memref<128xi32, #tpu.memory_space<hbm>>
        %dma_wait3A_88 = arith.constant 0 : i32
        %dma_wait3A_89 = tpu.memref_slice %arg6[%dma_wait3A_88] : memref<4992xi32, #tpu.memory_space<vmem>> -> memref<128xi32, #tpu.memory_space<vmem>>
        %dma_wait3A_90 = tpu.memref_slice %arg3[%run_scoped3A_53, %mul3A_52] : memref<2x320000xi32, #tpu.memory_space<hbm>> -> memref<1x128xi32, #tpu.memory_space<hbm>>
        %dma_wait3A_91 = tpu.memref_squeeze %dma_wait3A_90 : memref<1x128xi32, #tpu.memory_space<hbm>> -> memref<128xi32, #tpu.memory_space<hbm>>
        tpu.wait_dma2 semaphore(%run_scoped3A_75 : memref<!tpu.dma_semaphore, #tpu.memory_space<semaphore_mem>>) src(%dma_wait3A_91 : memref<128xi32, #tpu.memory_space<hbm>>) dst(%dma_wait3A_89 : memref<128xi32, #tpu.memory_space<vmem>>)
        tpu.yield
      }) : () -> ()
      %dma_start3A_54 = arith.constant 0 : i32
      %dma_start3A_55 = arith.constant 0 : i32
      %dma_start3A_56 = arith.constant 0 : i32
      %dma_start3A_57 = tpu.memref_slice %arg7[%dma_start3A_54, %dma_start3A_55, %dma_start3A_56] : memref<4x128x64xf32, #tpu.memory_space<vmem>> -> memref<1x128x64xf32, #tpu.memory_space<vmem>>
      %dma_start3A_58 = tpu.memref_squeeze %dma_start3A_57 : memref<1x128x64xf32, #tpu.memory_space<vmem>> -> memref<128x64xf32, #tpu.memory_space<vmem>>
      %dma_start3A_59 = arith.constant 0 : i32
      %dma_start3A_60 = tpu.memref_slice %arg5[%dma_start3A_59] : memref<4992xi32, #tpu.memory_space<vmem>> -> memref<128xi32, #tpu.memory_space<vmem>>
      %dma_start3A_61 = arith.constant 0 : i32
      %dma_start3A_62 = arith.constant 0 : i32
      %dma_start3A_63 = tpu.memref_slice %arg8[%dma_start3A_61, %dma_start3A_62] : memref<10000x64xf32, #tpu.memory_space<vmem_shared>> -> memref<10000x64xf32, #tpu.memory_space<vmem_shared>>
      tpu.enqueue_indirect_dma source(%dma_start3A_63 : memref<10000x64xf32, #tpu.memory_space<vmem_shared>>) target(%dma_start3A_58 : memref<128x64xf32, #tpu.memory_space<vmem>>) offsets(%dma_start3A_60 : memref<128xi32, #tpu.memory_space<vmem>>) semaphore(%arg10 : memref<!tpu.dma_semaphore, #tpu.memory_space<semaphore_mem>>)
      %dma_wait3A_64 = arith.constant 0 : i32
      %dma_wait3A_65 = arith.constant 0 : i32
      %dma_wait3A_66 = arith.constant 0 : i32
      %dma_wait3A_67 = tpu.memref_slice %arg7[%dma_wait3A_64, %dma_wait3A_65, %dma_wait3A_66] : memref<4x128x64xf32, #tpu.memory_space<vmem>> -> memref<1x128x64xf32, #tpu.memory_space<vmem>>
      %dma_wait3A_68 = tpu.memref_squeeze %dma_wait3A_67 : memref<1x128x64xf32, #tpu.memory_space<vmem>> -> memref<128x64xf32, #tpu.memory_space<vmem>>
      %dma_wait3A_69 = arith.constant 0 : i32
      %dma_wait3A_70 = tpu.memref_slice %arg5[%dma_wait3A_69] : memref<4992xi32, #tpu.memory_space<vmem>> -> memref<128xi32, #tpu.memory_space<vmem>>
      %dma_wait3A_71 = arith.constant 0 : i32
      %dma_wait3A_72 = arith.constant 0 : i32
      %dma_wait3A_73 = tpu.memref_slice %arg8[%dma_wait3A_71, %dma_wait3A_72] : memref<10000x64xf32, #tpu.memory_space<vmem_shared>> -> memref<10000x64xf32, #tpu.memory_space<vmem_shared>>
      tpu.wait_indirect_dma semaphore(%arg10 : memref<!tpu.dma_semaphore, #tpu.memory_space<semaphore_mem>>) src(%dma_wait3A_73 : memref<10000x64xf32, #tpu.memory_space<vmem_shared>>) dst(%dma_wait3A_68 : memref<128x64xf32, #tpu.memory_space<vmem>>)
      %run_scoped3A_74 = arith.constant 0 : i32
      "tpu.region"() ({
        %run_scoped3A_75 = tpu.sem_alloc : memref<!tpu.dma_semaphore, #tpu.memory_space<semaphore_mem>>
        %dma_start3A_76 = arith.constant 0 : i32
        %dma_start3A_77 = arith.constant 0 : i32
        %dma_start3A_78 = tpu.memref_slice %arg7[%run_scoped3A_74, %dma_start3A_76, %dma_start3A_77] : memref<4x128x64xf32, #tpu.memory_space<vmem>> -> memref<1x128x64xf32, #tpu.memory_space<vmem>>
        %dma_start3A_79 = tpu.memref_squeeze %dma_start3A_78 : memref<1x128x64xf32, #tpu.memory_space<vmem>> -> memref<128x64xf32, #tpu.memory_space<vmem>>
        %dma_start3A_80 = arith.constant 0 : i32
        %dma_start3A_81 = tpu.memref_slice %arg6[%dma_start3A_80] : memref<4992xi32, #tpu.memory_space<vmem>> -> memref<128xi32, #tpu.memory_space<vmem>>
        %dma_start3A_82 = arith.constant 0 : i32
        %dma_start3A_83 = arith.constant 0 : i32
        %dma_start3A_84 = tpu.memref_slice %arg9[%dma_start3A_82, %dma_start3A_83] : memref<10240x64xf32, #tpu.memory_space<vmem_shared>> -> memref<10240x64xf32, #tpu.memory_space<vmem_shared>>
        tpu.enqueue_indirect_dma source(%dma_start3A_79 : memref<128x64xf32, #tpu.memory_space<vmem>>) target(%dma_start3A_84 : memref<10240x64xf32, #tpu.memory_space<vmem_shared>>) offsets(%dma_start3A_81 : memref<128xi32, #tpu.memory_space<vmem>>) semaphore(%run_scoped3A_75 : memref<!tpu.dma_semaphore, #tpu.memory_space<semaphore_mem>>) {add = true}
        %dma_wait3A_85 = arith.constant 0 : i32
        %dma_wait3A_86 = arith.constant 0 : i32
        %dma_wait3A_87 = tpu.memref_slice %arg7[%run_scoped3A_74, %dma_wait3A_85, %dma_wait3A_86] : memref<4x128x64xf32, #tpu.memory_space<vmem>> -> memref<1x128x64xf32, #tpu.memory_space<vmem>>
        %dma_wait3A_88 = tpu.memref_squeeze %dma_wait3A_87 : memref<1x128x64xf32, #tpu.memory_space<vmem>> -> memref<128x64xf32, #tpu.memory_space<vmem>>
        %dma_wait3A_89 = arith.constant 0 : i32
        %dma_wait3A_90 = tpu.memref_slice %arg6[%dma_wait3A_89] : memref<4992xi32, #tpu.memory_space<vmem>> -> memref<128xi32, #tpu.memory_space<vmem>>
        %dma_wait3A_91 = arith.constant 0 : i32
        %dma_wait3A_92 = arith.constant 0 : i32
        %dma_wait3A_93 = tpu.memref_slice %arg9[%dma_wait3A_91, %dma_wait3A_92] : memref<10240x64xf32, #tpu.memory_space<vmem_shared>> -> memref<10240x64xf32, #tpu.memory_space<vmem_shared>>
        tpu.wait_indirect_dma semaphore(%run_scoped3A_75 : memref<!tpu.dma_semaphore, #tpu.memory_space<semaphore_mem>>) src(%dma_wait3A_88 : memref<128x64xf32, #tpu.memory_space<vmem>>) dst(%dma_wait3A_93 : memref<10240x64xf32, #tpu.memory_space<vmem_shared>>)
        tpu.yield
      }) : () -> ()
    } else {
    }
    %barrier3A_40 = arith.constant 0 : index
    tpu.barrier barrier_id(%barrier3A_40)
    %mul3A_41 = arith.constant 640 : i32
    %mul3A_42 = arith.muli %arg1, %mul3A_41 : i32
    %mul3A_43 = arith.constant 640 : i32
    %mul3A_44 = arith.muli %arg1, %mul3A_43 : i32
    %mul3A_45 = arith.constant 64 : i32
    %mul3A_46 = arith.muli %arg0, %mul3A_45 : i32
    "tpu.region"() ({
      %run_scoped3A = tpu.sem_alloc : memref<!tpu.dma_semaphore, #tpu.memory_space<semaphore_mem>>
      %dma_start3A_47 = tpu.memref_slice %arg4[%mul3A_44, %mul3A_46] : memref<10240x128xf32, #tpu.memory_space<hbm>> -> memref<640x64xf32, #tpu.memory_space<hbm>>
      %dma_start3A_48 = arith.constant 0 : i32
      %dma_start3A_49 = tpu.memref_slice %arg9[%mul3A_42, %dma_start3A_48] : memref<10240x64xf32, #tpu.memory_space<vmem_shared>> -> memref<640x64xf32, #tpu.memory_space<vmem_shared>>
      tpu.enqueue_dma source(%dma_start3A_49 : memref<640x64xf32, #tpu.memory_space<vmem_shared>>) target(%dma_start3A_47 : memref<640x64xf32, #tpu.memory_space<hbm>>) target_semaphore(%run_scoped3A : memref<!tpu.dma_semaphore, #tpu.memory_space<semaphore_mem>>)
      %dma_wait3A_50 = tpu.memref_slice %arg4[%mul3A_44, %mul3A_46] : memref<10240x128xf32, #tpu.memory_space<hbm>> -> memref<640x64xf32, #tpu.memory_space<hbm>>
      %dma_wait3A_51 = arith.constant 0 : i32
      %dma_wait3A_52 = tpu.memref_slice %arg9[%mul3A_42, %dma_wait3A_51] : memref<10240x64xf32, #tpu.memory_space<vmem_shared>> -> memref<640x64xf32, #tpu.memory_space<vmem_shared>>
      tpu.wait_dma2 semaphore(%run_scoped3A : memref<!tpu.dma_semaphore, #tpu.memory_space<semaphore_mem>>) src(%dma_wait3A_52 : memref<640x64xf32, #tpu.memory_space<vmem_shared>>) dst(%dma_wait3A_50 : memref<640x64xf32, #tpu.memory_space<hbm>>)
      tpu.yield
    }) : () -> ()
    return
  }
}

module attributes {stable_mosaic.version = 14 : i64} {
  func.func @_scale_body(%arg0: i32, %arg1: memref<2x2000x16xf32, #tpu.memory_space<vmem>>, %arg2: memref<2000x128xf32, #tpu.memory_space<vmem>>, %arg3: memref<2000x1xf32, #tpu.memory_space<vmem>>, %arg4: memref<2000x128xf32, #tpu.memory_space<vmem>>) attributes {dimension_semantics = [#tpu.dimension_semantics<arbitrary>], iteration_bounds = array<i64: 5>, scalar_prefetch = 0 : i64, scratch_operands = 0 : i64, tpu.core_type = #tpu.core_type<tc>, window_params = [{transform_indices = @transform_0, window_bounds = array<i64: 2, 2000, 16>}, {transform_indices = @transform_1, window_bounds = array<i64: 2000, 128>}, {transform_indices = @transform_2, window_bounds = array<i64: 2000, 1>}, {transform_indices = @transform_3, window_bounds = array<i64: 2000, 128>}]} {
    %get3A = arith.constant 0 : index
    %get3A_0 = arith.constant 0 : index
    %get3A_1 = arith.constant 0 : index
    %get3A_2 = vector.load %arg1[%get3A, %get3A_0, %get3A_1] : memref<2x2000x16xf32, #tpu.memory_space<vmem>>, vector<1x2000x1xf32>
    %get3A_3 = vector.shape_cast %get3A_2 : vector<1x2000x1xf32> to vector<2000x1xf32>
    %add3A = arith.constant 1.000000e+00 : f32
    %add3A_4 = vector.broadcast %add3A : f32 to vector<2000x1xf32>
    %add3A_5 = arith.addf %add3A_4, %get3A_3 : vector<2000x1xf32>
    %get3A_6 = arith.constant 1 : index
    %get3A_7 = arith.constant 0 : index
    %get3A_8 = arith.constant 0 : index
    %get3A_9 = vector.load %arg1[%get3A_6, %get3A_7, %get3A_8] : memref<2x2000x16xf32, #tpu.memory_space<vmem>>, vector<1x2000x1xf32>
    %get3A_10 = vector.shape_cast %get3A_9 : vector<1x2000x1xf32> to vector<2000x1xf32>
    %add3A_11 = arith.addf %add3A_5, %get3A_10 : vector<2000x1xf32>
    %rsqrt3A = math.rsqrt %add3A_11 : vector<2000x1xf32>
    %swap3A = arith.constant 0 : index
    %swap3A_12 = arith.constant 0 : index
    %swap3A_13 = vector.load %arg3[%swap3A, %swap3A_12] : memref<2000x1xf32, #tpu.memory_space<vmem>>, vector<2000x1xf32>
    tpu.vector_store %arg3[%swap3A, %swap3A_12], %rsqrt3A {strides = array<i32>} : memref<2000x1xf32, #tpu.memory_space<vmem>>, vector<2000x1xf32>,
    %get3A_14 = arith.constant 0 : index
    %get3A_15 = arith.constant 0 : index
    %get3A_16 = vector.load %arg2[%get3A_14, %get3A_15] : memref<2000x128xf32, #tpu.memory_space<vmem>>, vector<2000x128xf32>
    %mul3A = vector.broadcast %rsqrt3A : vector<2000x1xf32> to vector<2000x128xf32>
    %mul3A_17 = arith.mulf %get3A_16, %mul3A : vector<2000x128xf32>
    %swap3A_18 = arith.constant 0 : index
    %swap3A_19 = arith.constant 0 : index
    %swap3A_20 = vector.load %arg4[%swap3A_18, %swap3A_19] : memref<2000x128xf32, #tpu.memory_space<vmem>>, vector<2000x128xf32>
    tpu.vector_store %arg4[%swap3A_18, %swap3A_19], %mul3A_17 {strides = array<i32>} : memref<2000x128xf32, #tpu.memory_space<vmem>>, vector<2000x128xf32>,
    return
  }
  func.func @transform_0(%arg0: i32) -> (i32, i32, i32) {
    %c0_i32 = arith.constant 0 : i32
    %c0_i32_0 = arith.constant 0 : i32
    %c0_i32_1 = arith.constant 0 : i32
    return %c0_i32, %arg0, %c0_i32_0 : i32, i32, i32
  }
  func.func @transform_1(%arg0: i32) -> (i32, i32) {
    %c0_i32 = arith.constant 0 : i32
    %c0_i32_0 = arith.constant 0 : i32
    return %arg0, %c0_i32 : i32, i32
  }
  func.func @transform_2(%arg0: i32) -> (i32, i32) {
    %c0_i32 = arith.constant 0 : i32
    %c0_i32_0 = arith.constant 0 : i32
    return %arg0, %c0_i32 : i32, i32
  }
  func.func @transform_3(%arg0: i32) -> (i32, i32) {
    %c0_i32 = arith.constant 0 : i32
    %c0_i32_0 = arith.constant 0 : i32
    return %arg0, %c0_i32 : i32, i32
  }
}

module attributes {stable_mosaic.version = 14 : i64} {
  func.func @_mm1_body(%arg0: i32, %arg1: memref<2000x128xf32, #tpu.memory_space<vmem>>, %arg2: memref<128x128xf32, #tpu.memory_space<vmem>>, %arg3: memref<2000x128xf32, #tpu.memory_space<vmem>>) attributes {dimension_semantics = [#tpu.dimension_semantics<arbitrary>], iteration_bounds = array<i64: 5>, scalar_prefetch = 0 : i64, scratch_operands = 0 : i64, tpu.core_type = #tpu.core_type<tc>, window_params = [{transform_indices = @transform_0, window_bounds = array<i64: 2000, 128>}, {pipeline_mode = #tpu.pipeline_mode<synchronous>, transform_indices = @transform_1, window_bounds = array<i64: 128, 128>}, {transform_indices = @transform_2, window_bounds = array<i64: 2000, 128>}]} {
    %get3A = arith.constant 0 : index
    %get3A_0 = arith.constant 0 : index
    %get3A_1 = vector.load %arg1[%get3A, %get3A_0] : memref<2000x128xf32, #tpu.memory_space<vmem>>, vector<2000x128xf32>
    %get3A_2 = arith.constant 0 : index
    %get3A_3 = arith.constant 0 : index
    %get3A_4 = vector.load %arg2[%get3A_2, %get3A_3] : memref<128x128xf32, #tpu.memory_space<vmem>>, vector<128x128xf32>
    %dot_general3A = arith.constant dense<0.000000e+00> : vector<2000x128xf32>
    %dot_general3A_5 = tpu.matmul %get3A_1, %get3A_4, %dot_general3A {dimension_numbers = #tpu.dot_dimension_numbers<[1], [0], [0], [1], [0, 0, 1, 1], [], []>, transpose_lhs_hint = false} : vector<2000x128xf32>, vector<128x128xf32>, vector<2000x128xf32> -> vector<2000x128xf32>
    %swap3A = arith.constant 0 : index
    %swap3A_6 = arith.constant 0 : index
    %swap3A_7 = vector.load %arg3[%swap3A, %swap3A_6] : memref<2000x128xf32, #tpu.memory_space<vmem>>, vector<2000x128xf32>
    tpu.vector_store %arg3[%swap3A, %swap3A_6], %dot_general3A_5 {strides = array<i32>} : memref<2000x128xf32, #tpu.memory_space<vmem>>, vector<2000x128xf32>,
    return
  }
  func.func @transform_0(%arg0: i32) -> (i32, i32) {
    %c0_i32 = arith.constant 0 : i32
    %c0_i32_0 = arith.constant 0 : i32
    return %arg0, %c0_i32 : i32, i32
  }
  func.func @transform_1(%arg0: i32) -> (i32, i32) {
    %c0_i32 = arith.constant 0 : i32
    %c0_i32_0 = arith.constant 0 : i32
    %c0_i32_1 = arith.constant 0 : i32
    return %c0_i32, %c0_i32_0 : i32, i32
  }
  func.func @transform_2(%arg0: i32) -> (i32, i32) {
    %c0_i32 = arith.constant 0 : i32
    %c0_i32_0 = arith.constant 0 : i32
    return %arg0, %c0_i32 : i32, i32
  }
}

module attributes {stable_mosaic.version = 14 : i64} {
  func.func @_mid_body(%arg0: i32, %arg1: memref<2000x128xf32, #tpu.memory_space<vmem>>, %arg2: memref<2000x128xf32, #tpu.memory_space<vmem>>, %arg3: memref<2000x1xf32, #tpu.memory_space<vmem>>, %arg4: memref<1x128xf32, #tpu.memory_space<vmem>>, %arg5: memref<128x64xf32, #tpu.memory_space<vmem>>, %arg6: memref<2000x128xf32, #tpu.memory_space<vmem>>) attributes {dimension_semantics = [#tpu.dimension_semantics<arbitrary>], iteration_bounds = array<i64: 5>, scalar_prefetch = 0 : i64, scratch_operands = 0 : i64, tpu.core_type = #tpu.core_type<tc>, window_params = [{transform_indices = @transform_0, window_bounds = array<i64: 2000, 128>}, {transform_indices = @transform_1, window_bounds = array<i64: 2000, 128>}, {transform_indices = @transform_2, window_bounds = array<i64: 2000, 1>}, {pipeline_mode = #tpu.pipeline_mode<synchronous>, transform_indices = @transform_3, window_bounds = array<i64: 1, 128>}, {pipeline_mode = #tpu.pipeline_mode<synchronous>, transform_indices = @transform_4, window_bounds = array<i64: 128, 64>}, {transform_indices = @transform_5, window_bounds = array<i64: 2000, 128>}]} {
    %get3A = arith.constant 0 : index
    %get3A_0 = arith.constant 0 : index
    %get3A_1 = vector.load %arg3[%get3A, %get3A_0] : memref<2000x1xf32, #tpu.memory_space<vmem>>, vector<2000x1xf32>
    %mul3A = arith.mulf %get3A_1, %get3A_1 : vector<2000x1xf32>
    %get3A_2 = arith.constant 0 : index
    %get3A_3 = arith.constant 0 : index
    %get3A_4 = vector.load %arg1[%get3A_2, %get3A_3] : memref<2000x128xf32, #tpu.memory_space<vmem>>, vector<2000x128xf32>
    %mul3A_5 = vector.broadcast %get3A_1 : vector<2000x1xf32> to vector<2000x128xf32>
    %mul3A_6 = arith.mulf %mul3A_5, %get3A_4 : vector<2000x128xf32>
    %get3A_7 = arith.constant 0 : index
    %get3A_8 = arith.constant 0 : index
    %get3A_9 = vector.load %arg2[%get3A_7, %get3A_8] : memref<2000x128xf32, #tpu.memory_space<vmem>>, vector<2000x128xf32>
    %mul3A_10 = vector.broadcast %mul3A : vector<2000x1xf32> to vector<2000x128xf32>
    %mul3A_11 = arith.mulf %mul3A_10, %get3A_9 : vector<2000x128xf32>
    %add3A = arith.addf %mul3A_6, %mul3A_11 : vector<2000x128xf32>
    %get3A_12 = arith.constant 0 : index
    %get3A_13 = arith.constant 0 : index
    %get3A_14 = vector.load %arg4[%get3A_12, %get3A_13] : memref<1x128xf32, #tpu.memory_space<vmem>>, vector<1x128xf32>
    %add3A_15 = vector.broadcast %get3A_14 : vector<1x128xf32> to vector<2000x128xf32>
    %add3A_16 = arith.addf %add3A, %add3A_15 : vector<2000x128xf32>
    %max3A = arith.constant 0.000000e+00 : f32
    %max3A_17 = vector.broadcast %max3A : f32 to vector<2000x128xf32>
    %max3A_18 = arith.maximumf %add3A_16, %max3A_17 : vector<2000x128xf32>
    %get3A_19 = arith.constant 0 : index
    %get3A_20 = arith.constant 0 : index
    %get3A_21 = vector.load %arg5[%get3A_19, %get3A_20] : memref<128x64xf32, #tpu.memory_space<vmem>>, vector<128x64xf32>
    %dot_general3A = arith.constant dense<0.000000e+00> : vector<2000x64xf32>
    %dot_general3A_22 = tpu.matmul %max3A_18, %get3A_21, %dot_general3A {dimension_numbers = #tpu.dot_dimension_numbers<[1], [0], [0], [1], [0, 0, 1, 1], [], []>, transpose_lhs_hint = false} : vector<2000x128xf32>, vector<128x64xf32>, vector<2000x64xf32> -> vector<2000x64xf32>
    %mul3A_23 = vector.broadcast %get3A_1 : vector<2000x1xf32> to vector<2000x64xf32>
    %mul3A_24 = arith.mulf %dot_general3A_22, %mul3A_23 : vector<2000x64xf32>
    %concatenate3A = tpu.concatenate %mul3A_24, %dot_general3A_22 in 1 : vector<2000x64xf32>, vector<2000x64xf32> -> vector<2000x128xf32>
    %swap3A = arith.constant 0 : index
    %swap3A_25 = arith.constant 0 : index
    %swap3A_26 = vector.load %arg6[%swap3A, %swap3A_25] : memref<2000x128xf32, #tpu.memory_space<vmem>>, vector<2000x128xf32>
    tpu.vector_store %arg6[%swap3A, %swap3A_25], %concatenate3A {strides = array<i32>} : memref<2000x128xf32, #tpu.memory_space<vmem>>, vector<2000x128xf32>,
    return
  }
  func.func @transform_0(%arg0: i32) -> (i32, i32) {
    %c0_i32 = arith.constant 0 : i32
    %c0_i32_0 = arith.constant 0 : i32
    return %arg0, %c0_i32 : i32, i32
  }
  func.func @transform_1(%arg0: i32) -> (i32, i32) {
    %c0_i32 = arith.constant 0 : i32
    %c0_i32_0 = arith.constant 0 : i32
    return %arg0, %c0_i32 : i32, i32
  }
  func.func @transform_2(%arg0: i32) -> (i32, i32) {
    %c0_i32 = arith.constant 0 : i32
    %c0_i32_0 = arith.constant 0 : i32
    return %arg0, %c0_i32 : i32, i32
  }
  func.func @transform_3(%arg0: i32) -> (i32, i32) {
    %c0_i32 = arith.constant 0 : i32
    %c0_i32_0 = arith.constant 0 : i32
    %c0_i32_1 = arith.constant 0 : i32
    return %c0_i32, %c0_i32_0 : i32, i32
  }
  func.func @transform_4(%arg0: i32) -> (i32, i32) {
    %c0_i32 = arith.constant 0 : i32
    %c0_i32_0 = arith.constant 0 : i32
    %c0_i32_1 = arith.constant 0 : i32
    return %c0_i32, %c0_i32_0 : i32, i32
  }
  func.func @transform_5(%arg0: i32) -> (i32, i32) {
    %c0_i32 = arith.constant 0 : i32
    %c0_i32_0 = arith.constant 0 : i32
    return %arg0, %c0_i32 : i32, i32
  }
}

module attributes {stable_mosaic.version = 14 : i64} {
  func.func @_final_body(%arg0: i32, %arg1: memref<2000x128xf32, #tpu.memory_space<vmem>>, %arg2: memref<2000x128xf32, #tpu.memory_space<vmem>>, %arg3: memref<2000x1xf32, #tpu.memory_space<vmem>>, %arg4: memref<1x64xf32, #tpu.memory_space<vmem>>, %arg5: memref<2000x64xf32, #tpu.memory_space<vmem>>) attributes {dimension_semantics = [#tpu.dimension_semantics<arbitrary>], iteration_bounds = array<i64: 5>, scalar_prefetch = 0 : i64, scratch_operands = 0 : i64, tpu.core_type = #tpu.core_type<tc>, window_params = [{transform_indices = @transform_0, window_bounds = array<i64: 2000, 128>}, {transform_indices = @transform_1, window_bounds = array<i64: 2000, 128>}, {transform_indices = @transform_2, window_bounds = array<i64: 2000, 1>}, {pipeline_mode = #tpu.pipeline_mode<synchronous>, transform_indices = @transform_3, window_bounds = array<i64: 1, 64>}, {transform_indices = @transform_4, window_bounds = array<i64: 2000, 64>}]} {
    %get3A = arith.constant 0 : index
    %get3A_0 = arith.constant 0 : index
    %get3A_1 = vector.load %arg3[%get3A, %get3A_0] : memref<2000x1xf32, #tpu.memory_space<vmem>>, vector<2000x1xf32>
    %get3A_2 = arith.constant 0 : index
    %get3A_3 = arith.constant 0 : index
    %get3A_4 = vector.load %arg1[%get3A_2, %get3A_3] : memref<2000x128xf32, #tpu.memory_space<vmem>>, vector<2000x64xf32>
    %get3A_5 = arith.constant 0 : index
    %get3A_6 = arith.constant 64 : index
    %get3A_7 = vector.load %arg1[%get3A_5, %get3A_6] : memref<2000x128xf32, #tpu.memory_space<vmem>>, vector<2000x64xf32>
    %add3A = arith.addf %get3A_4, %get3A_7 : vector<2000x64xf32>
    %mul3A = vector.broadcast %get3A_1 : vector<2000x1xf32> to vector<2000x64xf32>
    %mul3A_8 = arith.mulf %mul3A, %add3A : vector<2000x64xf32>
    %mul3A_9 = arith.mulf %get3A_1, %get3A_1 : vector<2000x1xf32>
    %get3A_10 = arith.constant 0 : index
    %get3A_11 = arith.constant 64 : index
    %get3A_12 = vector.load %arg2[%get3A_10, %get3A_11] : memref<2000x128xf32, #tpu.memory_space<vmem>>, vector<2000x64xf32>
    %mul3A_13 = vector.broadcast %mul3A_9 : vector<2000x1xf32> to vector<2000x64xf32>
    %mul3A_14 = arith.mulf %mul3A_13, %get3A_12 : vector<2000x64xf32>
    %add3A_15 = arith.addf %mul3A_8, %mul3A_14 : vector<2000x64xf32>
    %get3A_16 = arith.constant 0 : index
    %get3A_17 = arith.constant 0 : index
    %get3A_18 = vector.load %arg4[%get3A_16, %get3A_17] : memref<1x64xf32, #tpu.memory_space<vmem>>, vector<1x64xf32>
    %add3A_19 = vector.broadcast %get3A_18 : vector<1x64xf32> to vector<2000x64xf32>
    %add3A_20 = arith.addf %add3A_15, %add3A_19 : vector<2000x64xf32>
    %reduce_max3A = arith.constant dense<0xFF800000> : vector<2000xf32>
    %reduce_max3A_21 = vector.multi_reduction <maximumf>, %add3A_20, %reduce_max3A [1] : vector<2000x64xf32> to vector<2000xf32>
    %broadcast_in_dim3A = vector.shape_cast %reduce_max3A_21 : vector<2000xf32> to vector<2000x1xf32>
    %sub3A = vector.broadcast %broadcast_in_dim3A : vector<2000x1xf32> to vector<2000x64xf32>
    %sub3A_22 = arith.subf %add3A_20, %sub3A : vector<2000x64xf32>
    %exp3A = math.exp %sub3A_22 : vector<2000x64xf32>
    %reduce_sum3A = arith.constant dense<0.000000e+00> : vector<2000xf32>
    %reduce_sum3A_23 = vector.multi_reduction <add>, %exp3A, %reduce_sum3A [1] : vector<2000x64xf32> to vector<2000xf32>
    %broadcast_in_dim3A_24 = vector.shape_cast %reduce_sum3A_23 : vector<2000xf32> to vector<2000x1xf32>
    %log3A = math.log %broadcast_in_dim3A_24 : vector<2000x1xf32>
    %sub3A_25 = vector.broadcast %log3A : vector<2000x1xf32> to vector<2000x64xf32>
    %sub3A_26 = arith.subf %sub3A_22, %sub3A_25 : vector<2000x64xf32>
    %swap3A = arith.constant 0 : index
    %swap3A_27 = arith.constant 0 : index
    %swap3A_28 = vector.load %arg5[%swap3A, %swap3A_27] : memref<2000x64xf32, #tpu.memory_space<vmem>>, vector<2000x64xf32>
    tpu.vector_store %arg5[%swap3A, %swap3A_27], %sub3A_26 {strides = array<i32>} : memref<2000x64xf32, #tpu.memory_space<vmem>>, vector<2000x64xf32>,
    return
  }
  func.func @transform_0(%arg0: i32) -> (i32, i32) {
    %c0_i32 = arith.constant 0 : i32
    %c0_i32_0 = arith.constant 0 : i32
    return %arg0, %c0_i32 : i32, i32
  }
  func.func @transform_1(%arg0: i32) -> (i32, i32) {
    %c0_i32 = arith.constant 0 : i32
    %c0_i32_0 = arith.constant 0 : i32
    return %arg0, %c0_i32 : i32, i32
  }
  func.func @transform_2(%arg0: i32) -> (i32, i32) {
    %c0_i32 = arith.constant 0 : i32
    %c0_i32_0 = arith.constant 0 : i32
    return %arg0, %c0_i32 : i32, i32
  }
  func.func @transform_3(%arg0: i32) -> (i32, i32) {
    %c0_i32 = arith.constant 0 : i32
    %c0_i32_0 = arith.constant 0 : i32
    %c0_i32_1 = arith.constant 0 : i32
    return %c0_i32, %c0_i32_0 : i32, i32
  }
  func.func @transform_4(%arg0: i32) -> (i32, i32) {
    %c0_i32 = arith.constant 0 : i32
    %c0_i32_0 = arith.constant 0 : i32
    return %arg0, %c0_i32 : i32, i32
  }
}

</mosaic_0001>

<sc_bundles>
// kernel: kernel.12.cloned.1.call-start
scs
__scs_entry_jumppad:
0x0: {  	(pc) =	sbr.rel $0x88, $3  }
0x1: {  	(tag) =	ssettag $0x0;
	lr =	simm.s32 $0x1  }
0x2: {  	[smem:$0x3F9B] =	sst lr;
	_ =	strace $0xD0000000  }
0x3: {  	_ = 	snop  }
0x4: {  	_ = 	snop  }
0x5: {  	_ = 	snop  }
0x6: {  	_ = 	snop  }
0x7: {  	_ = 	snop  }
__scs_overlays_trampoline_lowered:
0x8: {  	[smem:$0x3FAA] =	sst s0  }
0x9: {  	[smem:$0x3FAB] =	sst s1  }
0xa: {  	[smem:$0x3FAC] =	sst s2  }
0xb: {  	[smem:$0x3FAD] =	sst s3  }
0xc: {  	[smem:$0x3FAE] =	sst s4  }
0xd: {  	[smem:$0x3FAF] =	sst s5  }
0xe: {  	[smem:$0x3FB0] =	sst s6  }
0xf: {  	[smem:$0x3FB1] =	sst s7  }
0x10: {  	[smem:$0x3FB2] =	sst s8  }
0x11: {  	[smem:$0x3FB3] =	sst s9;
	s0 =	simm.s32 @!p0 $0x0  }
0x12: {  	s1 =	sld [smem:$0x3F99];
	s0 =	simm.s32 @p0 $0x1  }
0x13: {  	[smem:$0x3FB4] =	sst s0;
	s0 =	simm.s32 @!p1 $0x0  }
0x14: {  	s2 =	sld [smem:$0x3F98];
	s0 =	simm.s32 @p1 $0x1  }
0x15: {  	[smem:$0x3FB5] =	sst s0;
	s0 =	simm.s32 @!p2 $0x0  }
0x16: {  	s3 =	sld [smem:$0x3FDB];
	s0 =	simm.s32 @p2 $0x1  }
0x17: {  	s4 =	simm.s32 $0x1BF5;
	[smem:$0x3FB7] =	sst s0  }
0x18: {  	s0 =	sld [smem:$0x3F9A];
	_ =	swait.ge [sflag:s4], $0x0  }
0x19: {  	s7 =	sld [smem:$0x3F9B]  }
0x1a: {  	s8 =	sadd.s32 $0xFFFFE003, lr  }
0x1b: {  	s9 =	sadd.s32 $0xFFFFFEF7, lr;
	s5 =	simm.s32 $0xFFFFFFFF;
	p2 =	slt.u32 s8, $0xFFFFF086  }
0x1c: {  	p1 =	slt.u32 s9, $0xF7A;
	s5 =	simm.s32 @!p2 $0x0  }
0x1d: {  	s5 =	simm.s32 @p1 $0x1;
	p0 =	seq.s32 s7, s2  }
0x1e: {  	s7 =	smul.u32 @!p0 $0xF7A, s2;
	p2 =	seq.s32 @!p0 s5, $0x0  }
0x1f: {  	s9 =	smul.u32 $0xF7A, s1;
	s8 =	simm.s32 @!p0 $0x1BF5;
	p2 =	por !p2, p0  }
0x20: {  	[sflag:s8] =	ssyncset.s32 @!p0 $0xFFFFF086;
	s6 =	sadd.s32 @!p0 s3, s7;
	s7 =	simm.s32 @!p0 $0x108  }
0x21: {  	s3 =	sadd.s32 s3, s9;
	s6 =	sadd.s32 @!p0 $0x88, s6;
	s7 =	simm.s32 @p2 $0x1082  }
0x22: {  	[simem:s7], [sflag:s8] =	dma.local @!p0 [hbm:s6], $0xF7A  }
0x23: {  	s9 =	sor.u32 $0xD0000000, s2;
	s6 =	simm.s32 $0x108;
	_ =	swait.ge @!p0 [sflag:s8], $0x0  }
0x24: {  	s3 =	sadd.s32 $0x88, s3;
	s6 =	simm.s32 @!p1 $0x1082;
	[sflag:s4] =	ssyncset.s32 $0xFFFFF086  }
0x25: {  	[simem:s6], [sflag:s4] =	dma.local [hbm:s3], $0xF7A  }
0x26: {  	[smem:$0x3F9B] =	sst s1;
	(tag) =	ssettag s2;
	_ =	strace s9  }
0x27: {  	s1 =	sld [smem:$0x3FAB]  }
0x28: {  	s2 =	sld [smem:$0x3FAC]  }
0x29: {  	s4 =	sld [smem:$0x3FAE]  }
0x2a: {  	p0 =	seq.s32 s5, $0x0;
	s5 =	sld [smem:$0x3FAF]  }
0x2b: {  	s6 =	sld [smem:$0x3FB0]  }
0x2c: {  	s7 =	sld [smem:$0x3FB1]  }
0x2d: {  	s3 =	simm.s32 $0x108;
	s8 =	sld [smem:$0x3FB2]  }
0x2e: {  	s3 =	simm.s32 @!p0 $0x1082;
	s9 =	sld [smem:$0x3FB3]  }
0x2f: {  	lr =	sadd.s32 s0, s3;
	s0 =	sld [smem:$0x3FAA]  }
0x30: {  	s3 =	sld [smem:$0x3FAD]  }
0x31: {  	[smem:$0x3FB6] =	sst s10  }
0x32: {  	s10 =	sld [smem:$0x3FB4];
	_ =	sdelay $0x3  }
0x33: {  	p0 =	seq.s32 s10, $0x1;
	s10 =	sld [smem:$0x3FB6];
	_ =	sdelay $0x3  }
0x34: {  	[smem:$0x3FB6] =	sst s10  }
0x35: {  	s10 =	sld [smem:$0x3FB5];
	_ =	sdelay $0x3  }
0x36: {  	p1 =	seq.s32 s10, $0x1;
	s10 =	sld [smem:$0x3FB6];
	_ =	sdelay $0x3  }
0x37: {  	[smem:$0x3FB6] =	sst s10  }
0x38: {  	s10 =	sld [smem:$0x3FB7]  }
0x39: {  	_ = 	snop;
	(pc) =	sbr.ind lr, $3  }
0x3a: {  	_ = 	snop  }
0x3b: {  	_ = 	snop  }
0x3c: {  	p2 =	seq.s32 s10, $0x1;
	s10 =	sld [smem:$0x3FB6]  }
0x3d: {  	_ =	shalt  }
0x3e: {  	_ =	shalt  }
0x3f: {  	_ =	shalt  }
0x40: {  	_ =	shalt  }
0x41: {  	_ =	shalt  }
0x42: {  	_ =	shalt  }
0x43: {  	_ =	shalt  }
0x44: {  	_ =	shalt  }
0x45: {  	_ =	shalt  }
0x46: {  	_ =	shalt  }
0x47: {  	_ =	shalt  }
0x48: {  	_ =	shalt  }
0x49: {  	_ =	shalt  }
0x4a: {  	_ =	shalt  }
0x4b: {  	_ =	shalt  }
0x4c: {  	_ =	shalt  }
0x4d: {  	_ =	shalt  }
0x4e: {  	_ =	shalt  }
0x4f: {  	_ =	shalt  }
0x50: {  	_ =	shalt  }
0x51: {  	_ =	shalt  }
0x52: {  	_ =	shalt  }
0x53: {  	_ =	shalt  }
0x54: {  	_ =	shalt  }
0x55: {  	_ =	shalt  }
0x56: {  	_ =	shalt  }
0x57: {  	_ =	shalt  }
0x58: {  	_ =	shalt  }
0x59: {  	_ =	shalt  }
0x5a: {  	_ =	shalt  }
0x5b: {  	_ =	shalt  }
0x5c: {  	_ =	shalt  }
0x5d: {  	_ =	shalt  }
0x5e: {  	_ =	shalt  }
0x5f: {  	_ =	shalt  }
0x60: {  	_ =	shalt  }
0x61: {  	_ =	shalt  }
0x62: {  	_ =	shalt  }
0x63: {  	_ =	shalt  }
0x64: {  	_ =	shalt  }
0x65: {  	_ =	shalt  }
0x66: {  	_ =	shalt  }
0x67: {  	_ =	shalt  }
0x68: {  	_ =	shalt  }
0x69: {  	_ =	shalt  }
0x6a: {  	_ =	shalt  }
0x6b: {  	_ =	shalt  }
0x6c: {  	_ =	shalt  }
0x6d: {  	_ =	shalt  }
0x6e: {  	_ =	shalt  }
0x6f: {  	_ =	shalt  }
0x70: {  	_ =	shalt  }
0x71: {  	_ =	shalt  }
0x72: {  	_ =	shalt  }
0x73: {  	_ =	shalt  }
0x74: {  	_ =	shalt  }
0x75: {  	_ =	shalt  }
0x76: {  	_ =	shalt  }
0x77: {  	_ =	shalt  }
0x78: {  	_ =	shalt  }
0x79: {  	_ =	shalt  }
0x7a: {  	_ =	shalt  }
0x7b: {  	_ =	shalt  }
0x7c: {  	_ =	shalt  }
0x7d: {  	_ =	shalt  }
0x7e: {  	_ =	shalt  }
0x7f: {  	_ =	shalt  }
0x80: {  	_ =	shalt  }
0x81: {  	_ =	shalt  }
0x82: {  	_ =	shalt  }
0x83: {  	_ =	shalt  }
0x84: {  	_ =	shalt  }
0x85: {  	_ =	shalt  }
0x86: {  	_ =	shalt  }
0x87: {  	_ =	shalt  }
.Lfunc_end0:
.L_simem_size_0:
called_computation.1_lowered:
.L_overlay_start_0:
0x88: {  	s2 =	sld [smem:$0x3FD9]  }
0x89: {  	s3 =	sld [smem:$0x3FFE];
	_ =	sdelay $0x1  }
0x8a: {  	s1 =	srdreg.scid  }
0x8b: {  	s0 =	sand.u32 $0x1, s1  }
0x8c: {  	s17 =	sshll.u32 s0, $0xA;
	s2 =	sadd.s32 s3, s2  }
0x8d: {  	s2 =	sadd.s32 s2, s17  }
0x8e: {  	[smem:$0x3FC2] =	sst s2  }
0x8f: {  	_ = 	snop  }
0x90: {  	s2 =	sld [smem:$0x3FD0];
	(tm) =	ssettm $0x1  }
0x91: {  	s18 =	sld [smem:$0x3FFB];
	_ =	sdelay $0x3  }
0x92: {  	_ =	strace s18  }
0x93: {  	s3 =	sld [smem:$0x3FFC];
	_ =	sdelay $0x3  }
0x94: {  	_ =	strace s3  }
0x95: {  	s3 =	sld [smem:$0x3FFD];
	_ =	sdelay $0x3  }
0x96: {  	_ =	strace s3  }
0x97: {  	_ =	strace $0x8FFFFFFF  }
0x98: {  	s19 =	sld [smem:$0x3FDB];
	_ =	sdelay $0x1  }
0x99: {  	s4 =	simm.s32 $_scs_section_size  }
0x9a: {  	s5 =	simm.s32 $_size__tile_overlayer_lowered;
	s6 =	simm.s32 $_tile_overlayer_lowered  }
0x9b: {  	s22 =	simm.s32 $0x1BFF;
	s21 =	sshll.u32 s6, $0x1;
	s3 =	sadd.s32 s4, s19  }
0x9c: {  	s7 =	simm.s32 $0x0;
	s20 =	sshll.u32 s5, $0x1;
	s5 =	sadd.s32 s21, s3  }
0x9d: {  	[timem:s7], [sflag:s22] =	dma.local [hbm:s5], s20  }
0x9e: {  	_ =	swait.ge [sflag:s22], s20  }
0x9f: {  	s4 =	ssub.s32 $0x0, s20;
	[sflag:s22] =	ssyncset.done $0x0  }
0xa0: {  	[sflag:s22] =	ssyncadd.s32 s4;
	_ =	sdelay $0x1  }
0xa1: {  	s23 =	simm.s32 $0x1B8B  }
0xa2: {  	_ =	swait.ge [sflag:s23], $0x1  }
0xa3: {  	[sflag:s23] =	ssyncset.done $0x0  }
0xa4: {  	s25 =	simm.s32 $0x1B8E;
	s24 =	sld [smem:$0x3FFE];
	[sflag:s23] =	ssyncadd.s32 $0xFFFFFFFF  }
0xa5: {  	s26 =	simm.s32 $execute0_lowered;
	[smem:$0x3FD2] =	sst s25  }
0xa6: {  	s5 =	sshll.u32 s26, $0x1;
	_ =	strace $0x80000049;
	[dreg:$0x1] =	wrdreg $0xFFFFFFFF  }
0xa7: {  	s28 =	simm.s32 $_size_execute0_lowered;
	s3 =	sadd.s32 s3, s5;
	[dreg:$0x0] =	wrdreg $0x0  }
0xa8: {  	s5 =	sshll.u32 s28, $0x1;
	[dreg:$0x2] =	wrdreg s3  }
0xa9: {  	[dreg:$0x3] =	wrdreg s5  }
0xaa: {  	[dreg:$0x4] =	wrdreg $0xC0  }
0xab: {  	_ =	task [dreg:s7], $0x5FFFF  }
0xac: {  	[dreg:$0x1] =	wrdreg $0xFFFFFFFF  }
0xad: {  	[dreg:$0x0] =	wrdreg $0x60  }
0xae: {  	[dreg:$0x2] =	wrdreg s24  }
0xaf: {  	[dreg:$0x3] =	wrdreg s2  }
0xb0: {  	[dreg:$0x4] =	wrdreg $0xA7000  }
0xb1: {  	[dreg:$0x5] =	wrdreg $0x143400  }
0xb2: {  	[dreg:$0x6] =	wrdreg $0x9  }
0xb3: {  	_ =	task.clear_ibuf [dreg:s7], $0x7FFFF;
	_ =	strace $0x90000049  }
0xb4: {  	s29 =	simm.s32 $0x9;
	_ =	strace $0x8000004B  }
0xb5: {  	_ =	swait.ge [sflag:s29], $0x1  }
0xb6: {  	[sflag:s29] =	ssyncadd.s32 $0xFFFFFFFF  }
0xb7: {  	_ =	strace $0x9000004B  }
0xb8: {  	_ =	sfence  }
0xb9: {  	s30 =	sld [smem:$0x0];
	_ =	sdelay $0x2  }
0xba: {  	s31 =	sshll.u32 s1, $0xD;
	s1 =	sshrl.u32 s1, $0x2  }
0xbb: {  	s3 =	sand.u32 $0x4000, s31;
	s1 =	sadd.s32 s1, s30  }
0xbc: {  	s0 =	sor.u32 s3, s0;
	s1 =	sshll.u32 s1, $0x11  }
0xbd: {  	s0 =	sor.u32 s1, s0  }
0xbe: {  	s0 =	sadd.s32 $0x8F2B, s0  }
0xbf: {  	[sflag:s0] =	ssyncadd.remote.s32 $0x1  }
0xc0: {  	_ =	sfence.sel $0xFFFF  }
0xc1: {  	[dreg:$0x0] =	wrdreg $0xFFFFFFFF;
	(pc) =	sbr.abs _section_cstart, $3  }
0xc2: {  	[dreg:$0x1] =	wrdreg $0xFFFFFFFF  }
0xc3: {  	_ =	task.clear_ibuf [dreg:s7], $0x2FFFF;
	_ =	strace $0x9FFFFFFF  }
0xc4: {  	(tm) =	ssettm $0x7FFFFFFF  }
0xc5: {  	_ =	shalt  }
tec
execute0_lowered:
.L_overlay_start_1:
0x0: {  	(tag) =	ssettag $0x1  }
0x1: {  	s0 =	rddreg [dreg:$0x0]  }
0x2: {  	s10 =	rddreg [dreg:$0x1];
	s1 =	srdreg.scid  }
0x3: {  	s9 =	stileid.u32;
	s3 =	rddreg [dreg:$0x2]  }
0x4: {  	s4 =	rddreg [dreg:$0x3];
	s26 =	simm.s32 $0x0;
	s2 =	smul.u32 $0x13880, s9  }
0x5: {  	s31 =	simm.s32 $0x1380;
	s29 =	simm.s32 $0x80;
	s6 =	smul.u32 $0x14000, s9  }
0x6: {  	s30 =	simm.s32 $0x4700;
	s1 =	sand.u32 $0x1, s1;
	s12 =	smul.u32 $0x9C, s9  }
0x7: {  	[smem:$0x7FF] =	sst s26;
	s8 =	smul.u32 $0x27100, s9;
	s13 =	smin.u32 s9, $0x4  }
0x8: {  	s15 =	smul.u32 $0x28000, s9;
	s16 =	sshll.u32 s9, $0x6;
	s11 =	sadd.s32 $0x9C40, s10  }
0x9: {  	p0 =	sgt.u32 s9, $0x3;
	s9 =	simm.s32 $0x2;
	s5 =	sshll.u32 s1, $0x6  }
0xa: {  	_ =	strace $0x8000004A;
	s1 =	ssub.s32 $0x2, s1;
	[dreg:$0x7] =	wrdreg s16  }
0xb: {  	s2 =	sor.u32 s5, s2;
	s5 =	sor.u32 s5, s6;
	s7 =	sshrl.u32 s1, $0x1  }
0xc: {  	s6 =	sadd.s32 s13, s12;
	s14 =	sshrl.u32 s8, $0x2;
	s17 =	sshrl.u32 s15, $0x2  }
0xd: {  	s12 =	simm.s32 $0x3;
	s13 =	simm.s32 $0x4;
	s15 =	simm.s32 $0x1200  }
0xe: {  	s8 =	simm.s32 $0x2400;
	s2 =	sshrl.u32 s2, $0x3;
	s5 =	sshrl.u32 s5, $0x3  }
0xf: {  	s1 =	ssub.s32 s1, s7;
	s18 =	sshll.u32 s6, $0x4;
	s28 =	sadd.s32 s17, s4  }
0x10: {  	s17 =	simm.s32 $0x1300;
	s2 =	sadd.s32 s2, s0;
	s0 =	sadd.s32 s5, s0  }
0x11: {  	s5 =	sadd.s32 s14, s3;
	s20 =	smax.u32 s1, $0x1;
	[dreg:$0x9] =	wrdreg s28  }
0x12: {  	s19 =	sadd.s32 s10, s18;
	s21 =	sadd.s32 $0x2000, s28;
	[dreg:$0xd] =	wrdreg s20  }
0x13: {  	s22 =	sadd.s32 $0x4000, s28;
	s23 =	sadd.s32 $0x6000, s28;
	[dreg:$0xe] =	wrdreg s21  }
0x14: {  	s24 =	sadd.s32 $0x8000, s28;
	s18 =	simm.s32 $0x2580;
	[dreg:$0xf] =	wrdreg s22  }
0x15: {  	s2 =	sadd.s32 $0x2800, s2;
	s7 =	sadd.s32 $0x9C0, s19;
	[dreg:$0x10] =	wrdreg s23  }
0x16: {  	s0 =	sadd.s32 $0x29A00, s0;
	[dreg:$0x11] =	wrdreg s24;
	s25 =	sshrl.u32 s5, $0x3  }
0x17: {  	s21 =	simm.s32 $0x1;
	s24 =	simm.s32 $0x2700;
	[dreg:$0x6] =	wrdreg s2  }
0x18: {  	s22 =	simm.s32 $0x2480;
	s23 =	simm.s32 $0x2500;
	[dreg:$0xa] =	wrdreg s7  }
0x19: {  	s20 =	simm.s32 $0x2680;
	s2 =	sor.u32 $0x1C05, s16;
	[dreg:$0xc] =	wrdreg s0  }
0x1a: {  	[dreg:$0x12] =	wrdreg s25;
	s25 =	simm.s32 $0x6;
	s7 =	simm.s32 $0x8700  }
0x1b: {  	s16 =	simm.s32 $0x1280;
	[dreg:$0x8] =	wrdreg s2;
	s2 =	sadd.s32 $0xA600, s19  }
0x1c: {  	v0 =	vimm.f32 $0.0e+00;
	s19 =	simm.s32 $0x2600;
	[dreg:$0xb] =	wrdreg s2;
	s2 =	simm.s32 $0x6700  }
.LBB2_1:
0x1d: {  	s1 =	rddreg [dreg:$0x6]  }
0x1e: {  	s5 =	rddreg [dreg:$0x8]  }
0x1f: {  	s10 =	rddreg [dreg:$0x12];
	s0 =	simm.s32 $0x8;
	s14 =	simm.s32 $0x10  }
0x20: {  	[spmem:s10@s0], [sflag:s5] =	dma.strided [hbm:s1@s14], $0x1388, s21, $0x8   }
0x21: {  	s5 =	simm.s32 $0x100;
	s1 =	simm.s32 $0x0  }
.LBB2_2:
0x22: {  	p1 =	seq.s32 s5, $0x7F00;
	[tilespmem:s1+$0x2730] =	vst v0;
	s10 =	smov.u32 s5;
	s5 =	sadd.s32 $0x100, s5  }
.Ltmp0:
0x23: {  	[tilespmem:s1+$0x2720] =	vst v0;
	(pc) =	sbr.rel @!p1 .LBB2_2-.Ltmp0, $3  }
0x24: {  	[tilespmem:s1+$0x2700] =	vst v0  }
0x25: {  	[tilespmem:s1+$0x2710] =	vst v0;
	_ =	sdelay $0x1  }
0x26: {  	s1 =	sshra.s32 s10, $0x2  }
0x27: {  	[tilespmem:s1+$0x2730] =	vst v0  }
0x28: {  	[tilespmem:s1+$0x2720] =	vst v0  }
0x29: {  	[tilespmem:s1+$0x2700] =	vst v0  }
0x2a: {  	[dreg:$0x5] =	wrdreg s26;
	[tilespmem:s1+$0x2710] =	vst v0  }
0x2b: {  	[spmem:s28] =	stream.linear.scatter [tilespmem:s24], [sflag:$0x6], $0x2000, $0x38;
	[tilespmem:$0x1E340] =	vst v63  }
0x2c: {  	_ =	swait.ge [sflag:s25], $0x2000  }
0x2d: {  	[sflag:s25] =	ssyncset.done $0x0  }
0x2e: {  	s28 =	rddreg [dreg:$0xe];
	[sflag:s25] =	ssyncadd.s32 $0xFFFFE000  }
0x2f: {  	[spmem:s28] =	stream.linear.scatter [tilespmem:s24], [sflag:$0x6], $0x2000, $0x38;
	[tilespmem:$0x1E340] =	vst v63  }
0x30: {  	_ =	swait.ge [sflag:s25], $0x2000  }
0x31: {  	[sflag:s25] =	ssyncset.done $0x0  }
0x32: {  	s5 =	rddreg [dreg:$0xf];
	[sflag:s25] =	ssyncadd.s32 $0xFFFFE000  }
0x33: {  	[spmem:s5] =	stream.linear.scatter [tilespmem:s24], [sflag:$0x6], $0x2000, $0x38;
	[tilespmem:$0x1E340] =	vst v63  }
0x34: {  	_ =	swait.ge [sflag:s25], $0x2000  }
0x35: {  	[sflag:s25] =	ssyncset.done $0x0  }
0x36: {  	s10 =	rddreg [dreg:$0x10];
	[sflag:s25] =	ssyncadd.s32 $0xFFFFE000  }
0x37: {  	[spmem:s10] =	stream.linear.scatter [tilespmem:s24], [sflag:$0x6], $0x2000, $0x38;
	[tilespmem:$0x1E340] =	vst v63  }
0x38: {  	_ =	swait.ge [sflag:s25], $0x2000  }
0x39: {  	[sflag:s25] =	ssyncset.done $0x0  }
0x3a: {  	s26 =	rddreg [dreg:$0x11];
	[sflag:s25] =	ssyncadd.s32 $0xFFFFE000  }
0x3b: {  	[spmem:s26] =	stream.linear.scatter [tilespmem:s24], [sflag:$0x6], $0x2000, $0x38;
	[tilespmem:$0x1E340] =	vst v63  }
0x3c: {  	_ =	swait.ge [sflag:s25], $0x2000  }
0x3d: {  	[sflag:s25] =	ssyncset.done $0x0  }
0x3e: {  	s28 =	simm.s32 $0x5;
	[sflag:s25] =	ssyncadd.s32 $0xFFFFE000  }
0x3f: {  	_ =	swait.ge [sflag:s28], $0x1388  }
0x40: {  	[sflag:s28] =	ssyncset.done $0x0  }
0x41: {  	s0 =	simm.s32 $0x180;
	s14 =	simm.s32 $0x2380;
	[sflag:s28] =	ssyncadd.s32 $0xFFFFEC78  }
0x42: {  	s10 =	simm.s32 $0x0;
	s26 =	simm.s32 $0x0;
	[bflag:$0x0] =	sbarrier.arrive $0xFFFF  }
.LBB2_4:
0x43: {  	s1 =	smul.u32 $0x27, s10;
	_ =	sdelay $0x1  }
0x44: {  	s1 =	sadd.s32 s6, s1  }
0x45: {  	s5 =	rddreg [dreg:$0x1];
	s1 =	sshll.u32 s1, $0x4  }
0x46: {  	s5 =	sadd.s32 s5, s1  }
0x47: {  	[tilespmem:s26], [sflag:$0x6] =	stream.linear.gather [hbm4b:s5+s26], $0x1380, $0x38;
	[tilespmem:$0x1E340] =	vst v63  }
0x48: {  	_ =	swait.ge [sflag:s25], $0x1380  }
0x49: {  	[sflag:s25] =	ssyncset.done $0x0  }
0x4a: {  	s1 =	sadd.s32 s1, s11;
	[sflag:s25] =	ssyncadd.s32 $0xFFFFEC80  }
0x4b: {  	[tilespmem:s31], [sflag:$0x6] =	stream.linear.gather [hbm4b:s1+s26], $0x1380, $0x38;
	[tilespmem:$0x1E340] =	vst v63  }
0x4c: {  	_ =	swait.ge [sflag:s25], $0x1380  }
0x4d: {  	[sflag:s25] =	ssyncset.done $0x0  }
0x4e: {  	[sflag:s25] =	ssyncadd.s32 $0xFFFFEC80  }
0x4f: {  	[tilespmem:s24], [sflag:$0x1] =	stream.indirect.gather [spmem:s3], $0x40, s26, s29, $0xb8;
	[tilespmem:$0x1E340] =	vst v63  }
0x50: {  	_ = 	snop  }
0x51: {  	[tilespmem:s30], [sflag:$0x2] =	stream.indirect.gather [spmem:s3], $0x40, s29, s29, $0xb8;
	[tilespmem:$0x1E340] =	vst v63  }
0x52: {  	s5 =	simm.s32 $0x100  }
0x53: {  	[tilespmem:s2], [sflag:$0x3] =	stream.indirect.gather [spmem:s3], $0x40, s5, s29, $0xb8;
	[tilespmem:$0x1E340] =	vst v63  }
0x54: {  	_ = 	snop  }
0x55: {  	[tilespmem:s7], [sflag:$0x4] =	stream.indirect.gather [spmem:s3], $0x40, s0, s29, $0xb8;
	[tilespmem:$0x1E340] =	vst v63  }
0x56: {  	_ =	swait.ge [sflag:s21], $0x2000  }
0x57: {  	[sflag:s21] =	ssyncset.done $0x0  }
0x58: {  	s28 =	simm.s32 $0x1380;
	[sflag:s21] =	ssyncadd.s32 $0xFFFFE000  }
0x59: {  	[spmem:s4] =	stream.indirect.scatter.add.f32 [tilespmem:s24], [sflag:$0x6], $0x40, s28, s29, $0xb8;
	[tilespmem:$0x1E340] =	vst v63  }
0x5a: {  	_ =	swait.ge [sflag:s25], $0x2000  }
0x5b: {  	[sflag:s25] =	ssyncset.done $0x0  }
0x5c: {  	s5 =	simm.s32 $0x200;
	[sflag:s25] =	ssyncadd.s32 $0xFFFFE000  }
0x5d: {  	[tilespmem:s24], [sflag:$0x1] =	stream.indirect.gather [spmem:s3], $0x40, s5, s29, $0xb8;
	[tilespmem:$0x1E340] =	vst v63  }
0x5e: {  	_ =	swait.ge [sflag:s9], $0x2000  }
0x5f: {  	[sflag:s9] =	ssyncset.done $0x0  }
0x60: {  	s28 =	simm.s32 $0x1400;
	[sflag:s9] =	ssyncadd.s32 $0xFFFFE000  }
0x61: {  	[spmem:s4] =	stream.indirect.scatter.add.f32 [tilespmem:s30], [sflag:$0x6], $0x40, s28, s29, $0xb8;
	[tilespmem:$0x1E340] =	vst v63  }
0x62: {  	_ =	swait.ge [sflag:s25], $0x2000  }
0x63: {  	[sflag:s25] =	ssyncset.done $0x0  }
0x64: {  	s5 =	simm.s32 $0x280;
	[sflag:s25] =	ssyncadd.s32 $0xFFFFE000  }
0x65: {  	[tilespmem:s30], [sflag:$0x2] =	stream.indirect.gather [spmem:s3], $0x40, s5, s29, $0xb8;
	[tilespmem:$0x1E340] =	vst v63  }
0x66: {  	_ =	swait.ge [sflag:s12], $0x2000  }
0x67: {  	[sflag:s12] =	ssyncset.done $0x0  }
0x68: {  	s28 =	simm.s32 $0x1480;
	[sflag:s12] =	ssyncadd.s32 $0xFFFFE000  }
0x69: {  	[spmem:s4] =	stream.indirect.scatter.add.f32 [tilespmem:s2], [sflag:$0x6], $0x40, s28, s29, $0xb8;
	[tilespmem:$0x1E340] =	vst v63  }
0x6a: {  	_ =	swait.ge [sflag:s25], $0x2000  }
0x6b: {  	[sflag:s25] =	ssyncset.done $0x0  }
0x6c: {  	s5 =	simm.s32 $0x300;
	[sflag:s25] =	ssyncadd.s32 $0xFFFFE000  }
0x6d: {  	[tilespmem:s2], [sflag:$0x3] =	stream.indirect.gather [spmem:s3], $0x40, s5, s29, $0xb8;
	[tilespmem:$0x1E340] =	vst v63  }
0x6e: {  	_ =	swait.ge [sflag:s13], $0x2000  }
0x6f: {  	[sflag:s13] =	ssyncset.done $0x0  }
0x70: {  	s28 =	simm.s32 $0x1500;
	[sflag:s13] =	ssyncadd.s32 $0xFFFFE000  }
0x71: {  	[spmem:s4] =	stream.indirect.scatter.add.f32 [tilespmem:s7], [sflag:$0x6], $0x40, s28, s29, $0xb8;
	[tilespmem:$0x1E340] =	vst v63  }
0x72: {  	_ =	swait.ge [sflag:s25], $0x2000  }
0x73: {  	[sflag:s25] =	ssyncset.done $0x0  }
0x74: {  	s1 =	simm.s32 $0x380;
	s5 =	simm.s32 $0x800;
	[sflag:s25] =	ssyncadd.s32 $0xFFFFE000  }
.LBB2_5:
0x75: {  	[tilespmem:s7], [sflag:$0x4] =	stream.indirect.gather [spmem:s3], $0x40, s1, s29, $0xb8;
	[tilespmem:$0x1E340] =	vst v63  }
0x76: {  	s1 =	smov.u32 s5  }
0x77: {  	p1 =	sne.s32 s5, $0x3800;
	s5 =	sadd.s32 $0x800, s5;
	_ =	swait.ge [sflag:s21], $0x2000  }
0x78: {  	s1 =	sshra.s32 s1, $0x2;
	[sflag:s21] =	ssyncset.done $0x0  }
0x79: {  	s28 =	sadd.s32 $0x1380, s1;
	[sflag:s21] =	ssyncadd.s32 $0xFFFFE000  }
0x7a: {  	[spmem:s4] =	stream.indirect.scatter.add.f32 [tilespmem:s24], [sflag:$0x6], $0x40, s28, s29, $0xb8;
	[tilespmem:$0x1E340] =	vst v63  }
0x7b: {  	_ =	swait.ge [sflag:s25], $0x2000  }
0x7c: {  	[sflag:s25] =	ssyncset.done $0x0  }
0x7d: {  	s28 =	sadd.s32 $0x200, s1;
	[sflag:s25] =	ssyncadd.s32 $0xFFFFE000  }
0x7e: {  	[tilespmem:s24], [sflag:$0x1] =	stream.indirect.gather [spmem:s3], $0x40, s28, s29, $0xb8;
	[tilespmem:$0x1E340] =	vst v63  }
0x7f: {  	_ =	swait.ge [sflag:s9], $0x2000  }
0x80: {  	[sflag:s9] =	ssyncset.done $0x0  }
0x81: {  	s28 =	sadd.s32 $0x1400, s1;
	[sflag:s9] =	ssyncadd.s32 $0xFFFFE000  }
0x82: {  	[spmem:s4] =	stream.indirect.scatter.add.f32 [tilespmem:s30], [sflag:$0x6], $0x40, s28, s29, $0xb8;
	[tilespmem:$0x1E340] =	vst v63  }
0x83: {  	_ =	swait.ge [sflag:s25], $0x2000  }
0x84: {  	[sflag:s25] =	ssyncset.done $0x0  }
0x85: {  	s28 =	sadd.s32 $0x280, s1;
	[sflag:s25] =	ssyncadd.s32 $0xFFFFE000  }
0x86: {  	[tilespmem:s30], [sflag:$0x2] =	stream.indirect.gather [spmem:s3], $0x40, s28, s29, $0xb8;
	[tilespmem:$0x1E340] =	vst v63  }
0x87: {  	_ =	swait.ge [sflag:s12], $0x2000  }
0x88: {  	[sflag:s12] =	ssyncset.done $0x0  }
0x89: {  	s28 =	sadd.s32 $0x1480, s1;
	[sflag:s12] =	ssyncadd.s32 $0xFFFFE000  }
0x8a: {  	[spmem:s4] =	stream.indirect.scatter.add.f32 [tilespmem:s2], [sflag:$0x6], $0x40, s28, s29, $0xb8;
	[tilespmem:$0x1E340] =	vst v63  }
0x8b: {  	_ =	swait.ge [sflag:s25], $0x2000  }
0x8c: {  	[sflag:s25] =	ssyncset.done $0x0  }
0x8d: {  	s28 =	sadd.s32 $0x300, s1;
	[sflag:s25] =	ssyncadd.s32 $0xFFFFE000  }
0x8e: {  	[tilespmem:s2], [sflag:$0x3] =	stream.indirect.gather [spmem:s3], $0x40, s28, s29, $0xb8;
	[tilespmem:$0x1E340] =	vst v63  }
0x8f: {  	_ =	swait.ge [sflag:s13], $0x2000  }
0x90: {  	[sflag:s13] =	ssyncset.done $0x0  }
.Ltmp1:
0x91: {  	s28 =	sadd.s32 $0x1500, s1;
	[sflag:s13] =	ssyncadd.s32 $0xFFFFE000;
	(pc) =	sbr.rel @p1 .LBB2_5-.Ltmp1, $4  }
0x92: {  	[spmem:s4] =	stream.indirect.scatter.add.f32 [tilespmem:s7], [sflag:$0x6], $0x40, s28, s29, $0xb8;
	[tilespmem:$0x1E340] =	vst v63  }
0x93: {  	_ =	swait.ge [sflag:s25], $0x2000  }
0x94: {  	[sflag:s25] =	ssyncset.done $0x0  }
0x95: {  	s1 =	sadd.s32 $0x380, s1;
	[sflag:s25] =	ssyncadd.s32 $0xFFFFE000  }
0x96: {  	[tilespmem:s7], [sflag:$0x4] =	stream.indirect.gather [spmem:s3], $0x40, s1, s29, $0xb8;
	[tilespmem:$0x1E340] =	vst v63  }
0x97: {  	_ =	swait.ge [sflag:s21], $0x2000  }
0x98: {  	[sflag:s21] =	ssyncset.done $0x0  }
0x99: {  	[sflag:s21] =	ssyncadd.s32 $0xFFFFE000  }
0x9a: {  	[spmem:s4] =	stream.indirect.scatter.add.f32 [tilespmem:s24], [sflag:$0x6], $0x40, s14, s29, $0xb8;
	[tilespmem:$0x1E340] =	vst v63  }
0x9b: {  	_ =	swait.ge [sflag:s25], $0x2000  }
0x9c: {  	[sflag:s25] =	ssyncset.done $0x0  }
0x9d: {  	[sflag:s25] =	ssyncadd.s32 $0xFFFFE000  }
0x9e: {  	[tilespmem:s24], [sflag:$0x1] =	stream.indirect.gather [spmem:s3], $0x40, s15, s29, $0xb8;
	[tilespmem:$0x1E340] =	vst v63  }
0x9f: {  	_ =	swait.ge [sflag:s9], $0x2000  }
0xa0: {  	[sflag:s9] =	ssyncset.done $0x0  }
0xa1: {  	[sflag:s9] =	ssyncadd.s32 $0xFFFFE000  }
0xa2: {  	[spmem:s4] =	stream.indirect.scatter.add.f32 [tilespmem:s30], [sflag:$0x6], $0x40, s8, s29, $0xb8;
	[tilespmem:$0x1E340] =	vst v63  }
0xa3: {  	_ =	swait.ge [sflag:s25], $0x2000  }
0xa4: {  	[sflag:s25] =	ssyncset.done $0x0  }
0xa5: {  	[sflag:s25] =	ssyncadd.s32 $0xFFFFE000  }
0xa6: {  	[tilespmem:s30], [sflag:$0x2] =	stream.indirect.gather [spmem:s3], $0x40, s16, s29, $0xb8;
	[tilespmem:$0x1E340] =	vst v63  }
0xa7: {  	_ =	swait.ge [sflag:s12], $0x2000  }
0xa8: {  	[sflag:s12] =	ssyncset.done $0x0  }
0xa9: {  	[sflag:s12] =	ssyncadd.s32 $0xFFFFE000  }
0xaa: {  	[spmem:s4] =	stream.indirect.scatter.add.f32 [tilespmem:s2], [sflag:$0x6], $0x40, s22, s29, $0xb8;
	[tilespmem:$0x1E340] =	vst v63  }
0xab: {  	_ =	swait.ge [sflag:s25], $0x2000  }
0xac: {  	[sflag:s25] =	ssyncset.done $0x0  }
0xad: {  	[sflag:s25] =	ssyncadd.s32 $0xFFFFE000  }
0xae: {  	[tilespmem:s2], [sflag:$0x3] =	stream.indirect.gather [spmem:s3], $0x40, s17, s29, $0xb8;
	[tilespmem:$0x1E340] =	vst v63  }
0xaf: {  	_ =	swait.ge [sflag:s13], $0x2000  }
0xb0: {  	[sflag:s13] =	ssyncset.done $0x0  }
0xb1: {  	[sflag:s13] =	ssyncadd.s32 $0xFFFFE000  }
0xb2: {  	[spmem:s4] =	stream.indirect.scatter.add.f32 [tilespmem:s7], [sflag:$0x6], $0x40, s23, s29, $0xb8;
	[tilespmem:$0x1E340] =	vst v63  }
0xb3: {  	_ =	swait.ge [sflag:s25], $0x2000  }
0xb4: {  	[sflag:s25] =	ssyncset.done $0x0  }
0xb5: {  	[sflag:s25] =	ssyncadd.s32 $0xFFFFE000  }
0xb6: {  	_ =	swait.ge [sflag:s21], $0x2000  }
0xb7: {  	[sflag:s21] =	ssyncset.done $0x0  }
0xb8: {  	[sflag:s21] =	ssyncadd.s32 $0xFFFFE000  }
0xb9: {  	[spmem:s4] =	stream.indirect.scatter.add.f32 [tilespmem:s24], [sflag:$0x6], $0x40, s18, s29, $0xb8;
	[tilespmem:$0x1E340] =	vst v63  }
0xba: {  	_ =	swait.ge [sflag:s25], $0x2000  }
0xbb: {  	[sflag:s25] =	ssyncset.done $0x0  }
0xbc: {  	[sflag:s25] =	ssyncadd.s32 $0xFFFFE000  }
0xbd: {  	_ =	swait.ge [sflag:s9], $0x2000  }
0xbe: {  	[sflag:s9] =	ssyncset.done $0x0  }
0xbf: {  	[sflag:s9] =	ssyncadd.s32 $0xFFFFE000  }
0xc0: {  	[spmem:s4] =	stream.indirect.scatter.add.f32 [tilespmem:s30], [sflag:$0x6], $0x40, s19, s29, $0xb8;
	[tilespmem:$0x1E340] =	vst v63  }
0xc1: {  	_ =	swait.ge [sflag:s25], $0x2000  }
0xc2: {  	[sflag:s25] =	ssyncset.done $0x0  }
0xc3: {  	[sflag:s25] =	ssyncadd.s32 $0xFFFFE000  }
0xc4: {  	s10 =	sadd.s32 $0x1, s10;
	_ =	swait.ge [sflag:s12], $0x2000  }
0xc5: {  	p1 =	sne.s32 s10, $0x4;
	[sflag:s12] =	ssyncset.done $0x0  }
.Ltmp2:
0xc6: {  	[sflag:s12] =	ssyncadd.s32 $0xFFFFE000;
	(pc) =	sbr.rel @p1 .LBB2_4-.Ltmp2, $4  }
0xc7: {  	[spmem:s4] =	stream.indirect.scatter.add.f32 [tilespmem:s2], [sflag:$0x6], $0x40, s20, s29, $0xb8;
	[tilespmem:$0x1E340] =	vst v63  }
0xc8: {  	_ =	swait.ge [sflag:s25], $0x2000  }
0xc9: {  	[sflag:s25] =	ssyncset.done $0x0  }
0xca: {  	[sflag:s25] =	ssyncadd.s32 $0xFFFFE000  }
0xcb: {  	s1 =	simm.s32 @!p0 $0x0;
	s5 =	rddreg [dreg:$0xa]  }
0xcc: {  	[tilespmem:s1], [sflag:$0x6] =	stream.linear.gather @!p0 [hbm4b:s5+s1], $0x80, $0x38;
	[tilespmem:$0x1E340] =	vst v63  }
0xcd: {  	s5 =	simm.s32 @!p0 $0x6  }
0xce: {  	_ =	swait.ge @!p0 [sflag:s5], $0x80  }
0xcf: {  	[sflag:s5] =	ssyncset.done @!p0 $0x0  }
0xd0: {  	s10 =	simm.s32 @!p0 $0x1380;
	s26 =	rddreg [dreg:$0xb];
	[sflag:s5] =	ssyncadd.s32 @!p0 $0xFFFFFF80  }
0xd1: {  	[tilespmem:s10], [sflag:$0x6] =	stream.linear.gather @!p0 [hbm4b:s26+s1], $0x80, $0x38;
	[tilespmem:$0x1E340] =	vst v63  }
0xd2: {  	_ =	swait.ge @!p0 [sflag:s5], $0x80  }
0xd3: {  	[sflag:s5] =	ssyncset.done @!p0 $0x0  }
0xd4: {  	s28 =	simm.s32 @!p0 $0x2700;
	s26 =	simm.s32 @!p0 $0x80;
	[sflag:s5] =	ssyncadd.s32 @!p0 $0xFFFFFF80  }
0xd5: {  	[tilespmem:s28], [sflag:$0x1] =	stream.indirect.gather @!p0 [spmem:s3], $0x40, s1, s26, $0xb8;
	[tilespmem:$0x1E340] =	vst v63  }
0xd6: {  	s1 =	simm.s32 @!p0 $0x1  }
0xd7: {  	_ =	swait.ge @!p0 [sflag:s1], $0x2000  }
0xd8: {  	[sflag:s1] =	ssyncset.done @!p0 $0x0  }
0xd9: {  	[sflag:s1] =	ssyncadd.s32 @!p0 $0xFFFFE000  }
0xda: {  	[spmem:s4] =	stream.indirect.scatter.add.f32 @!p0 [tilespmem:s28], [sflag:$0x6], $0x40, s10, s26, $0xb8;
	[tilespmem:$0x1E340] =	vst v63  }
0xdb: {  	_ =	swait.ge @!p0 [sflag:s5], $0x2000  }
0xdc: {  	[sflag:s5] =	ssyncset.done @!p0 $0x0  }
0xdd: {  	[sflag:s5] =	ssyncadd.s32 @!p0 $0xFFFFE000  }
0xde: {  	[bflag:$0x0] =	sbarrier.arrive $0xFFFF  }
0xdf: {  	s10 =	rddreg [dreg:$0x7]  }
0xe0: {  	s0 =	simm.s32 $0x8;
	s31 =	simm.s32 $0x10;
	s28 =	rddreg [dreg:$0x9]  }
0xe1: {  	s26 =	rddreg [dreg:$0xc];
	s1 =	sor.u32 $0x1C06, s10;
	s14 =	sshrl.u32 s28, $0x3  }
0xe2: {  	[hbm:s26@s31], [sflag:s1] =	dma.strided [spmem:s14@s0], $0x1400, s21, $0x8   }
0xe3: {  	_ =	swait.ge [sflag:s25], $0x1400  }
0xe4: {  	s10 =	rddreg [dreg:$0x5]  }
0xe5: {  	s14 =	rddreg [dreg:$0xd];
	s26 =	sadd.s32 $0x1, s10  }
0xe6: {  	p1 =	sne.s32 s26, s14  }
.Ltmp3:
0xe7: {  	_ = 	snop;
	(pc) =	sbr.rel @p1 .LBB2_1-.Ltmp3, $3  }
0xe8: {  	_ =	sdelay $0x1  }
0xe9: {  	[sflag:s25] =	ssyncset.done $0x0  }
0xea: {  	s31 =	simm.s32 $0x1380;
	[sflag:s25] =	ssyncadd.s32 $0xFFFFEC00  }
0xeb: {  	_ =	sfence.sel $0x180000  }
0xec: {  	[bflag:$0x0] =	sbarrier.arrive $0xFFFF  }
0xed: {  	_ =	strace $0x9000004A  }
0xee: {  	s0 =	stileid.u32;
	[bflag:$0x2] =	sbarrier.arrive $0xFFFF  }
0xef: {  	p0 =	sne.s32 s0, $0x0;
	s0 =	rddreg [dreg:$0x4]  }
0xf0: {  	s0 =	sadd.s32 @!p0 $0x100000, s0  }
0xf1: {  	[sflag:s0] =	ssyncadd.tile.s32 @!p0 $0x1;
	_ =	shalt  }
.Lfunc_end2:
_tile_overlayer_lowered:
.L_overlay_start_2:
0xf2: {  	(tag) =	ssettag $0x2  }
0xf3: {  	s0 =	rddreg [dreg:$0x0];
	s2 =	stileid.u32  }
0xf4: {  	s1 =	rddreg [dreg:$0x1];
	p0 =	sne.s32 s2, $0x0  }
0xf5: {  	s3 =	rddreg [dreg:$0x2];
	[bflag:$0x3] =	sbarrier.arrive $0xFFFF;
	s2 =	simm.s32 @!p0 $0x1C06  }
0xf6: {  	[timem:s3], [sflag:s2] =	dma.local @!p0 [hbm:s0], s1  }
0xf7: {  	s0 =	simm.s32 @!p0 $0x6  }
0xf8: {  	_ =	swait.ge @!p0 [sflag:s0], s1  }
0xf9: {  	s1 =	ssub.s32 @!p0 $0x0, s1;
	[sflag:s0] =	ssyncset.done @!p0 $0x0  }
0xfa: {  	[sflag:s0] =	ssyncadd.s32 @!p0 s1  }
0xfb: {  	[bflag:$0x3] =	sbarrier.arrive $0xFFFF  }
0xfc: {  	_ =	shalt  }

// kernel: kernel.15.cloned.1.call-start
scs
__scs_entry_jumppad:
0x0: {  	(pc) =	sbr.rel $0x88, $3  }
0x1: {  	(tag) =	ssettag $0x0;
	lr =	simm.s32 $0x1  }
0x2: {  	[smem:$0x3F9B] =	sst lr;
	_ =	strace $0xD0000000  }
0x3: {  	_ = 	snop  }
0x4: {  	_ = 	snop  }
0x5: {  	_ = 	snop  }
0x6: {  	_ = 	snop  }
0x7: {  	_ = 	snop  }
__scs_overlays_trampoline_lowered:
0x8: {  	[smem:$0x3FAA] =	sst s0  }
0x9: {  	[smem:$0x3FAB] =	sst s1  }
0xa: {  	[smem:$0x3FAC] =	sst s2  }
0xb: {  	[smem:$0x3FAD] =	sst s3  }
0xc: {  	[smem:$0x3FAE] =	sst s4  }
0xd: {  	[smem:$0x3FAF] =	sst s5  }
0xe: {  	[smem:$0x3FB0] =	sst s6  }
0xf: {  	[smem:$0x3FB1] =	sst s7  }
0x10: {  	[smem:$0x3FB2] =	sst s8  }
0x11: {  	[smem:$0x3FB3] =	sst s9;
	s0 =	simm.s32 @!p0 $0x0  }
0x12: {  	s1 =	sld [smem:$0x3F99];
	s0 =	simm.s32 @p0 $0x1  }
0x13: {  	[smem:$0x3FB4] =	sst s0;
	s0 =	simm.s32 @!p1 $0x0  }
0x14: {  	s2 =	sld [smem:$0x3F98];
	s0 =	simm.s32 @p1 $0x1  }
0x15: {  	[smem:$0x3FB5] =	sst s0;
	s0 =	simm.s32 @!p2 $0x0  }
0x16: {  	s3 =	sld [smem:$0x3FDB];
	s0 =	simm.s32 @p2 $0x1  }
0x17: {  	s4 =	simm.s32 $0x1BF5;
	[smem:$0x3FB7] =	sst s0  }
0x18: {  	s0 =	sld [smem:$0x3F9A];
	_ =	swait.ge [sflag:s4], $0x0  }
0x19: {  	s7 =	sld [smem:$0x3F9B]  }
0x1a: {  	s8 =	sadd.s32 $0xFFFFE003, lr  }
0x1b: {  	s9 =	sadd.s32 $0xFFFFFEF7, lr;
	s5 =	simm.s32 $0xFFFFFFFF;
	p2 =	slt.u32 s8, $0xFFFFF086  }
0x1c: {  	p1 =	slt.u32 s9, $0xF7A;
	s5 =	simm.s32 @!p2 $0x0  }
0x1d: {  	s5 =	simm.s32 @p1 $0x1;
	p0 =	seq.s32 s7, s2  }
0x1e: {  	s7 =	smul.u32 @!p0 $0xF7A, s2;
	p2 =	seq.s32 @!p0 s5, $0x0  }
0x1f: {  	s9 =	smul.u32 $0xF7A, s1;
	s8 =	simm.s32 @!p0 $0x1BF5;
	p2 =	por !p2, p0  }
0x20: {  	[sflag:s8] =	ssyncset.s32 @!p0 $0xFFFFF086;
	s6 =	sadd.s32 @!p0 s3, s7;
	s7 =	simm.s32 @!p0 $0x108  }
0x21: {  	s3 =	sadd.s32 s3, s9;
	s6 =	sadd.s32 @!p0 $0x88, s6;
	s7 =	simm.s32 @p2 $0x1082  }
0x22: {  	[simem:s7], [sflag:s8] =	dma.local @!p0 [hbm:s6], $0xF7A  }
0x23: {  	s9 =	sor.u32 $0xD0000000, s2;
	s6 =	simm.s32 $0x108;
	_ =	swait.ge @!p0 [sflag:s8], $0x0  }
0x24: {  	s3 =	sadd.s32 $0x88, s3;
	s6 =	simm.s32 @!p1 $0x1082;
	[sflag:s4] =	ssyncset.s32 $0xFFFFF086  }
0x25: {  	[simem:s6], [sflag:s4] =	dma.local [hbm:s3], $0xF7A  }
0x26: {  	[smem:$0x3F9B] =	sst s1;
	(tag) =	ssettag s2;
	_ =	strace s9  }
0x27: {  	s1 =	sld [smem:$0x3FAB]  }
0x28: {  	s2 =	sld [smem:$0x3FAC]  }
0x29: {  	s4 =	sld [smem:$0x3FAE]  }
0x2a: {  	p0 =	seq.s32 s5, $0x0;
	s5 =	sld [smem:$0x3FAF]  }
0x2b: {  	s6 =	sld [smem:$0x3FB0]  }
0x2c: {  	s7 =	sld [smem:$0x3FB1]  }
0x2d: {  	s3 =	simm.s32 $0x108;
	s8 =	sld [smem:$0x3FB2]  }
0x2e: {  	s3 =	simm.s32 @!p0 $0x1082;
	s9 =	sld [smem:$0x3FB3]  }
0x2f: {  	lr =	sadd.s32 s0, s3;
	s0 =	sld [smem:$0x3FAA]  }
0x30: {  	s3 =	sld [smem:$0x3FAD]  }
0x31: {  	[smem:$0x3FB6] =	sst s10  }
0x32: {  	s10 =	sld [smem:$0x3FB4];
	_ =	sdelay $0x3  }
0x33: {  	p0 =	seq.s32 s10, $0x1;
	s10 =	sld [smem:$0x3FB6];
	_ =	sdelay $0x3  }
0x34: {  	[smem:$0x3FB6] =	sst s10  }
0x35: {  	s10 =	sld [smem:$0x3FB5];
	_ =	sdelay $0x3  }
0x36: {  	p1 =	seq.s32 s10, $0x1;
	s10 =	sld [smem:$0x3FB6];
	_ =	sdelay $0x3  }
0x37: {  	[smem:$0x3FB6] =	sst s10  }
0x38: {  	s10 =	sld [smem:$0x3FB7]  }
0x39: {  	_ = 	snop;
	(pc) =	sbr.ind lr, $3  }
0x3a: {  	_ = 	snop  }
0x3b: {  	_ = 	snop  }
0x3c: {  	p2 =	seq.s32 s10, $0x1;
	s10 =	sld [smem:$0x3FB6]  }
0x3d: {  	_ =	shalt  }
0x3e: {  	_ =	shalt  }
0x3f: {  	_ =	shalt  }
0x40: {  	_ =	shalt  }
0x41: {  	_ =	shalt  }
0x42: {  	_ =	shalt  }
0x43: {  	_ =	shalt  }
0x44: {  	_ =	shalt  }
0x45: {  	_ =	shalt  }
0x46: {  	_ =	shalt  }
0x47: {  	_ =	shalt  }
0x48: {  	_ =	shalt  }
0x49: {  	_ =	shalt  }
0x4a: {  	_ =	shalt  }
0x4b: {  	_ =	shalt  }
0x4c: {  	_ =	shalt  }
0x4d: {  	_ =	shalt  }
0x4e: {  	_ =	shalt  }
0x4f: {  	_ =	shalt  }
0x50: {  	_ =	shalt  }
0x51: {  	_ =	shalt  }
0x52: {  	_ =	shalt  }
0x53: {  	_ =	shalt  }
0x54: {  	_ =	shalt  }
0x55: {  	_ =	shalt  }
0x56: {  	_ =	shalt  }
0x57: {  	_ =	shalt  }
0x58: {  	_ =	shalt  }
0x59: {  	_ =	shalt  }
0x5a: {  	_ =	shalt  }
0x5b: {  	_ =	shalt  }
0x5c: {  	_ =	shalt  }
0x5d: {  	_ =	shalt  }
0x5e: {  	_ =	shalt  }
0x5f: {  	_ =	shalt  }
0x60: {  	_ =	shalt  }
0x61: {  	_ =	shalt  }
0x62: {  	_ =	shalt  }
0x63: {  	_ =	shalt  }
0x64: {  	_ =	shalt  }
0x65: {  	_ =	shalt  }
0x66: {  	_ =	shalt  }
0x67: {  	_ =	shalt  }
0x68: {  	_ =	shalt  }
0x69: {  	_ =	shalt  }
0x6a: {  	_ =	shalt  }
0x6b: {  	_ =	shalt  }
0x6c: {  	_ =	shalt  }
0x6d: {  	_ =	shalt  }
0x6e: {  	_ =	shalt  }
0x6f: {  	_ =	shalt  }
0x70: {  	_ =	shalt  }
0x71: {  	_ =	shalt  }
0x72: {  	_ =	shalt  }
0x73: {  	_ =	shalt  }
0x74: {  	_ =	shalt  }
0x75: {  	_ =	shalt  }
0x76: {  	_ =	shalt  }
0x77: {  	_ =	shalt  }
0x78: {  	_ =	shalt  }
0x79: {  	_ =	shalt  }
0x7a: {  	_ =	shalt  }
0x7b: {  	_ =	shalt  }
0x7c: {  	_ =	shalt  }
0x7d: {  	_ =	shalt  }
0x7e: {  	_ =	shalt  }
0x7f: {  	_ =	shalt  }
0x80: {  	_ =	shalt  }
0x81: {  	_ =	shalt  }
0x82: {  	_ =	shalt  }
0x83: {  	_ =	shalt  }
0x84: {  	_ =	shalt  }
0x85: {  	_ =	shalt  }
0x86: {  	_ =	shalt  }
0x87: {  	_ =	shalt  }
.Lfunc_end0:
.L_simem_size_0:
called_computation.2_lowered:
.L_overlay_start_0:
0x88: {  	s2 =	sld [smem:$0x3FD9]  }
0x89: {  	s3 =	sld [smem:$0x3FFE];
	_ =	sdelay $0x1  }
0x8a: {  	s1 =	srdreg.scid  }
0x8b: {  	s0 =	sand.u32 $0x1, s1  }
0x8c: {  	s17 =	sshll.u32 s0, $0xA;
	s2 =	sadd.s32 s3, s2  }
0x8d: {  	s2 =	sadd.s32 s2, s17  }
0x8e: {  	[smem:$0x3FC2] =	sst s2  }
0x8f: {  	_ = 	snop  }
0x90: {  	s2 =	sld [smem:$0x3FD0];
	(tm) =	ssettm $0x1  }
0x91: {  	s18 =	sld [smem:$0x3FFB];
	_ =	sdelay $0x3  }
0x92: {  	_ =	strace s18  }
0x93: {  	s3 =	sld [smem:$0x3FFC];
	_ =	sdelay $0x3  }
0x94: {  	_ =	strace s3  }
0x95: {  	s3 =	sld [smem:$0x3FFD];
	_ =	sdelay $0x3  }
0x96: {  	_ =	strace s3  }
0x97: {  	_ =	strace $0x8FFFFFFF  }
0x98: {  	s19 =	sld [smem:$0x3FDB];
	_ =	sdelay $0x1  }
0x99: {  	s4 =	simm.s32 $_scs_section_size  }
0x9a: {  	s5 =	simm.s32 $_size__tile_overlayer_lowered;
	s6 =	simm.s32 $_tile_overlayer_lowered  }
0x9b: {  	s22 =	simm.s32 $0x1BFF;
	s21 =	sshll.u32 s6, $0x1;
	s3 =	sadd.s32 s4, s19  }
0x9c: {  	s7 =	simm.s32 $0x0;
	s20 =	sshll.u32 s5, $0x1;
	s5 =	sadd.s32 s21, s3  }
0x9d: {  	[timem:s7], [sflag:s22] =	dma.local [hbm:s5], s20  }
0x9e: {  	_ =	swait.ge [sflag:s22], s20  }
0x9f: {  	s4 =	ssub.s32 $0x0, s20;
	[sflag:s22] =	ssyncset.done $0x0  }
0xa0: {  	[sflag:s22] =	ssyncadd.s32 s4;
	_ =	sdelay $0x1  }
0xa1: {  	s23 =	simm.s32 $0x1B8B  }
0xa2: {  	_ =	swait.ge [sflag:s23], $0x1  }
0xa3: {  	[sflag:s23] =	ssyncset.done $0x0  }
0xa4: {  	s25 =	simm.s32 $0x1B8E;
	s24 =	sld [smem:$0x3FFE];
	[sflag:s23] =	ssyncadd.s32 $0xFFFFFFFF  }
0xa5: {  	s26 =	simm.s32 $execute0_lowered;
	[smem:$0x3FD2] =	sst s25  }
0xa6: {  	s5 =	sshll.u32 s26, $0x1;
	_ =	strace $0x8000004C;
	[dreg:$0x1] =	wrdreg $0xFFFFFFFF  }
0xa7: {  	s28 =	simm.s32 $_size_execute0_lowered;
	s3 =	sadd.s32 s3, s5;
	[dreg:$0x0] =	wrdreg $0x0  }
0xa8: {  	s5 =	sshll.u32 s28, $0x1;
	[dreg:$0x2] =	wrdreg s3  }
0xa9: {  	[dreg:$0x3] =	wrdreg s5  }
0xaa: {  	[dreg:$0x4] =	wrdreg $0xC0  }
0xab: {  	_ =	task [dreg:s7], $0x5FFFF  }
0xac: {  	[dreg:$0x1] =	wrdreg $0xFFFFFFFF  }
0xad: {  	[dreg:$0x0] =	wrdreg $0x60  }
0xae: {  	[dreg:$0x2] =	wrdreg s24  }
0xaf: {  	[dreg:$0x3] =	wrdreg s2  }
0xb0: {  	[dreg:$0x4] =	wrdreg $0xA7000  }
0xb1: {  	[dreg:$0x5] =	wrdreg $0x143400  }
0xb2: {  	[dreg:$0x6] =	wrdreg $0x9  }
0xb3: {  	_ =	task.clear_ibuf [dreg:s7], $0x7FFFF;
	_ =	strace $0x9000004C  }
0xb4: {  	s29 =	simm.s32 $0x9;
	_ =	strace $0x8000004E  }
0xb5: {  	_ =	swait.ge [sflag:s29], $0x1  }
0xb6: {  	[sflag:s29] =	ssyncadd.s32 $0xFFFFFFFF  }
0xb7: {  	_ =	strace $0x9000004E  }
0xb8: {  	_ =	sfence  }
0xb9: {  	s30 =	sld [smem:$0x0];
	_ =	sdelay $0x2  }
0xba: {  	s31 =	sshll.u32 s1, $0xD;
	s1 =	sshrl.u32 s1, $0x2  }
0xbb: {  	s3 =	sand.u32 $0x4000, s31;
	s1 =	sadd.s32 s1, s30  }
0xbc: {  	s0 =	sor.u32 s3, s0;
	s1 =	sshll.u32 s1, $0x11  }
0xbd: {  	s0 =	sor.u32 s1, s0  }
0xbe: {  	s0 =	sadd.s32 $0x8F2B, s0  }
0xbf: {  	[sflag:s0] =	ssyncadd.remote.s32 $0x1  }
0xc0: {  	_ =	sfence.sel $0xFFFF  }
0xc1: {  	[dreg:$0x0] =	wrdreg $0xFFFFFFFF;
	(pc) =	sbr.abs _section_cstart, $3  }
0xc2: {  	[dreg:$0x1] =	wrdreg $0xFFFFFFFF  }
0xc3: {  	_ =	task.clear_ibuf [dreg:s7], $0x2FFFF;
	_ =	strace $0x9FFFFFFF  }
0xc4: {  	(tm) =	ssettm $0x7FFFFFFF  }
0xc5: {  	_ =	shalt  }
tec
execute0_lowered:
.L_overlay_start_1:
0x0: {  	(tag) =	ssettag $0x1  }
0x1: {  	s0 =	rddreg [dreg:$0x0]  }
0x2: {  	s1 =	rddreg [dreg:$0x1]  }
0x3: {  	s3 =	rddreg [dreg:$0x2];
	s11 =	stileid.u32  }
0x4: {  	s4 =	rddreg [dreg:$0x3];
	s26 =	simm.s32 $0x0;
	s5 =	smul.u32 $0x2710, s11  }
0x5: {  	s2 =	srdreg.scid;
	s28 =	simm.s32 $0x1380;
	s6 =	smul.u32 $0x14000, s11  }
0x6: {  	s29 =	simm.s32 $0x80;
	s30 =	simm.s32 $0x4700;
	s10 =	smul.u32 $0x27100, s11  }
0x7: {  	[smem:$0x7FF] =	sst s26;
	s2 =	sand.u32 $0x1, s2;
	s14 =	smul.u32 $0x28000, s11  }
0x8: {  	s15 =	sshll.u32 s11, $0x6;
	_ =	strace $0x8000004D;
	s7 =	sshll.u32 s2, $0x4  }
0x9: {  	s8 =	sshll.u32 s2, $0x6;
	s2 =	ssub.s32 $0x2, s2;
	[dreg:$0x7] =	wrdreg s15  }
0xa: {  	s5 =	sadd.s32 s5, s0;
	s7 =	sor.u32 s11, s7;
	s6 =	sor.u32 s8, s6  }
0xb: {  	s9 =	sshrl.u32 s2, $0x1;
	s13 =	sshrl.u32 s10, $0x2;
	s16 =	sshrl.u32 s14, $0x2  }
0xc: {  	s11 =	sadd.s32 $0x9C40, s1;
	s14 =	simm.s32 $0x2380;
	s31 =	smul.u32 $0x4E, s7  }
0xd: {  	s6 =	sshrl.u32 s6, $0x3;
	s2 =	ssub.s32 s2, s9;
	s12 =	smin.u32 s7, $0x4  }
0xe: {  	s8 =	sadd.s32 s13, s3;
	s5 =	sadd.s32 $0x2800, s5;
	s18 =	sadd.s32 s16, s4  }
0xf: {  	p0 =	sgt.u32 s7, $0x3;
	s7 =	simm.s32 $0x8700;
	s9 =	simm.s32 $0x2  }
0x10: {  	s13 =	simm.s32 $0x4;
	s16 =	simm.s32 $0x1280;
	[dreg:$0x6] =	wrdreg s5  }
0x11: {  	s0 =	sadd.s32 s6, s0;
	s5 =	sor.u32 $0x1C05, s15;
	[dreg:$0x9] =	wrdreg s18  }
0x12: {  	s21 =	smax.u32 s2, $0x1;
	s22 =	sadd.s32 $0x2000, s18;
	[dreg:$0x8] =	wrdreg s5  }
0x13: {  	s23 =	sadd.s32 $0x4000, s18;
	s24 =	sadd.s32 $0x6000, s18;
	[dreg:$0xd] =	wrdreg s21  }
0x14: {  	s25 =	sadd.s32 $0x8000, s18;
	s2 =	simm.s32 $0x180;
	[dreg:$0xe] =	wrdreg s22  }
0x15: {  	s15 =	simm.s32 $0x1200;
	s18 =	simm.s32 $0x2580;
	[dreg:$0xf] =	wrdreg s23  }
0x16: {  	s6 =	sadd.s32 s12, s31;
	s0 =	sadd.s32 $0x29A00, s0;
	[dreg:$0x10] =	wrdreg s24  }
0x17: {  	[dreg:$0x11] =	wrdreg s25;
	s31 =	sshrl.u32 s8, $0x3;
	s21 =	simm.s32 $0x1  }
0x18: {  	s24 =	simm.s32 $0x2700;
	s25 =	simm.s32 $0x6;
	s12 =	simm.s32 $0x3  }
0x19: {  	s8 =	simm.s32 $0x2400;
	s22 =	simm.s32 $0x2480;
	s17 =	sshll.u32 s6, $0x4  }
0x1a: {  	s23 =	simm.s32 $0x2500;
	[dreg:$0xc] =	wrdreg s0;
	s19 =	sadd.s32 s1, s17  }
0x1b: {  	[dreg:$0x12] =	wrdreg s31;
	s0 =	simm.s32 $0x6700;
	s1 =	sadd.s32 $0x4E0, s19  }
0x1c: {  	s17 =	simm.s32 $0x1300;
	s20 =	sadd.s32 $0xA120, s19;
	[dreg:$0xa] =	wrdreg s1  }
0x1d: {  	v0 =	vimm.f32 $0.0e+00;
	s19 =	simm.s32 $0x2600;
	[dreg:$0xb] =	wrdreg s20;
	s20 =	simm.s32 $0x2680  }
.LBB2_1:
0x1e: {  	[dreg:$0x5] =	wrdreg s26  }
0x1f: {  	s1 =	rddreg [dreg:$0x6]  }
0x20: {  	s5 =	rddreg [dreg:$0x8]  }
0x21: {  	s10 =	rddreg [dreg:$0x12];
	s26 =	simm.s32 $0x8;
	s31 =	simm.s32 $0x10  }
0x22: {  	[spmem:s10@s26], [sflag:s5] =	dma.strided [hbm:s1@s31], $0x1388, s21, $0x8   }
0x23: {  	s10 =	simm.s32 $0x100;
	s5 =	simm.s32 $0x0  }
.LBB2_2:
0x24: {  	p1 =	seq.s32 s10, $0x7F00;
	[tilespmem:s5+$0x2730] =	vst v0;
	s26 =	smov.u32 s10;
	s10 =	sadd.s32 $0x100, s10  }
.Ltmp0:
0x25: {  	[tilespmem:s5+$0x2720] =	vst v0;
	(pc) =	sbr.rel @!p1 .LBB2_2-.Ltmp0, $3  }
0x26: {  	[tilespmem:s5+$0x2700] =	vst v0  }
0x27: {  	[tilespmem:s5+$0x2710] =	vst v0;
	_ =	sdelay $0x1  }
0x28: {  	s5 =	sshra.s32 s26, $0x2  }
0x29: {  	[tilespmem:s5+$0x2730] =	vst v0  }
0x2a: {  	[tilespmem:s5+$0x2720] =	vst v0  }
0x2b: {  	[tilespmem:s5+$0x2700] =	vst v0  }
0x2c: {  	[tilespmem:s5+$0x2710] =	vst v0;
	s1 =	rddreg [dreg:$0x9]  }
0x2d: {  	[spmem:s1] =	stream.linear.scatter [tilespmem:s24], [sflag:$0x6], $0x2000, $0x38;
	[tilespmem:$0x1E340] =	vst v63  }
0x2e: {  	_ =	swait.ge [sflag:s25], $0x2000  }
0x2f: {  	[sflag:s25] =	ssyncset.done $0x0  }
0x30: {  	s10 =	rddreg [dreg:$0xe];
	[sflag:s25] =	ssyncadd.s32 $0xFFFFE000  }
0x31: {  	[spmem:s10] =	stream.linear.scatter [tilespmem:s24], [sflag:$0x6], $0x2000, $0x38;
	[tilespmem:$0x1E340] =	vst v63  }
0x32: {  	_ =	swait.ge [sflag:s25], $0x2000  }
0x33: {  	[sflag:s25] =	ssyncset.done $0x0  }
0x34: {  	s26 =	rddreg [dreg:$0xf];
	[sflag:s25] =	ssyncadd.s32 $0xFFFFE000  }
0x35: {  	[spmem:s26] =	stream.linear.scatter [tilespmem:s24], [sflag:$0x6], $0x2000, $0x38;
	[tilespmem:$0x1E340] =	vst v63  }
0x36: {  	_ =	swait.ge [sflag:s25], $0x2000  }
0x37: {  	[sflag:s25] =	ssyncset.done $0x0  }
0x38: {  	s5 =	rddreg [dreg:$0x10];
	[sflag:s25] =	ssyncadd.s32 $0xFFFFE000  }
0x39: {  	[spmem:s5] =	stream.linear.scatter [tilespmem:s24], [sflag:$0x6], $0x2000, $0x38;
	[tilespmem:$0x1E340] =	vst v63  }
0x3a: {  	_ =	swait.ge [sflag:s25], $0x2000  }
0x3b: {  	[sflag:s25] =	ssyncset.done $0x0  }
0x3c: {  	s10 =	rddreg [dreg:$0x11];
	[sflag:s25] =	ssyncadd.s32 $0xFFFFE000  }
0x3d: {  	[spmem:s10] =	stream.linear.scatter [tilespmem:s24], [sflag:$0x6], $0x2000, $0x38;
	[tilespmem:$0x1E340] =	vst v63  }
0x3e: {  	_ =	swait.ge [sflag:s25], $0x2000  }
0x3f: {  	[sflag:s25] =	ssyncset.done $0x0  }
0x40: {  	s26 =	simm.s32 $0x5;
	[sflag:s25] =	ssyncadd.s32 $0xFFFFE000  }
0x41: {  	_ =	swait.ge [sflag:s26], $0x1388  }
0x42: {  	[sflag:s26] =	ssyncset.done $0x0  }
0x43: {  	s31 =	simm.s32 $0x100;
	p2 =	por $0x1, $0x1;
	[sflag:s26] =	ssyncadd.s32 $0xFFFFEC78  }
0x44: {  	s5 =	simm.s32 $0x0;
	s26 =	simm.s32 $0x0;
	[bflag:$0x0] =	sbarrier.arrive $0xFFFF  }
.LBB2_4:
0x45: {  	s5 =	sadd.s32 s6, s5  }
0x46: {  	s1 =	rddreg [dreg:$0x1];
	s5 =	sshll.u32 s5, $0x4  }
0x47: {  	s10 =	sadd.s32 s1, s5  }
0x48: {  	[tilespmem:s26], [sflag:$0x6] =	stream.linear.gather [hbm4b:s10+s26], $0x1380, $0x38;
	[tilespmem:$0x1E340] =	vst v63  }
0x49: {  	_ =	swait.ge [sflag:s25], $0x1380  }
0x4a: {  	[sflag:s25] =	ssyncset.done $0x0  }
0x4b: {  	s5 =	sadd.s32 s5, s11;
	[sflag:s25] =	ssyncadd.s32 $0xFFFFEC80  }
0x4c: {  	[tilespmem:s28], [sflag:$0x6] =	stream.linear.gather [hbm4b:s5+s26], $0x1380, $0x38;
	[tilespmem:$0x1E340] =	vst v63  }
0x4d: {  	_ =	swait.ge [sflag:s25], $0x1380  }
0x4e: {  	[sflag:s25] =	ssyncset.done $0x0  }
0x4f: {  	[sflag:s25] =	ssyncadd.s32 $0xFFFFEC80  }
0x50: {  	[tilespmem:s24], [sflag:$0x1] =	stream.indirect.gather [spmem:s3], $0x40, s26, s29, $0xb8;
	[tilespmem:$0x1E340] =	vst v63  }
0x51: {  	_ = 	snop  }
0x52: {  	[tilespmem:s30], [sflag:$0x2] =	stream.indirect.gather [spmem:s3], $0x40, s29, s29, $0xb8;
	[tilespmem:$0x1E340] =	vst v63  }
0x53: {  	_ = 	snop  }
0x54: {  	[tilespmem:s0], [sflag:$0x3] =	stream.indirect.gather [spmem:s3], $0x40, s31, s29, $0xb8;
	[tilespmem:$0x1E340] =	vst v63  }
0x55: {  	_ = 	snop  }
0x56: {  	[tilespmem:s7], [sflag:$0x4] =	stream.indirect.gather [spmem:s3], $0x40, s2, s29, $0xb8;
	[tilespmem:$0x1E340] =	vst v63  }
0x57: {  	_ =	swait.ge [sflag:s21], $0x2000  }
0x58: {  	[sflag:s21] =	ssyncset.done $0x0  }
0x59: {  	s10 =	simm.s32 $0x1380;
	[sflag:s21] =	ssyncadd.s32 $0xFFFFE000  }
0x5a: {  	[spmem:s4] =	stream.indirect.scatter.add.f32 [tilespmem:s24], [sflag:$0x6], $0x40, s10, s29, $0xb8;
	[tilespmem:$0x1E340] =	vst v63  }
0x5b: {  	_ =	swait.ge [sflag:s25], $0x2000  }
0x5c: {  	[sflag:s25] =	ssyncset.done $0x0  }
0x5d: {  	s1 =	simm.s32 $0x200;
	[sflag:s25] =	ssyncadd.s32 $0xFFFFE000  }
0x5e: {  	[tilespmem:s24], [sflag:$0x1] =	stream.indirect.gather [spmem:s3], $0x40, s1, s29, $0xb8;
	[tilespmem:$0x1E340] =	vst v63  }
0x5f: {  	_ =	swait.ge [sflag:s9], $0x2000  }
0x60: {  	[sflag:s9] =	ssyncset.done $0x0  }
0x61: {  	s10 =	simm.s32 $0x1400;
	[sflag:s9] =	ssyncadd.s32 $0xFFFFE000  }
0x62: {  	[spmem:s4] =	stream.indirect.scatter.add.f32 [tilespmem:s30], [sflag:$0x6], $0x40, s10, s29, $0xb8;
	[tilespmem:$0x1E340] =	vst v63  }
0x63: {  	_ =	swait.ge [sflag:s25], $0x2000  }
0x64: {  	[sflag:s25] =	ssyncset.done $0x0  }
0x65: {  	s1 =	simm.s32 $0x280;
	[sflag:s25] =	ssyncadd.s32 $0xFFFFE000  }
0x66: {  	[tilespmem:s30], [sflag:$0x2] =	stream.indirect.gather [spmem:s3], $0x40, s1, s29, $0xb8;
	[tilespmem:$0x1E340] =	vst v63  }
0x67: {  	_ =	swait.ge [sflag:s12], $0x2000  }
0x68: {  	[sflag:s12] =	ssyncset.done $0x0  }
0x69: {  	s10 =	simm.s32 $0x1480;
	[sflag:s12] =	ssyncadd.s32 $0xFFFFE000  }
0x6a: {  	[spmem:s4] =	stream.indirect.scatter.add.f32 [tilespmem:s0], [sflag:$0x6], $0x40, s10, s29, $0xb8;
	[tilespmem:$0x1E340] =	vst v63  }
0x6b: {  	_ =	swait.ge [sflag:s25], $0x2000  }
0x6c: {  	[sflag:s25] =	ssyncset.done $0x0  }
0x6d: {  	s1 =	simm.s32 $0x300;
	[sflag:s25] =	ssyncadd.s32 $0xFFFFE000  }
0x6e: {  	[tilespmem:s0], [sflag:$0x3] =	stream.indirect.gather [spmem:s3], $0x40, s1, s29, $0xb8;
	[tilespmem:$0x1E340] =	vst v63  }
0x6f: {  	_ =	swait.ge [sflag:s13], $0x2000  }
0x70: {  	[sflag:s13] =	ssyncset.done $0x0  }
0x71: {  	s10 =	simm.s32 $0x1500;
	[sflag:s13] =	ssyncadd.s32 $0xFFFFE000  }
0x72: {  	[spmem:s4] =	stream.indirect.scatter.add.f32 [tilespmem:s7], [sflag:$0x6], $0x40, s10, s29, $0xb8;
	[tilespmem:$0x1E340] =	vst v63  }
0x73: {  	_ =	swait.ge [sflag:s25], $0x2000  }
0x74: {  	p1 =	por p2, p2;
	[sflag:s25] =	ssyncset.done $0x0  }
0x75: {  	s5 =	simm.s32 $0x380;
	s10 =	simm.s32 $0x800;
	[sflag:s25] =	ssyncadd.s32 $0xFFFFE000  }
.LBB2_5:
0x76: {  	[tilespmem:s7], [sflag:$0x4] =	stream.indirect.gather [spmem:s3], $0x40, s5, s29, $0xb8;
	[tilespmem:$0x1E340] =	vst v63  }
0x77: {  	s5 =	smov.u32 s10  }
0x78: {  	p2 =	sne.s32 s10, $0x3800;
	s10 =	sadd.s32 $0x800, s10;
	_ =	swait.ge [sflag:s21], $0x2000  }
0x79: {  	s5 =	sshra.s32 s5, $0x2;
	[sflag:s21] =	ssyncset.done $0x0  }
0x7a: {  	s1 =	sadd.s32 $0x1380, s5;
	[sflag:s21] =	ssyncadd.s32 $0xFFFFE000  }
0x7b: {  	[spmem:s4] =	stream.indirect.scatter.add.f32 [tilespmem:s24], [sflag:$0x6], $0x40, s1, s29, $0xb8;
	[tilespmem:$0x1E340] =	vst v63  }
0x7c: {  	_ =	swait.ge [sflag:s25], $0x2000  }
0x7d: {  	[sflag:s25] =	ssyncset.done $0x0  }
0x7e: {  	s1 =	sadd.s32 $0x200, s5;
	[sflag:s25] =	ssyncadd.s32 $0xFFFFE000  }
0x7f: {  	[tilespmem:s24], [sflag:$0x1] =	stream.indirect.gather [spmem:s3], $0x40, s1, s29, $0xb8;
	[tilespmem:$0x1E340] =	vst v63  }
0x80: {  	_ =	swait.ge [sflag:s9], $0x2000  }
0x81: {  	[sflag:s9] =	ssyncset.done $0x0  }
0x82: {  	s1 =	sadd.s32 $0x1400, s5;
	[sflag:s9] =	ssyncadd.s32 $0xFFFFE000  }
0x83: {  	[spmem:s4] =	stream.indirect.scatter.add.f32 [tilespmem:s30], [sflag:$0x6], $0x40, s1, s29, $0xb8;
	[tilespmem:$0x1E340] =	vst v63  }
0x84: {  	_ =	swait.ge [sflag:s25], $0x2000  }
0x85: {  	[sflag:s25] =	ssyncset.done $0x0  }
0x86: {  	s1 =	sadd.s32 $0x280, s5;
	[sflag:s25] =	ssyncadd.s32 $0xFFFFE000  }
0x87: {  	[tilespmem:s30], [sflag:$0x2] =	stream.indirect.gather [spmem:s3], $0x40, s1, s29, $0xb8;
	[tilespmem:$0x1E340] =	vst v63  }
0x88: {  	_ =	swait.ge [sflag:s12], $0x2000  }
0x89: {  	[sflag:s12] =	ssyncset.done $0x0  }
0x8a: {  	s1 =	sadd.s32 $0x1480, s5;
	[sflag:s12] =	ssyncadd.s32 $0xFFFFE000  }
0x8b: {  	[spmem:s4] =	stream.indirect.scatter.add.f32 [tilespmem:s0], [sflag:$0x6], $0x40, s1, s29, $0xb8;
	[tilespmem:$0x1E340] =	vst v63  }
0x8c: {  	_ =	swait.ge [sflag:s25], $0x2000  }
0x8d: {  	[sflag:s25] =	ssyncset.done $0x0  }
0x8e: {  	s1 =	sadd.s32 $0x300, s5;
	[sflag:s25] =	ssyncadd.s32 $0xFFFFE000  }
0x8f: {  	[tilespmem:s0], [sflag:$0x3] =	stream.indirect.gather [spmem:s3], $0x40, s1, s29, $0xb8;
	[tilespmem:$0x1E340] =	vst v63  }
0x90: {  	_ =	swait.ge [sflag:s13], $0x2000  }
0x91: {  	[sflag:s13] =	ssyncset.done $0x0  }
.Ltmp1:
0x92: {  	s1 =	sadd.s32 $0x1500, s5;
	[sflag:s13] =	ssyncadd.s32 $0xFFFFE000;
	(pc) =	sbr.rel @p2 .LBB2_5-.Ltmp1, $4  }
0x93: {  	[spmem:s4] =	stream.indirect.scatter.add.f32 [tilespmem:s7], [sflag:$0x6], $0x40, s1, s29, $0xb8;
	[tilespmem:$0x1E340] =	vst v63  }
0x94: {  	_ =	swait.ge [sflag:s25], $0x2000  }
0x95: {  	[sflag:s25] =	ssyncset.done $0x0  }
0x96: {  	s5 =	sadd.s32 $0x380, s5;
	[sflag:s25] =	ssyncadd.s32 $0xFFFFE000  }
0x97: {  	[tilespmem:s7], [sflag:$0x4] =	stream.indirect.gather [spmem:s3], $0x40, s5, s29, $0xb8;
	[tilespmem:$0x1E340] =	vst v63  }
0x98: {  	_ =	swait.ge [sflag:s21], $0x2000  }
0x99: {  	[sflag:s21] =	ssyncset.done $0x0  }
0x9a: {  	[sflag:s21] =	ssyncadd.s32 $0xFFFFE000  }
0x9b: {  	[spmem:s4] =	stream.indirect.scatter.add.f32 [tilespmem:s24], [sflag:$0x6], $0x40, s14, s29, $0xb8;
	[tilespmem:$0x1E340] =	vst v63  }
0x9c: {  	_ =	swait.ge [sflag:s25], $0x2000  }
0x9d: {  	[sflag:s25] =	ssyncset.done $0x0  }
0x9e: {  	[sflag:s25] =	ssyncadd.s32 $0xFFFFE000  }
0x9f: {  	[tilespmem:s24], [sflag:$0x1] =	stream.indirect.gather [spmem:s3], $0x40, s15, s29, $0xb8;
	[tilespmem:$0x1E340] =	vst v63  }
0xa0: {  	_ =	swait.ge [sflag:s9], $0x2000  }
0xa1: {  	[sflag:s9] =	ssyncset.done $0x0  }
0xa2: {  	[sflag:s9] =	ssyncadd.s32 $0xFFFFE000  }
0xa3: {  	[spmem:s4] =	stream.indirect.scatter.add.f32 [tilespmem:s30], [sflag:$0x6], $0x40, s8, s29, $0xb8;
	[tilespmem:$0x1E340] =	vst v63  }
0xa4: {  	_ =	swait.ge [sflag:s25], $0x2000  }
0xa5: {  	[sflag:s25] =	ssyncset.done $0x0  }
0xa6: {  	[sflag:s25] =	ssyncadd.s32 $0xFFFFE000  }
0xa7: {  	[tilespmem:s30], [sflag:$0x2] =	stream.indirect.gather [spmem:s3], $0x40, s16, s29, $0xb8;
	[tilespmem:$0x1E340] =	vst v63  }
0xa8: {  	_ =	swait.ge [sflag:s12], $0x2000  }
0xa9: {  	[sflag:s12] =	ssyncset.done $0x0  }
0xaa: {  	[sflag:s12] =	ssyncadd.s32 $0xFFFFE000  }
0xab: {  	[spmem:s4] =	stream.indirect.scatter.add.f32 [tilespmem:s0], [sflag:$0x6], $0x40, s22, s29, $0xb8;
	[tilespmem:$0x1E340] =	vst v63  }
0xac: {  	_ =	swait.ge [sflag:s25], $0x2000  }
0xad: {  	[sflag:s25] =	ssyncset.done $0x0  }
0xae: {  	[sflag:s25] =	ssyncadd.s32 $0xFFFFE000  }
0xaf: {  	[tilespmem:s0], [sflag:$0x3] =	stream.indirect.gather [spmem:s3], $0x40, s17, s29, $0xb8;
	[tilespmem:$0x1E340] =	vst v63  }
0xb0: {  	_ =	swait.ge [sflag:s13], $0x2000  }
0xb1: {  	[sflag:s13] =	ssyncset.done $0x0  }
0xb2: {  	[sflag:s13] =	ssyncadd.s32 $0xFFFFE000  }
0xb3: {  	[spmem:s4] =	stream.indirect.scatter.add.f32 [tilespmem:s7], [sflag:$0x6], $0x40, s23, s29, $0xb8;
	[tilespmem:$0x1E340] =	vst v63  }
0xb4: {  	_ =	swait.ge [sflag:s25], $0x2000  }
0xb5: {  	[sflag:s25] =	ssyncset.done $0x0  }
0xb6: {  	[sflag:s25] =	ssyncadd.s32 $0xFFFFE000  }
0xb7: {  	_ =	swait.ge [sflag:s21], $0x2000  }
0xb8: {  	[sflag:s21] =	ssyncset.done $0x0  }
0xb9: {  	[sflag:s21] =	ssyncadd.s32 $0xFFFFE000  }
0xba: {  	[spmem:s4] =	stream.indirect.scatter.add.f32 [tilespmem:s24], [sflag:$0x6], $0x40, s18, s29, $0xb8;
	[tilespmem:$0x1E340] =	vst v63  }
0xbb: {  	_ =	swait.ge [sflag:s25], $0x2000  }
0xbc: {  	[sflag:s25] =	ssyncset.done $0x0  }
0xbd: {  	[sflag:s25] =	ssyncadd.s32 $0xFFFFE000  }
0xbe: {  	_ =	swait.ge [sflag:s9], $0x2000  }
0xbf: {  	[sflag:s9] =	ssyncset.done $0x0  }
0xc0: {  	[sflag:s9] =	ssyncadd.s32 $0xFFFFE000  }
0xc1: {  	[spmem:s4] =	stream.indirect.scatter.add.f32 [tilespmem:s30], [sflag:$0x6], $0x40, s19, s29, $0xb8;
	[tilespmem:$0x1E340] =	vst v63  }
0xc2: {  	_ =	swait.ge [sflag:s25], $0x2000  }
0xc3: {  	[sflag:s25] =	ssyncset.done $0x0  }
0xc4: {  	[sflag:s25] =	ssyncadd.s32 $0xFFFFE000  }
0xc5: {  	_ =	swait.ge [sflag:s12], $0x2000  }
0xc6: {  	[sflag:s12] =	ssyncset.done $0x0  }
.Ltmp2:
0xc7: {  	[sflag:s12] =	ssyncadd.s32 $0xFFFFE000;
	(pc) =	sbr.rel @p1 .LBB2_4-.Ltmp2, $4  }
0xc8: {  	[spmem:s4] =	stream.indirect.scatter.add.f32 [tilespmem:s0], [sflag:$0x6], $0x40, s20, s29, $0xb8;
	[tilespmem:$0x1E340] =	vst v63  }
0xc9: {  	_ =	swait.ge [sflag:s25], $0x2000  }
0xca: {  	[sflag:s25] =	ssyncset.done $0x0  }
0xcb: {  	s5 =	simm.s32 $0x27;
	p2 =	por $0x0, $0x0;
	[sflag:s25] =	ssyncadd.s32 $0xFFFFE000  }
0xcc: {  	s1 =	simm.s32 @!p0 $0x0;
	s5 =	rddreg [dreg:$0xa]  }
0xcd: {  	[tilespmem:s1], [sflag:$0x6] =	stream.linear.gather @!p0 [hbm4b:s5+s1], $0x80, $0x38;
	[tilespmem:$0x1E340] =	vst v63  }
0xce: {  	s5 =	simm.s32 @!p0 $0x6  }
0xcf: {  	_ =	swait.ge @!p0 [sflag:s5], $0x80  }
0xd0: {  	[sflag:s5] =	ssyncset.done @!p0 $0x0  }
0xd1: {  	s28 =	simm.s32 @!p0 $0x1380;
	s10 =	rddreg [dreg:$0xb];
	[sflag:s5] =	ssyncadd.s32 @!p0 $0xFFFFFF80  }
0xd2: {  	[tilespmem:s28], [sflag:$0x6] =	stream.linear.gather @!p0 [hbm4b:s10+s1], $0x80, $0x38;
	[tilespmem:$0x1E340] =	vst v63  }
0xd3: {  	_ =	swait.ge @!p0 [sflag:s5], $0x80  }
0xd4: {  	[sflag:s5] =	ssyncset.done @!p0 $0x0  }
0xd5: {  	s26 =	simm.s32 @!p0 $0x80;
	s10 =	simm.s32 @!p0 $0x2700;
	[sflag:s5] =	ssyncadd.s32 @!p0 $0xFFFFFF80  }
0xd6: {  	[tilespmem:s10], [sflag:$0x1] =	stream.indirect.gather @!p0 [spmem:s3], $0x40, s1, s26, $0xb8;
	[tilespmem:$0x1E340] =	vst v63  }
0xd7: {  	s1 =	simm.s32 @!p0 $0x1  }
0xd8: {  	_ =	swait.ge @!p0 [sflag:s1], $0x2000  }
0xd9: {  	[sflag:s1] =	ssyncset.done @!p0 $0x0  }
0xda: {  	[sflag:s1] =	ssyncadd.s32 @!p0 $0xFFFFE000  }
0xdb: {  	[spmem:s4] =	stream.indirect.scatter.add.f32 @!p0 [tilespmem:s10], [sflag:$0x6], $0x40, s28, s26, $0xb8;
	[tilespmem:$0x1E340] =	vst v63  }
0xdc: {  	_ =	swait.ge @!p0 [sflag:s5], $0x2000  }
0xdd: {  	[sflag:s5] =	ssyncset.done @!p0 $0x0  }
0xde: {  	[sflag:s5] =	ssyncadd.s32 @!p0 $0xFFFFE000  }
0xdf: {  	[bflag:$0x0] =	sbarrier.arrive $0xFFFF  }
0xe0: {  	s5 =	rddreg [dreg:$0x7]  }
0xe1: {  	s31 =	simm.s32 $0x8;
	s28 =	simm.s32 $0x10;
	s10 =	rddreg [dreg:$0x9]  }
0xe2: {  	s26 =	rddreg [dreg:$0xc];
	s1 =	sor.u32 $0x1C06, s5;
	s5 =	sshrl.u32 s10, $0x3  }
0xe3: {  	[hbm:s26@s28], [sflag:s1] =	dma.strided [spmem:s5@s31], $0x1400, s21, $0x8   }
0xe4: {  	_ =	swait.ge [sflag:s25], $0x1400  }
0xe5: {  	s10 =	rddreg [dreg:$0x5]  }
0xe6: {  	s31 =	rddreg [dreg:$0xd];
	s26 =	sadd.s32 $0x1, s10  }
0xe7: {  	p1 =	sne.s32 s26, s31  }
.Ltmp3:
0xe8: {  	_ = 	snop;
	(pc) =	sbr.rel @p1 .LBB2_1-.Ltmp3, $3  }
0xe9: {  	_ =	sdelay $0x1  }
0xea: {  	[sflag:s25] =	ssyncset.done $0x0  }
0xeb: {  	s28 =	simm.s32 $0x1380;
	[sflag:s25] =	ssyncadd.s32 $0xFFFFEC00  }
0xec: {  	_ =	sfence.sel $0x180000  }
0xed: {  	[bflag:$0x0] =	sbarrier.arrive $0xFFFF  }
0xee: {  	_ =	strace $0x9000004D  }
0xef: {  	s0 =	stileid.u32;
	[bflag:$0x2] =	sbarrier.arrive $0xFFFF  }
0xf0: {  	p0 =	sne.s32 s0, $0x0;
	s0 =	rddreg [dreg:$0x4]  }
0xf1: {  	s0 =	sadd.s32 @!p0 $0x100000, s0  }
0xf2: {  	[sflag:s0] =	ssyncadd.tile.s32 @!p0 $0x1;
	_ =	shalt  }
.Lfunc_end2:
_tile_overlayer_lowered:
.L_overlay_start_2:
0xf3: {  	(tag) =	ssettag $0x2  }
0xf4: {  	s0 =	rddreg [dreg:$0x0];
	s2 =	stileid.u32  }
0xf5: {  	s1 =	rddreg [dreg:$0x1];
	p0 =	sne.s32 s2, $0x0  }
0xf6: {  	s3 =	rddreg [dreg:$0x2];
	[bflag:$0x3] =	sbarrier.arrive $0xFFFF;
	s2 =	simm.s32 @!p0 $0x1C06  }
0xf7: {  	[timem:s3], [sflag:s2] =	dma.local @!p0 [hbm:s0], s1  }
0xf8: {  	s0 =	simm.s32 @!p0 $0x6  }
0xf9: {  	_ =	swait.ge @!p0 [sflag:s0], s1  }
0xfa: {  	s1 =	ssub.s32 @!p0 $0x0, s1;
	[sflag:s0] =	ssyncset.done @!p0 $0x0  }
0xfb: {  	[sflag:s0] =	ssyncadd.s32 @!p0 s1  }
0xfc: {  	[bflag:$0x3] =	sbarrier.arrive $0xFFFF  }
0xfd: {  	_ =	shalt  }

// kernel: kernel.9.cloned.1.call-start
scs
__scs_entry_jumppad:
0x0: {  	(pc) =	sbr.rel $0x88, $3  }
0x1: {  	(tag) =	ssettag $0x0;
	lr =	simm.s32 $0x1  }
0x2: {  	[smem:$0x3F9B] =	sst lr;
	_ =	strace $0xD0000000  }
0x3: {  	_ = 	snop  }
0x4: {  	_ = 	snop  }
0x5: {  	_ = 	snop  }
0x6: {  	_ = 	snop  }
0x7: {  	_ = 	snop  }
__scs_overlays_trampoline_lowered:
0x8: {  	[smem:$0x3FAA] =	sst s0  }
0x9: {  	[smem:$0x3FAB] =	sst s1  }
0xa: {  	[smem:$0x3FAC] =	sst s2  }
0xb: {  	[smem:$0x3FAD] =	sst s3  }
0xc: {  	[smem:$0x3FAE] =	sst s4  }
0xd: {  	[smem:$0x3FAF] =	sst s5  }
0xe: {  	[smem:$0x3FB0] =	sst s6  }
0xf: {  	[smem:$0x3FB1] =	sst s7  }
0x10: {  	[smem:$0x3FB2] =	sst s8  }
0x11: {  	[smem:$0x3FB3] =	sst s9;
	s0 =	simm.s32 @!p0 $0x0  }
0x12: {  	s1 =	sld [smem:$0x3F99];
	s0 =	simm.s32 @p0 $0x1  }
0x13: {  	[smem:$0x3FB4] =	sst s0;
	s0 =	simm.s32 @!p1 $0x0  }
0x14: {  	s2 =	sld [smem:$0x3F98];
	s0 =	simm.s32 @p1 $0x1  }
0x15: {  	[smem:$0x3FB5] =	sst s0;
	s0 =	simm.s32 @!p2 $0x0  }
0x16: {  	s3 =	sld [smem:$0x3FDB];
	s0 =	simm.s32 @p2 $0x1  }
0x17: {  	s4 =	simm.s32 $0x1BF5;
	[smem:$0x3FB7] =	sst s0  }
0x18: {  	s0 =	sld [smem:$0x3F9A];
	_ =	swait.ge [sflag:s4], $0x0  }
0x19: {  	s7 =	sld [smem:$0x3F9B]  }
0x1a: {  	s8 =	sadd.s32 $0xFFFFE003, lr  }
0x1b: {  	s9 =	sadd.s32 $0xFFFFFEF7, lr;
	s5 =	simm.s32 $0xFFFFFFFF;
	p2 =	slt.u32 s8, $0xFFFFF086  }
0x1c: {  	p1 =	slt.u32 s9, $0xF7A;
	s5 =	simm.s32 @!p2 $0x0  }
0x1d: {  	s5 =	simm.s32 @p1 $0x1;
	p0 =	seq.s32 s7, s2  }
0x1e: {  	s7 =	smul.u32 @!p0 $0xF7A, s2;
	p2 =	seq.s32 @!p0 s5, $0x0  }
0x1f: {  	s9 =	smul.u32 $0xF7A, s1;
	s8 =	simm.s32 @!p0 $0x1BF5;
	p2 =	por !p2, p0  }
0x20: {  	[sflag:s8] =	ssyncset.s32 @!p0 $0xFFFFF086;
	s6 =	sadd.s32 @!p0 s3, s7;
	s7 =	simm.s32 @!p0 $0x108  }
0x21: {  	s3 =	sadd.s32 s3, s9;
	s6 =	sadd.s32 @!p0 $0x88, s6;
	s7 =	simm.s32 @p2 $0x1082  }
0x22: {  	[simem:s7], [sflag:s8] =	dma.local @!p0 [hbm:s6], $0xF7A  }
0x23: {  	s9 =	sor.u32 $0xD0000000, s2;
	s6 =	simm.s32 $0x108;
	_ =	swait.ge @!p0 [sflag:s8], $0x0  }
0x24: {  	s3 =	sadd.s32 $0x88, s3;
	s6 =	simm.s32 @!p1 $0x1082;
	[sflag:s4] =	ssyncset.s32 $0xFFFFF086  }
0x25: {  	[simem:s6], [sflag:s4] =	dma.local [hbm:s3], $0xF7A  }
0x26: {  	[smem:$0x3F9B] =	sst s1;
	(tag) =	ssettag s2;
	_ =	strace s9  }
0x27: {  	s1 =	sld [smem:$0x3FAB]  }
0x28: {  	s2 =	sld [smem:$0x3FAC]  }
0x29: {  	s4 =	sld [smem:$0x3FAE]  }
0x2a: {  	p0 =	seq.s32 s5, $0x0;
	s5 =	sld [smem:$0x3FAF]  }
0x2b: {  	s6 =	sld [smem:$0x3FB0]  }
0x2c: {  	s7 =	sld [smem:$0x3FB1]  }
0x2d: {  	s3 =	simm.s32 $0x108;
	s8 =	sld [smem:$0x3FB2]  }
0x2e: {  	s3 =	simm.s32 @!p0 $0x1082;
	s9 =	sld [smem:$0x3FB3]  }
0x2f: {  	lr =	sadd.s32 s0, s3;
	s0 =	sld [smem:$0x3FAA]  }
0x30: {  	s3 =	sld [smem:$0x3FAD]  }
0x31: {  	[smem:$0x3FB6] =	sst s10  }
0x32: {  	s10 =	sld [smem:$0x3FB4];
	_ =	sdelay $0x3  }
0x33: {  	p0 =	seq.s32 s10, $0x1;
	s10 =	sld [smem:$0x3FB6];
	_ =	sdelay $0x3  }
0x34: {  	[smem:$0x3FB6] =	sst s10  }
0x35: {  	s10 =	sld [smem:$0x3FB5];
	_ =	sdelay $0x3  }
0x36: {  	p1 =	seq.s32 s10, $0x1;
	s10 =	sld [smem:$0x3FB6];
	_ =	sdelay $0x3  }
0x37: {  	[smem:$0x3FB6] =	sst s10  }
0x38: {  	s10 =	sld [smem:$0x3FB7]  }
0x39: {  	_ = 	snop;
	(pc) =	sbr.ind lr, $3  }
0x3a: {  	_ = 	snop  }
0x3b: {  	_ = 	snop  }
0x3c: {  	p2 =	seq.s32 s10, $0x1;
	s10 =	sld [smem:$0x3FB6]  }
0x3d: {  	_ =	shalt  }
0x3e: {  	_ =	shalt  }
0x3f: {  	_ =	shalt  }
0x40: {  	_ =	shalt  }
0x41: {  	_ =	shalt  }
0x42: {  	_ =	shalt  }
0x43: {  	_ =	shalt  }
0x44: {  	_ =	shalt  }
0x45: {  	_ =	shalt  }
0x46: {  	_ =	shalt  }
0x47: {  	_ =	shalt  }
0x48: {  	_ =	shalt  }
0x49: {  	_ =	shalt  }
0x4a: {  	_ =	shalt  }
0x4b: {  	_ =	shalt  }
0x4c: {  	_ =	shalt  }
0x4d: {  	_ =	shalt  }
0x4e: {  	_ =	shalt  }
0x4f: {  	_ =	shalt  }
0x50: {  	_ =	shalt  }
0x51: {  	_ =	shalt  }
0x52: {  	_ =	shalt  }
0x53: {  	_ =	shalt  }
0x54: {  	_ =	shalt  }
0x55: {  	_ =	shalt  }
0x56: {  	_ =	shalt  }
0x57: {  	_ =	shalt  }
0x58: {  	_ =	shalt  }
0x59: {  	_ =	shalt  }
0x5a: {  	_ =	shalt  }
0x5b: {  	_ =	shalt  }
0x5c: {  	_ =	shalt  }
0x5d: {  	_ =	shalt  }
0x5e: {  	_ =	shalt  }
0x5f: {  	_ =	shalt  }
0x60: {  	_ =	shalt  }
0x61: {  	_ =	shalt  }
0x62: {  	_ =	shalt  }
0x63: {  	_ =	shalt  }
0x64: {  	_ =	shalt  }
0x65: {  	_ =	shalt  }
0x66: {  	_ =	shalt  }
0x67: {  	_ =	shalt  }
0x68: {  	_ =	shalt  }
0x69: {  	_ =	shalt  }
0x6a: {  	_ =	shalt  }
0x6b: {  	_ =	shalt  }
0x6c: {  	_ =	shalt  }
0x6d: {  	_ =	shalt  }
0x6e: {  	_ =	shalt  }
0x6f: {  	_ =	shalt  }
0x70: {  	_ =	shalt  }
0x71: {  	_ =	shalt  }
0x72: {  	_ =	shalt  }
0x73: {  	_ =	shalt  }
0x74: {  	_ =	shalt  }
0x75: {  	_ =	shalt  }
0x76: {  	_ =	shalt  }
0x77: {  	_ =	shalt  }
0x78: {  	_ =	shalt  }
0x79: {  	_ =	shalt  }
0x7a: {  	_ =	shalt  }
0x7b: {  	_ =	shalt  }
0x7c: {  	_ =	shalt  }
0x7d: {  	_ =	shalt  }
0x7e: {  	_ =	shalt  }
0x7f: {  	_ =	shalt  }
0x80: {  	_ =	shalt  }
0x81: {  	_ =	shalt  }
0x82: {  	_ =	shalt  }
0x83: {  	_ =	shalt  }
0x84: {  	_ =	shalt  }
0x85: {  	_ =	shalt  }
0x86: {  	_ =	shalt  }
0x87: {  	_ =	shalt  }
.Lfunc_end0:
.L_simem_size_0:
called_computation_lowered:
.L_overlay_start_0:
0x88: {  	s2 =	sld [smem:$0x3FD9]  }
0x89: {  	s3 =	sld [smem:$0x3FFE];
	_ =	sdelay $0x1  }
0x8a: {  	s1 =	srdreg.scid  }
0x8b: {  	s0 =	sand.u32 $0x1, s1  }
0x8c: {  	s17 =	sshll.u32 s0, $0xA;
	s2 =	sadd.s32 s3, s2  }
0x8d: {  	s2 =	sadd.s32 s2, s17  }
0x8e: {  	[smem:$0x3FC2] =	sst s2  }
0x8f: {  	_ = 	snop  }
0x90: {  	s2 =	sld [smem:$0x3FD0];
	(tm) =	ssettm $0x1  }
0x91: {  	s18 =	sld [smem:$0x3FFB];
	_ =	sdelay $0x3  }
0x92: {  	_ =	strace s18  }
0x93: {  	s3 =	sld [smem:$0x3FFC];
	_ =	sdelay $0x3  }
0x94: {  	_ =	strace s3  }
0x95: {  	s3 =	sld [smem:$0x3FFD];
	_ =	sdelay $0x3  }
0x96: {  	_ =	strace s3  }
0x97: {  	_ =	strace $0x8FFFFFFF  }
0x98: {  	s19 =	sld [smem:$0x3FDB];
	_ =	sdelay $0x1  }
0x99: {  	s4 =	simm.s32 $_scs_section_size  }
0x9a: {  	s5 =	simm.s32 $_size__tile_overlayer_lowered;
	s6 =	simm.s32 $_tile_overlayer_lowered  }
0x9b: {  	s22 =	simm.s32 $0x1BFF;
	s21 =	sshll.u32 s6, $0x1;
	s3 =	sadd.s32 s4, s19  }
0x9c: {  	s7 =	simm.s32 $0x0;
	s20 =	sshll.u32 s5, $0x1;
	s5 =	sadd.s32 s21, s3  }
0x9d: {  	[timem:s7], [sflag:s22] =	dma.local [hbm:s5], s20  }
0x9e: {  	_ =	swait.ge [sflag:s22], s20  }
0x9f: {  	s4 =	ssub.s32 $0x0, s20;
	[sflag:s22] =	ssyncset.done $0x0  }
0xa0: {  	[sflag:s22] =	ssyncadd.s32 s4;
	_ =	sdelay $0x1  }
0xa1: {  	s23 =	simm.s32 $0x1B8B  }
0xa2: {  	_ =	swait.ge [sflag:s23], $0x1  }
0xa3: {  	[sflag:s23] =	ssyncset.done $0x0  }
0xa4: {  	s25 =	simm.s32 $0x1B8E;
	s24 =	sld [smem:$0x3FFE];
	[sflag:s23] =	ssyncadd.s32 $0xFFFFFFFF  }
0xa5: {  	s26 =	simm.s32 $execute0_lowered;
	[smem:$0x3FD2] =	sst s25  }
0xa6: {  	s5 =	sshll.u32 s26, $0x1;
	_ =	strace $0x80000046;
	[dreg:$0x1] =	wrdreg $0xFFFFFFFF  }
0xa7: {  	s28 =	simm.s32 $_size_execute0_lowered;
	s3 =	sadd.s32 s3, s5;
	[dreg:$0x0] =	wrdreg $0x0  }
0xa8: {  	s5 =	sshll.u32 s28, $0x1;
	[dreg:$0x2] =	wrdreg s3  }
0xa9: {  	[dreg:$0x3] =	wrdreg s5  }
0xaa: {  	[dreg:$0x4] =	wrdreg $0xC0  }
0xab: {  	_ =	task [dreg:s7], $0x5FFFF  }
0xac: {  	[dreg:$0x1] =	wrdreg $0xFFFFFFFF  }
0xad: {  	[dreg:$0x0] =	wrdreg $0x60  }
0xae: {  	[dreg:$0x2] =	wrdreg s2  }
0xaf: {  	[dreg:$0x3] =	wrdreg s24  }
0xb0: {  	[dreg:$0x4] =	wrdreg $0x37800  }
0xb1: {  	[dreg:$0x5] =	wrdreg $0x9  }
0xb2: {  	_ =	task.clear_ibuf [dreg:s7], $0x6FFFF;
	_ =	strace $0x90000046  }
0xb3: {  	s29 =	simm.s32 $0x9;
	_ =	strace $0x80000048  }
0xb4: {  	_ =	swait.ge [sflag:s29], $0x1  }
0xb5: {  	[sflag:s29] =	ssyncadd.s32 $0xFFFFFFFF  }
0xb6: {  	_ =	strace $0x90000048  }
0xb7: {  	_ =	sfence  }
0xb8: {  	s30 =	sld [smem:$0x0];
	_ =	sdelay $0x2  }
0xb9: {  	s31 =	sshll.u32 s1, $0xD;
	s1 =	sshrl.u32 s1, $0x2  }
0xba: {  	s3 =	sand.u32 $0x4000, s31;
	s1 =	sadd.s32 s1, s30  }
0xbb: {  	s0 =	sor.u32 s3, s0;
	s1 =	sshll.u32 s1, $0x11  }
0xbc: {  	s0 =	sor.u32 s1, s0  }
0xbd: {  	s0 =	sadd.s32 $0x8F2B, s0  }
0xbe: {  	[sflag:s0] =	ssyncadd.remote.s32 $0x1  }
0xbf: {  	_ =	sfence.sel $0xFFFF  }
0xc0: {  	[dreg:$0x0] =	wrdreg $0xFFFFFFFF;
	(pc) =	sbr.abs _section_cstart, $3  }
0xc1: {  	[dreg:$0x1] =	wrdreg $0xFFFFFFFF  }
0xc2: {  	_ =	task.clear_ibuf [dreg:s7], $0x2FFFF;
	_ =	strace $0x9FFFFFFF  }
0xc3: {  	(tm) =	ssettm $0x7FFFFFFF  }
tec
execute0_lowered:
.L_overlay_start_1:
0x0: {  	(tag) =	ssettag $0x1  }
0x1: {  	s5 =	rddreg [dreg:$0x0]  }
0x2: {  	s4 =	rddreg [dreg:$0x1]  }
0x3: {  	s2 =	rddreg [dreg:$0x2];
	s1 =	srdreg.scid  }
0x4: {  	s0 =	rddreg [dreg:$0x3];
	s3 =	simm.s32 $0x0;
	s14 =	simm.s32 $0x1  }
0x5: {  	s15 =	simm.s32 $0x80;
	s16 =	simm.s32 $0x2780;
	s6 =	sand.u32 $0x1, s1  }
0x6: {  	s19 =	simm.s32 $0x0;
	s1 =	stileid.u32;
	s7 =	smul.u32 $0x28000, s6  }
0x7: {  	[smem:$0x7FF] =	sst s3;
	s8 =	smul.u32 $0x2800, s1;
	s9 =	sshll.u32 s6, $0x4  }
0x8: {  	_ =	strace $0x80000047;
	s11 =	smul.u32 $0xA000, s1;
	s28 =	ssub.s32 $0x2, s6  }
0x9: {  	s17 =	sshll.u32 s1, $0x6;
	s13 =	sor.u32 s1, s9;
	s30 =	sshrl.u32 s28, $0x1  }
0xa: {  	s17 =	sor.u32 $0x1C01, s17;
	s7 =	sadd.s32 s8, s7;
	s9 =	smul.u32 $0x4E, s13  }
0xb: {  	s10 =	smin.u32 s13, $0x4;
	s31 =	sshrl.u32 s11, $0x2;
	s18 =	sadd.s32 s8, s2  }
0xc: {  	p0 =	sgt.u32 s13, $0x3;
	s13 =	simm.s32 $0x2F80;
	s7 =	sshrl.u32 s7, $0x3  }
0xd: {  	s18 =	sshrl.u32 s18, $0x3;
	s7 =	sadd.s32 s7, s4;
	s29 =	sadd.s32 s10, s9  }
0xe: {  	s9 =	ssub.s32 s28, s30;
	s4 =	sadd.s32 s31, s2;
	s6 =	sshll.u32 s29, $0x4  }
0xf: {  	s7 =	sadd.s32 $0x2800, s7;
	s8 =	smax.u32 s9, $0x1;
	s9 =	sadd.s32 $0x800, s4  }
0x10: {  	s10 =	sadd.s32 $0x1000, s4;
	s11 =	sadd.s32 $0x1800, s4;
	s6 =	sadd.s32 s5, s6  }
0x11: {  	v0 =	vimm.f32 $1.000000000e+00;
	v1 =	vimm.f32 $0.0e+00;
	s12 =	sadd.s32 $0x2000, s4;
	s5 =	sadd.s32 $0x9C40, s6;
	s6 =	sadd.s32 $0xA120, s6  }
.LBB2_1:
0x12: {  	s20 =	simm.s32 $0x40;
	s21 =	simm.s32 $0x0  }
.LBB2_2:
0x13: {  	p1 =	sne.s32 s20, $0x1FC0;
	[tilespmem:s21+$0x2780] =	vst v0;
	s22 =	smov.u32 s20;
	s20 =	sadd.s32 $0x40, s20  }
.Ltmp0:
0x14: {  	[tilespmem:s21+$0x2F80] =	vst v1;
	(pc) =	sbr.rel @p1 .LBB2_2-.Ltmp0, $2  }
0x15: {  	_ =	sdelay $0x2  }
0x16: {  	s21 =	sshra.s32 s22, $0x2  }
0x17: {  	[tilespmem:s21+$0x2780] =	vst v0  }
0x18: {  	[tilespmem:s21+$0x2F80] =	vst v1  }
0x19: {  	[spmem:s4] =	stream.linear.scatter [tilespmem:s13], [sflag:$0x1], $0x800, $0x38;
	[tilespmem:$0x5F80] =	vst v63  }
0x1a: {  	_ =	swait.ge [sflag:s14], $0x800  }
0x1b: {  	[sflag:s14] =	ssyncset.done $0x0  }
0x1c: {  	[sflag:s14] =	ssyncadd.s32 $0xFFFFF800  }
0x1d: {  	[spmem:s9] =	stream.linear.scatter [tilespmem:s13], [sflag:$0x1], $0x800, $0x38;
	[tilespmem:$0x5F80] =	vst v63  }
0x1e: {  	_ =	swait.ge [sflag:s14], $0x800  }
0x1f: {  	[sflag:s14] =	ssyncset.done $0x0  }
0x20: {  	[sflag:s14] =	ssyncadd.s32 $0xFFFFF800  }
0x21: {  	[spmem:s10] =	stream.linear.scatter [tilespmem:s13], [sflag:$0x1], $0x800, $0x38;
	[tilespmem:$0x5F80] =	vst v63  }
0x22: {  	_ =	swait.ge [sflag:s14], $0x800  }
0x23: {  	[sflag:s14] =	ssyncset.done $0x0  }
0x24: {  	[sflag:s14] =	ssyncadd.s32 $0xFFFFF800  }
0x25: {  	[spmem:s11] =	stream.linear.scatter [tilespmem:s13], [sflag:$0x1], $0x800, $0x38;
	[tilespmem:$0x5F80] =	vst v63  }
0x26: {  	_ =	swait.ge [sflag:s14], $0x800  }
0x27: {  	[sflag:s14] =	ssyncset.done $0x0  }
0x28: {  	[sflag:s14] =	ssyncadd.s32 $0xFFFFF800  }
0x29: {  	[spmem:s12] =	stream.linear.scatter [tilespmem:s13], [sflag:$0x1], $0x800, $0x38;
	[tilespmem:$0x5F80] =	vst v63  }
0x2a: {  	_ =	swait.ge [sflag:s14], $0x800  }
0x2b: {  	[sflag:s14] =	ssyncset.done $0x0  }
0x2c: {  	[sflag:s14] =	ssyncadd.s32 $0xFFFFF800  }
0x2d: {  	[tilespmem:s3], [sflag:$0x1] =	stream.linear.gather [hbm4b:s5+s3], $0x2700, $0x38;
	[tilespmem:$0x5F80] =	vst v63  }
0x2e: {  	_ =	swait.ge [sflag:s14], $0x2700  }
0x2f: {  	[sflag:s14] =	ssyncset.done $0x0  }
0x30: {  	s20 =	simm.s32 @!p0 $0x0;
	s21 =	simm.s32 @!p0 $0x2700;
	[sflag:s14] =	ssyncadd.s32 $0xFFFFD900  }
0x31: {  	[tilespmem:s21], [sflag:$0x1] =	stream.linear.gather @!p0 [hbm4b:s6+s20], $0x80, $0x38;
	[tilespmem:$0x5F80] =	vst v63  }
0x32: {  	s20 =	simm.s32 @!p0 $0x1  }
0x33: {  	_ =	swait.ge @!p0 [sflag:s20], $0x80  }
0x34: {  	[sflag:s20] =	ssyncset.done @!p0 $0x0  }
0x35: {  	[sflag:s20] =	ssyncadd.s32 @!p0 $0xFFFFFF80  }
0x36: {  	s31 =	simm.s32 $0x0;
	[bflag:$0x0] =	sbarrier.arrive $0xFFFF  }
0x37: {  	[spmem:s2] =	stream.indirect.scatter.add.f32 [tilespmem:s16], [sflag:$0x1], $0x10, s31, s15, $0xb8;
	[tilespmem:$0x5F80] =	vst v63  }
0x38: {  	_ =	swait.ge [sflag:s14], $0x800  }
0x39: {  	s20 =	simm.s32 $0x200;
	[sflag:s14] =	ssyncset.done $0x0  }
.LBB2_4:
0x3a: {  	s21 =	sshra.s32 s20, $0x2;
	[sflag:s14] =	ssyncadd.s32 $0xFFFFF800;
	p1 =	sne.s32 s20, $0x9A00  }
0x3b: {  	[spmem:s2] =	stream.indirect.scatter.add.f32 [tilespmem:s16], [sflag:$0x1], $0x10, s21, s15, $0xb8;
	[tilespmem:$0x5F80] =	vst v63  }
.Ltmp1:
0x3c: {  	_ = 	snop;
	(pc) =	sbr.rel @p1 .LBB2_4-.Ltmp1, $4  }
0x3d: {  	_ = 	snop  }
0x3e: {  	s20 =	sadd.s32 $0x200, s20  }
0x3f: {  	_ =	swait.ge [sflag:s14], $0x800  }
0x40: {  	[sflag:s14] =	ssyncset.done $0x0  }
0x41: {  	[sflag:s14] =	ssyncadd.s32 $0xFFFFF800  }
0x42: {  	s20 =	simm.s32 @!p0 $0x80;
	s21 =	simm.s32 @!p0 $0x2700;
	s22 =	simm.s32 @!p0 $0x2780  }
0x43: {  	[spmem:s2] =	stream.indirect.scatter.add.f32 @!p0 [tilespmem:s22], [sflag:$0x1], $0x10, s21, s20, $0xb8;
	[tilespmem:$0x5F80] =	vst v63  }
0x44: {  	s20 =	simm.s32 @!p0 $0x1  }
0x45: {  	_ =	swait.ge @!p0 [sflag:s20], $0x800  }
0x46: {  	s19 =	sadd.s32 $0x1, s19;
	[sflag:s20] =	ssyncset.done @!p0 $0x0  }
0x47: {  	p1 =	sne.s32 s19, s8;
	[sflag:s20] =	ssyncadd.s32 @!p0 $0xFFFFF800  }
.Ltmp2:
0x48: {  	[bflag:$0x0] =	sbarrier.arrive $0xFFFF;
	(pc) =	sbr.rel @p1 .LBB2_1-.Ltmp2, $4  }
0x49: {  	[hbm:s7], [sflag:s17] =	dma.local [spmem:s18], $0x500  }
0x4a: {  	_ =	swait.ge [sflag:s14], $0x500  }
0x4b: {  	[sflag:s14] =	ssyncset.done $0x0  }
0x4c: {  	[sflag:s14] =	ssyncadd.s32 $0xFFFFFB00  }
0x4d: {  	_ =	sfence.sel $0x180000  }
0x4e: {  	[bflag:$0x0] =	sbarrier.arrive $0xFFFF  }
0x4f: {  	p0 =	sne.s32 s1, $0x0;
	_ =	strace $0x90000047  }
0x50: {  	s0 =	sadd.s32 @!p0 $0x100000, s0;
	[bflag:$0x2] =	sbarrier.arrive $0xFFFF  }
0x51: {  	[sflag:s0] =	ssyncadd.tile.s32 @!p0 $0x1;
	_ =	shalt  }
.Lfunc_end2:
_tile_overlayer_lowered:
.L_overlay_start_2:
0x52: {  	(tag) =	ssettag $0x2  }
0x53: {  	s0 =	rddreg [dreg:$0x0];
	s2 =	stileid.u32  }
0x54: {  	s1 =	rddreg [dreg:$0x1];
	p0 =	sne.s32 s2, $0x0  }
0x55: {  	s3 =	rddreg [dreg:$0x2];
	[bflag:$0x3] =	sbarrier.arrive $0xFFFF;
	s2 =	simm.s32 @!p0 $0x1C01  }
0x56: {  	[timem:s3], [sflag:s2] =	dma.local @!p0 [hbm:s0], s1  }
0x57: {  	s0 =	simm.s32 @!p0 $0x1  }
0x58: {  	_ =	swait.ge @!p0 [sflag:s0], s1  }
0x59: {  	s1 =	ssub.s32 @!p0 $0x0, s1;
	[sflag:s0] =	ssyncset.done @!p0 $0x0  }
0x5a: {  	[sflag:s0] =	ssyncadd.s32 @!p0 s1  }
0x5b: {  	[bflag:$0x3] =	sbarrier.arrive $0xFFFF  }
0x5c: {  	_ =	shalt  }

</sc_bundles>
